<compile_context>
chip_gen: v7x
topology: tpu7x:2x2x1
jax: 0.10.2.dev20260603
libtpu: 0.0.44.dev20260713+nightly
codegen_flags: <defaults>
</compile_context>

<pallas_src>
import functools

import jax
import jax.numpy as jnp
from jax import lax
from jax.experimental import pallas as pl
from jax.experimental.pallas import tpu as pltpu
from jax.experimental.pallas import tpu_sc as plsc

_N = 10000
_E = 160000
_D_IN = 256
_D_H = 128
_D_OUT = 64
_HEADS = 4
_HD = _D_H // _HEADS
_NPAD = 10240
_BLK = 256
_GRID = _NPAD // _BLK

_NCORES = 2
_NSUB = 16
_NTILES = _NCORES * _NSUB
_EPT = _E // _NTILES
_CHUNK = 128
_NFULL = _EPT // _CHUNK
_TAIL = _EPT - _NFULL * _CHUNK
_RPT = _NPAD // _NSUB


@functools.lru_cache(maxsize=None)
def _make_edge_agg(with_deg):
  mesh = plsc.VectorSubcoreMesh(core_axis_name="c", subcore_axis_name="s")

  psum_type = jax.ShapeDtypeStruct((_NCORES, _NPAD, _D_H), jnp.float32)
  out_type = [psum_type] if with_deg else psum_type
  scratch = [
      pltpu.VMEM((_CHUNK,), jnp.int32),
      pltpu.VMEM((_CHUNK,), jnp.int32),
      pltpu.VMEM((_TAIL,), jnp.int32),
      pltpu.VMEM((_TAIL,), jnp.int32),
      pltpu.VMEM((16,), jnp.int32),
      pltpu.VMEM((_CHUNK, _D_H), jnp.float32),
      pltpu.VMEM((_TAIL, _D_H), jnp.float32),
      pltpu.VMEM_SHARED((_NPAD, _D_H), jnp.float32),
      pltpu.SemaphoreType.DMA,
  ]
  if with_deg:
    out_type.append(jax.ShapeDtypeStruct((_NTILES, _NPAD), jnp.float32))
    scratch.insert(-1, pltpu.VMEM((_NPAD,), jnp.float32))

  @functools.partial(
      pl.kernel, mesh=mesh, out_type=out_type, scratch_types=scratch,
      compiler_params=pltpu.CompilerParams(needs_layout_passes=False))
  def agg(table_hbm, src_hbm, dst_hbm, zeros_hbm, *refs):
    if with_deg:
      (out_hbm, outd_hbm, sidx, didx, sidx_t, didx_t, didx16,
       rows, rows_t, acc, deg, sem) = refs
    else:
      (out_hbm, sidx, didx, sidx_t, didx_t, didx16,
       rows, rows_t, acc, sem) = refs
      deg = None
    c = lax.axis_index("c")
    s = lax.axis_index("s")
    gid = c * _NSUB + s

    ones16 = jnp.ones((16,), jnp.float32)
    zero16 = jnp.zeros((16,), jnp.float32)

    pltpu.sync_copy(zeros_hbm, rows)
    for j in range(_RPT // _CHUNK):
      r0 = pl.multiple_of(s * _RPT + j * _CHUNK, 8)
      pltpu.sync_copy(rows, acc.at[pl.ds(r0, _CHUNK)])
    if with_deg:
      def zbody(i, carry):
        deg[pl.ds(pl.multiple_of(i * 16, 16), 16)] = zero16
        return carry
      lax.fori_loop(0, _NPAD // 16, zbody, 0)
    plsc.subcore_barrier()

    ebase = gid * _EPT

    def body(i, carry):
      b = pl.multiple_of(ebase + i * _CHUNK, 8)
      pltpu.sync_copy(src_hbm.at[pl.ds(b, _CHUNK)], sidx)
      pltpu.sync_copy(dst_hbm.at[pl.ds(b, _CHUNK)], didx)
      gath = pltpu.async_copy(table_hbm.at[sidx], rows, sem)
      if with_deg:
        for j in range(_CHUNK // 16):
          idx16 = didx[pl.ds(j * 16, 16)]
          plsc.addupdate_scatter(deg, [idx16], ones16)
      gath.wait()
      pltpu.sync_copy(rows, acc.at[didx], add=True)
      return carry

    lax.fori_loop(0, _NFULL, body, 0)

    bt = pl.multiple_of(ebase + _NFULL * _CHUNK, 8)
    pltpu.sync_copy(src_hbm.at[pl.ds(bt, _TAIL)], sidx_t)
    pltpu.sync_copy(dst_hbm.at[pl.ds(bt, _TAIL)], didx_t)
    gath = pltpu.async_copy(table_hbm.at[sidx_t], rows_t, sem)
    if with_deg:
      b16 = pl.multiple_of(ebase + _EPT - 16, 8)
      pltpu.sync_copy(dst_hbm.at[pl.ds(b16, 16)], didx16)
      lane = lax.broadcasted_iota(jnp.int32, (16,), 0)
      mask = lane >= (16 - _TAIL)
      plsc.addupdate_scatter(deg, [didx16[...]], ones16, mask=mask)
    gath.wait()
    pltpu.sync_copy(rows_t, acc.at[didx_t], add=True)

    plsc.subcore_barrier()

    for j in range(_RPT // _CHUNK):
      r0 = pl.multiple_of(s * _RPT + j * _CHUNK, 8)
      pltpu.sync_copy(acc.at[pl.ds(r0, _CHUNK)], rows)
      pltpu.sync_copy(rows, out_hbm.at[c, pl.ds(r0, _CHUNK)])
    if with_deg:
      pltpu.sync_copy(deg, outd_hbm.at[gid])

  return agg


def _ln(x, g, b, eps=1e-5):
  m = jnp.mean(x, axis=-1, keepdims=True)
  v = jnp.mean((x - m) * (x - m), axis=-1, keepdims=True)
  return (x - m) / jnp.sqrt(v + eps) * g + b


def _dot(a, b):
  return jnp.dot(a, b, preferred_element_type=jnp.float32)


def _dot_t(a, b):
  return lax.dot_general(a, b, (((1,), (1,)), ((), ())),
                         preferred_element_type=jnp.float32)


def _pre_body(x_ref, w1n_ref, w1s_ref, b1_ref, table_ref, xs_ref):
  xb = x_ref[...]
  table_ref[...] = _dot(xb, w1n_ref[...])
  xs_ref[...] = _dot(xb, w1s_ref[...]) + b1_ref[...]


def _mid_body(xs_ref, p_ref, degp_ref, mem_ref, wqm_ref, wkin_ref, wvin_ref,
              gm_ref, bm_ref, h_ref, deg_ref, memnew_ref):
  sums = p_ref[0] + p_ref[1]
  deg = jnp.maximum(jnp.sum(degp_ref[...], axis=0), 1.0)
  h = jnp.maximum(xs_ref[...] + sums / deg[:, None], 0.0)
  h_ref[...] = h
  deg_ref[...] = deg

  qm = _dot(mem_ref[...], wqm_ref[...])
  k = _dot(h, wkin_ref[...])
  v = _dot(h, wvin_ref[...])
  scale = 1.0 / jnp.sqrt(jnp.float32(_HD))
  outs = []
  for hh in range(_HEADS):
    sl = slice(hh * _HD, (hh + 1) * _HD)
    sc = _dot_t(qm[:, sl], k[:, sl]) * scale
    key_id = lax.broadcasted_iota(jnp.int32, sc.shape, 1)
    sc = jnp.where(key_id < _N, sc, -1e30)
    m = jnp.max(sc, axis=-1, keepdims=True)
    e = jnp.exp(sc - m)
    p = e / jnp.sum(e, axis=-1, keepdims=True)
    outs.append(_dot(p, v[:, sl]))
  upd = jnp.concatenate(outs, axis=1)
  memnew_ref[...] = _ln(mem_ref[...] + upd, gm_ref[...], bm_ref[...])


def _post_body(h_ref, memnew_ref, wqt_ref, wkm_ref, wvm_ref, wo_ref, bo_ref,
               ga_ref, ba_ref, f1_ref, bf1_ref, f2_ref, bf2_ref,
               gf_ref, bf_ref, go_ref, bout_ref,
               w2sa_ref, w2sb_ref, w2na_ref, w2nb_ref, b2_ref,
               n2t_ref, selfp_ref):
  h = h_ref[...]
  mn = memnew_ref[...]
  q = _dot(h, wqt_ref[...])
  km = _dot(mn, wkm_ref[...])
  vm = _dot(mn, wvm_ref[...])
  scale = 1.0 / jnp.sqrt(jnp.float32(_HD))
  outs = []
  for hh in range(_HEADS):
    sl = slice(hh * _HD, (hh + 1) * _HD)
    sc = _dot_t(q[:, sl], km[:, sl]) * scale
    m = jnp.max(sc, axis=-1, keepdims=True)
    e = jnp.exp(sc - m)
    p = e / jnp.sum(e, axis=-1, keepdims=True)
    outs.append(_dot(p, vm[:, sl]))
  attn = _dot(jnp.concatenate(outs, axis=1), wo_ref[...]) + bo_ref[...]
  h1 = _ln(h + attn, ga_ref[...], ba_ref[...])
  ffn = _dot(jnp.maximum(_dot(h1, f1_ref[...]) + bf1_ref[...], 0.0),
             f2_ref[...]) + bf2_ref[...]
  xgw = _ln(h1 + ffn, gf_ref[...], bf_ref[...])
  hln = _ln(h, go_ref[...], bout_ref[...])
  n2 = _dot(hln, w2na_ref[...]) + _dot(xgw, w2nb_ref[...])
  n2t_ref[...] = jnp.concatenate([n2, jnp.zeros_like(n2)], axis=1)
  selfp_ref[...] = (_dot(hln, w2sa_ref[...]) + _dot(xgw, w2sb_ref[...])
                    + b2_ref[...])


def _final_body(selfp_ref, p2_ref, deg_ref, out_ref):
  n2 = (p2_ref[0, :, :_D_OUT] + p2_ref[1, :, :_D_OUT]) / deg_ref[...][:, None]
  logits = selfp_ref[...] + n2
  m = jnp.max(logits, axis=-1, keepdims=True)
  lse = jnp.log(jnp.sum(jnp.exp(logits - m), axis=-1, keepdims=True))
  out_ref[...] = logits - m - lse


def kernel(x, edge_index, W1_self, W1_neigh, b1, memory, Wq_m, Wk_in, Wv_in,
           Wq_t, Wk_m, Wv_m, Wo, bo, g_mem, b_mem, g_attn, b_attn,
           fc1, bfc1, fc2, bfc2, g_ffn, b_ffn, g_out, b_out,
           W2_self, W2_neigh, b2):
  x_pad = jnp.pad(x, ((0, _NPAD - _N), (0, 0)))
  src = edge_index[0].astype(jnp.int32)
  dst = edge_index[1].astype(jnp.int32)
  zeros_chunk = jnp.zeros((_CHUNK, _D_H), jnp.float32)

  table1, xs = pl.pallas_call(
      _pre_body,
      grid=(_GRID,),
      in_specs=[
          pl.BlockSpec((_BLK, _D_IN), lambda i: (i, 0)),
          pl.BlockSpec((_D_IN, _D_H), lambda i: (0, 0)),
          pl.BlockSpec((_D_IN, _D_H), lambda i: (0, 0)),
          pl.BlockSpec((_D_H,), lambda i: (0,)),
      ],
      out_specs=[
          pl.BlockSpec((_BLK, _D_H), lambda i: (i, 0)),
          pl.BlockSpec((_BLK, _D_H), lambda i: (i, 0)),
      ],
      out_shape=[
          jax.ShapeDtypeStruct((_NPAD, _D_H), jnp.float32),
          jax.ShapeDtypeStruct((_NPAD, _D_H), jnp.float32),
      ],
  )(x_pad, W1_neigh, W1_self, b1)

  partials1, deg_parts = _make_edge_agg(True)(table1, src, dst, zeros_chunk)

  h, deg, mem_new = pl.pallas_call(
      _mid_body,
      out_shape=[
          jax.ShapeDtypeStruct((_NPAD, _D_H), jnp.float32),
          jax.ShapeDtypeStruct((_NPAD,), jnp.float32),
          jax.ShapeDtypeStruct((8, _D_H), jnp.float32),
      ],
  )(xs, partials1, deg_parts, memory, Wq_m, Wk_in, Wv_in, g_mem, b_mem)

  n2table, selfpart = pl.pallas_call(
      _post_body,
      grid=(_GRID,),
      in_specs=[
          pl.BlockSpec((_BLK, _D_H), lambda i: (i, 0)),
          pl.BlockSpec((8, _D_H), lambda i: (0, 0)),
          pl.BlockSpec((_D_H, _D_H), lambda i: (0, 0)),
          pl.BlockSpec((_D_H, _D_H), lambda i: (0, 0)),
          pl.BlockSpec((_D_H, _D_H), lambda i: (0, 0)),
          pl.BlockSpec((_D_H, _D_H), lambda i: (0, 0)),
          pl.BlockSpec((_D_H,), lambda i: (0,)),
          pl.BlockSpec((_D_H,), lambda i: (0,)),
          pl.BlockSpec((_D_H,), lambda i: (0,)),
          pl.BlockSpec((_D_H, 256), lambda i: (0, 0)),
          pl.BlockSpec((256,), lambda i: (0,)),
          pl.BlockSpec((256, _D_H), lambda i: (0, 0)),
          pl.BlockSpec((_D_H,), lambda i: (0,)),
          pl.BlockSpec((_D_H,), lambda i: (0,)),
          pl.BlockSpec((_D_H,), lambda i: (0,)),
          pl.BlockSpec((_D_H,), lambda i: (0,)),
          pl.BlockSpec((_D_H,), lambda i: (0,)),
          pl.BlockSpec((_D_H, _D_OUT), lambda i: (0, 0)),
          pl.BlockSpec((_D_H, _D_OUT), lambda i: (0, 0)),
          pl.BlockSpec((_D_H, _D_OUT), lambda i: (0, 0)),
          pl.BlockSpec((_D_H, _D_OUT), lambda i: (0, 0)),
          pl.BlockSpec((_D_OUT,), lambda i: (0,)),
      ],
      out_specs=[
          pl.BlockSpec((_BLK, _D_H), lambda i: (i, 0)),
          pl.BlockSpec((_BLK, _D_OUT), lambda i: (i, 0)),
      ],
      out_shape=[
          jax.ShapeDtypeStruct((_NPAD, _D_H), jnp.float32),
          jax.ShapeDtypeStruct((_NPAD, _D_OUT), jnp.float32),
      ],
  )(h, mem_new, Wq_t, Wk_m, Wv_m, Wo, bo, g_attn, b_attn,
    fc1, bfc1, fc2, bfc2, g_ffn, b_ffn, g_out, b_out,
    W2_self[:_D_H], W2_self[_D_H:], W2_neigh[:_D_H], W2_neigh[_D_H:], b2)

  partials2 = _make_edge_agg(False)(n2table, src, dst, zeros_chunk)

  out = pl.pallas_call(
      _final_body,
      grid=(_GRID,),
      in_specs=[
          pl.BlockSpec((_BLK, _D_OUT), lambda i: (i, 0)),
          pl.BlockSpec((_NCORES, _BLK, _D_H), lambda i: (0, i, 0)),
          pl.BlockSpec((_BLK,), lambda i: (i,)),
      ],
      out_specs=pl.BlockSpec((_BLK, _D_OUT), lambda i: (i, 0)),
      out_shape=jax.ShapeDtypeStruct((_NPAD, _D_OUT), jnp.float32),
  )(selfpart, partials2, deg)

  return out[:_N]

# --- scband reference (transcript-rebuilt; emitter-appended) ---
"""Pipeline reference for scband-hub-gnn-39496519254259 (READ-ONLY COPY).

The authoritative reference and input builder live on the scoring server;
editing this copy changes nothing except your own understanding.
"""

import jax, jax.numpy as jnp
import numpy as np

N = 10000
E = 160000
D_IN = 256
D_H = 128
D_OUT = 64
N_HEADS = 4
N_SLOTS = 8
D_FF = 256


def layer_norm(x, g, b, eps=1e-5):
    m = jnp.mean(x, axis=-1, keepdims=True)
    v = jnp.var(x, axis=-1, keepdims=True)
    return (x - m) / jnp.sqrt(v + eps) * g + b


def mean_aggregate(x, src, dst, n):
    msg = jnp.take(x, src, axis=0)
    s = jax.ops.segment_sum(msg, dst, num_segments=n)
    deg = jax.ops.segment_sum(jnp.ones((src.shape[0],), dtype=x.dtype), dst, num_segments=n)
    return s / jnp.clip(deg, 1.0)[:, None]


def mha(q_in, kv_in, Wq, Wk, Wv, n_heads):
    d = Wq.shape[1]
    hd = d // n_heads
    q = (q_in @ Wq).reshape(-1, n_heads, hd)
    k = (kv_in @ Wk).reshape(-1, n_heads, hd)
    v = (kv_in @ Wv).reshape(-1, n_heads, hd)
    scores = jnp.einsum('qhd,khd->hqk', q, k) / float(np.sqrt(hd))
    attn = jax.nn.softmax(scores, axis=-1)
    out = jnp.einsum('hqk,khd->qhd', attn, v)
    return out.reshape(-1, d)


def setup_inputs(seed: int = 0) -> dict:
    key = jax.random.key(seed)
    ks = jax.random.split(key, 32)

    def lin(k, fi, fo):
        return (jax.random.normal(k, (fi, fo), dtype=jnp.float32) / np.sqrt(fi)).astype(jnp.float32)

    x = jax.random.normal(ks[0], (N, D_IN), dtype=jnp.float32)
    edge_index = jax.random.randint(ks[1], (2, E), 0, N)

    inp = {
        'x': x,
        'edge_index': edge_index,
        # SAGEConv 1 (mean)
        'W1_self': lin(ks[2], D_IN, D_H),
        'W1_neigh': lin(ks[3], D_IN, D_H),
        'b1': jnp.zeros((D_H,), dtype=jnp.float32),
        # shared-workspace memory (init_memory=True, batch=1)
        'memory': jax.random.normal(ks[4], (N_SLOTS, D_H), dtype=jnp.float32) * 0.02,
        # write phase: memory queries attend over node tokens
        'Wq_m': lin(ks[5], D_H, D_H),
        'Wk_in': lin(ks[6], D_H, D_H),
        'Wv_in': lin(ks[7], D_H, D_H),
        # broadcast phase: node tokens attend over memory
        'Wq_t': lin(ks[8], D_H, D_H),
        'Wk_m': lin(ks[9], D_H, D_H),
        'Wv_m': lin(ks[10], D_H, D_H),
        'Wo': lin(ks[11], D_H, D_H),
        'bo': jnp.zeros((D_H,), dtype=jnp.float32),
        'g_mem': jnp.ones((D_H,), dtype=jnp.float32),
        'b_mem': jnp.zeros((D_H,), dtype=jnp.float32),
        'g_attn': jnp.ones((D_H,), dtype=jnp.float32),
        'b_attn': jnp.zeros((D_H,), dtype=jnp.float32),
        # encoder-layer FFN
        'fc1': lin(ks[12], D_H, D_FF),
        'bfc1': jnp.zeros((D_FF,), dtype=jnp.float32),
        'fc2': lin(ks[13], D_FF, D_H),
        'bfc2': jnp.zeros((D_H,), dtype=jnp.float32),
        'g_ffn': jnp.ones((D_H,), dtype=jnp.float32),
        'b_ffn': jnp.zeros((D_H,), dtype=jnp.float32),
        # module-level LayerNorm(128)
        'g_out': jnp.ones((D_H,), dtype=jnp.float32),
        'b_out': jnp.zeros((D_H,), dtype=jnp.float32),
        # SAGEConv 2 (mean), input dim 2*D_H
        'W2_self': lin(ks[14], 2 * D_H, D_OUT),
        'W2_neigh': lin(ks[15], 2 * D_H, D_OUT),
        'b2': jnp.zeros((D_OUT,), dtype=jnp.float32),
    }
    return inp


def reference(x, edge_index, W1_self, W1_neigh, b1, memory, Wq_m, Wk_in, Wv_in,
              Wq_t, Wk_m, Wv_m, Wo, bo, g_mem, b_mem, g_attn, b_attn,
              fc1, bfc1, fc2, bfc2, g_ffn, b_ffn, g_out, b_out,
              W2_self, W2_neigh, b2):
    src = edge_index[0]
    dst = edge_index[1]
    n = x.shape[0]

    # conv1: SAGEConv(mean)
    h_neigh = mean_aggregate(x, src, dst, n)
    h = x @ W1_self + h_neigh @ W1_neigh + b1
    h = jax.nn.relu(h)
    # dropout p=0.2 in eval mode: identity

    # TransformerEncoderLayerVanilla with shared memory attention (seq=N, batch=1)
    # write: memory slots attend over node tokens
    mem_upd = mha(memory, h, Wq_m, Wk_in, Wv_in, N_HEADS)
    mem_new = layer_norm(memory + mem_upd, g_mem, b_mem)
    # broadcast: node tokens attend over updated memory
    attn_out = mha(h, mem_new, Wq_t, Wk_m, Wv_m, N_HEADS) @ Wo + bo
    h1 = layer_norm(h + attn_out, g_attn, b_attn)
    ffn = jax.nn.relu(h1 @ fc1 + bfc1) @ fc2 + bfc2
    x_gw = layer_norm(h1 + ffn, g_ffn, b_ffn)

    # module-level LayerNorm on h, then concat with workspace output
    h_ln = layer_norm(h, g_out, b_out)
    cat = jnp.concatenate([h_ln, x_gw], axis=1)

    # conv2: SAGEConv(mean)
    n2 = mean_aggregate(cat, src, dst, n)
    out = cat @ W2_self + n2 @ W2_neigh + b2
    return jax.nn.log_softmax(out, axis=-1)

if __name__ == "__main__":
    import jax
    _d = setup_inputs()
    print(jax.jit(kernel)(*tuple(_d.values())))

</pallas_src>

<mosaic_0001>
#map = affine_map<(d0, d1) -> (0, 0)>
#map1 = affine_map<(d0, d1) -> (0)>
#map2 = affine_map<(d0, d1) -> (0, 0, 0)>
module attributes {stable_mosaic.version = 14 : i64} {
  func.func @agg(%arg0: i32, %arg1: i32, %arg2: memref<10240x128xf32, #tpu.memory_space<hbm>>, %arg3: memref<160000xi32, #tpu.memory_space<hbm>>, %arg4: memref<160000xi32, #tpu.memory_space<hbm>>, %arg5: memref<128x128xf32, #tpu.memory_space<hbm>>, %arg6: memref<2x10240x128xf32, #tpu.memory_space<hbm>>, %arg7: memref<32x10240xf32, #tpu.memory_space<hbm>>, %arg8: memref<128xi32, #tpu.memory_space<vmem>>, %arg9: memref<128xi32, #tpu.memory_space<vmem>>, %arg10: memref<8xi32, #tpu.memory_space<vmem>>, %arg11: memref<8xi32, #tpu.memory_space<vmem>>, %arg12: memref<16xi32, #tpu.memory_space<vmem>>, %arg13: memref<128x128xf32, #tpu.memory_space<vmem>>, %arg14: memref<8x128xf32, #tpu.memory_space<vmem>>, %arg15: memref<10240x128xf32, #tpu.memory_space<vmem_shared>>, %arg16: memref<10240xf32, #tpu.memory_space<vmem>>, %arg17: memref<!tpu.dma_semaphore, #tpu.memory_space<semaphore_mem>>) attributes {dimension_semantics = [#tpu.dimension_semantics<core_parallel>, #tpu.dimension_semantics<subcore_parallel>], iteration_bounds = array<i64: 2, 16>, scalar_prefetch = 0 : i64, scratch_operands = 10 : i64, tpu.core_type = #tpu.core_type<sc_vector_subcore>, window_params = [{transform_indices = #map}, {transform_indices = #map1}, {transform_indices = #map1}, {transform_indices = #map}, {transform_indices = #map2}, {transform_indices = #map}]} {
    %mul3A = arith.constant 16 : i32
    %mul3A_0 = arith.muli %arg0, %mul3A : i32
    %add3A = arith.addi %mul3A_0, %arg1 : i32
    %broadcast_in_dim3A = arith.constant 1.000000e+00 : f32
    %broadcast_in_dim3A_1 = vector.broadcast %broadcast_in_dim3A : f32 to vector<16xf32>
    %broadcast_in_dim3A_2 = arith.constant 0.000000e+00 : f32
    %broadcast_in_dim3A_3 = vector.broadcast %broadcast_in_dim3A_2 : f32 to vector<16xf32>
    "tpu.region"() ({
      %run_scoped3A = tpu.sem_alloc : memref<!tpu.dma_semaphore, #tpu.memory_space<semaphore_mem>>
      tpu.enqueue_dma source(%arg5 : memref<128x128xf32, #tpu.memory_space<hbm>>) target(%arg13 : memref<128x128xf32, #tpu.memory_space<vmem>>) target_semaphore(%run_scoped3A : memref<!tpu.dma_semaphore, #tpu.memory_space<semaphore_mem>>)
      tpu.wait_dma2 semaphore(%run_scoped3A : memref<!tpu.dma_semaphore, #tpu.memory_space<semaphore_mem>>) src(%arg5 : memref<128x128xf32, #tpu.memory_space<hbm>>) dst(%arg13 : memref<128x128xf32, #tpu.memory_space<vmem>>)
      tpu.yield
    }) : () -> ()
    %mul3A_4 = arith.constant 640 : i32
    %mul3A_5 = arith.muli %arg1, %mul3A_4 : i32
    %add3A_6 = arith.constant 0 : i32
    %add3A_7 = arith.addi %mul3A_5, %add3A_6 : i32
    %multiple_of3A = tpu.assume_multiple %add3A_7, 8 : i32
    "tpu.region"() ({
      %run_scoped3A = tpu.sem_alloc : memref<!tpu.dma_semaphore, #tpu.memory_space<semaphore_mem>>
      %dma_start3A_81 = arith.constant 0 : i32
      %dma_start3A_82 = tpu.memref_slice %arg15[%multiple_of3A, %dma_start3A_81] : memref<10240x128xf32, #tpu.memory_space<vmem_shared>> -> memref<128x128xf32, #tpu.memory_space<vmem_shared>>
      %dma_start3A_83 = arith.constant 0 : i32
      %dma_start3A_84 = tpu.memref_slice %arg15[%multiple_of3A, %dma_start3A_83] : memref<10240x128xf32, #tpu.memory_space<vmem_shared>> -> memref<128x128xf32, #tpu.memory_space<vmem_shared>>
      tpu.enqueue_dma source(%arg13 : memref<128x128xf32, #tpu.memory_space<vmem>>) target(%dma_start3A_84 : memref<128x128xf32, #tpu.memory_space<vmem_shared>>) target_semaphore(%run_scoped3A : memref<!tpu.dma_semaphore, #tpu.memory_space<semaphore_mem>>)
      %dma_wait3A_85 = arith.constant 0 : i32
      %dma_wait3A_86 = tpu.memref_slice %arg15[%multiple_of3A, %dma_wait3A_85] : memref<10240x128xf32, #tpu.memory_space<vmem_shared>> -> memref<128x128xf32, #tpu.memory_space<vmem_shared>>
      %dma_wait3A_87 = arith.constant 0 : i32
      %dma_wait3A_88 = tpu.memref_slice %arg15[%multiple_of3A, %dma_wait3A_87] : memref<10240x128xf32, #tpu.memory_space<vmem_shared>> -> memref<128x128xf32, #tpu.memory_space<vmem_shared>>
      tpu.wait_dma2 semaphore(%run_scoped3A : memref<!tpu.dma_semaphore, #tpu.memory_space<semaphore_mem>>) src(%arg13 : memref<128x128xf32, #tpu.memory_space<vmem>>) dst(%dma_wait3A_88 : memref<128x128xf32, #tpu.memory_space<vmem_shared>>)
      tpu.yield
    }) : () -> ()
    %mul3A_8 = arith.constant 640 : i32
    %mul3A_9 = arith.muli %arg1, %mul3A_8 : i32
    %add3A_10 = arith.constant 128 : i32
    %add3A_11 = arith.addi %mul3A_9, %add3A_10 : i32
    %multiple_of3A_12 = tpu.assume_multiple %add3A_11, 8 : i32
    "tpu.region"() ({
      %run_scoped3A = tpu.sem_alloc : memref<!tpu.dma_semaphore, #tpu.memory_space<semaphore_mem>>
      %dma_start3A_81 = arith.constant 0 : i32
      %dma_start3A_82 = tpu.memref_slice %arg15[%multiple_of3A_12, %dma_start3A_81] : memref<10240x128xf32, #tpu.memory_space<vmem_shared>> -> memref<128x128xf32, #tpu.memory_space<vmem_shared>>
      %dma_start3A_83 = arith.constant 0 : i32
      %dma_start3A_84 = tpu.memref_slice %arg15[%multiple_of3A_12, %dma_start3A_83] : memref<10240x128xf32, #tpu.memory_space<vmem_shared>> -> memref<128x128xf32, #tpu.memory_space<vmem_shared>>
      tpu.enqueue_dma source(%arg13 : memref<128x128xf32, #tpu.memory_space<vmem>>) target(%dma_start3A_84 : memref<128x128xf32, #tpu.memory_space<vmem_shared>>) target_semaphore(%run_scoped3A : memref<!tpu.dma_semaphore, #tpu.memory_space<semaphore_mem>>)
      %dma_wait3A_85 = arith.constant 0 : i32
      %dma_wait3A_86 = tpu.memref_slice %arg15[%multiple_of3A_12, %dma_wait3A_85] : memref<10240x128xf32, #tpu.memory_space<vmem_shared>> -> memref<128x128xf32, #tpu.memory_space<vmem_shared>>
      %dma_wait3A_87 = arith.constant 0 : i32
      %dma_wait3A_88 = tpu.memref_slice %arg15[%multiple_of3A_12, %dma_wait3A_87] : memref<10240x128xf32, #tpu.memory_space<vmem_shared>> -> memref<128x128xf32, #tpu.memory_space<vmem_shared>>
      tpu.wait_dma2 semaphore(%run_scoped3A : memref<!tpu.dma_semaphore, #tpu.memory_space<semaphore_mem>>) src(%arg13 : memref<128x128xf32, #tpu.memory_space<vmem>>) dst(%dma_wait3A_88 : memref<128x128xf32, #tpu.memory_space<vmem_shared>>)
      tpu.yield
    }) : () -> ()
    %mul3A_13 = arith.constant 640 : i32
    %mul3A_14 = arith.muli %arg1, %mul3A_13 : i32
    %add3A_15 = arith.constant 256 : i32
    %add3A_16 = arith.addi %mul3A_14, %add3A_15 : i32
    %multiple_of3A_17 = tpu.assume_multiple %add3A_16, 8 : i32
    "tpu.region"() ({
      %run_scoped3A = tpu.sem_alloc : memref<!tpu.dma_semaphore, #tpu.memory_space<semaphore_mem>>
      %dma_start3A_81 = arith.constant 0 : i32
      %dma_start3A_82 = tpu.memref_slice %arg15[%multiple_of3A_17, %dma_start3A_81] : memref<10240x128xf32, #tpu.memory_space<vmem_shared>> -> memref<128x128xf32, #tpu.memory_space<vmem_shared>>
      %dma_start3A_83 = arith.constant 0 : i32
      %dma_start3A_84 = tpu.memref_slice %arg15[%multiple_of3A_17, %dma_start3A_83] : memref<10240x128xf32, #tpu.memory_space<vmem_shared>> -> memref<128x128xf32, #tpu.memory_space<vmem_shared>>
      tpu.enqueue_dma source(%arg13 : memref<128x128xf32, #tpu.memory_space<vmem>>) target(%dma_start3A_84 : memref<128x128xf32, #tpu.memory_space<vmem_shared>>) target_semaphore(%run_scoped3A : memref<!tpu.dma_semaphore, #tpu.memory_space<semaphore_mem>>)
      %dma_wait3A_85 = arith.constant 0 : i32
      %dma_wait3A_86 = tpu.memref_slice %arg15[%multiple_of3A_17, %dma_wait3A_85] : memref<10240x128xf32, #tpu.memory_space<vmem_shared>> -> memref<128x128xf32, #tpu.memory_space<vmem_shared>>
      %dma_wait3A_87 = arith.constant 0 : i32
      %dma_wait3A_88 = tpu.memref_slice %arg15[%multiple_of3A_17, %dma_wait3A_87] : memref<10240x128xf32, #tpu.memory_space<vmem_shared>> -> memref<128x128xf32, #tpu.memory_space<vmem_shared>>
      tpu.wait_dma2 semaphore(%run_scoped3A : memref<!tpu.dma_semaphore, #tpu.memory_space<semaphore_mem>>) src(%arg13 : memref<128x128xf32, #tpu.memory_space<vmem>>) dst(%dma_wait3A_88 : memref<128x128xf32, #tpu.memory_space<vmem_shared>>)
      tpu.yield
    }) : () -> ()
    %mul3A_18 = arith.constant 640 : i32
    %mul3A_19 = arith.muli %arg1, %mul3A_18 : i32
    %add3A_20 = arith.constant 384 : i32
    %add3A_21 = arith.addi %mul3A_19, %add3A_20 : i32
    %multiple_of3A_22 = tpu.assume_multiple %add3A_21, 8 : i32
    "tpu.region"() ({
      %run_scoped3A = tpu.sem_alloc : memref<!tpu.dma_semaphore, #tpu.memory_space<semaphore_mem>>
      %dma_start3A_81 = arith.constant 0 : i32
      %dma_start3A_82 = tpu.memref_slice %arg15[%multiple_of3A_22, %dma_start3A_81] : memref<10240x128xf32, #tpu.memory_space<vmem_shared>> -> memref<128x128xf32, #tpu.memory_space<vmem_shared>>
      %dma_start3A_83 = arith.constant 0 : i32
      %dma_start3A_84 = tpu.memref_slice %arg15[%multiple_of3A_22, %dma_start3A_83] : memref<10240x128xf32, #tpu.memory_space<vmem_shared>> -> memref<128x128xf32, #tpu.memory_space<vmem_shared>>
      tpu.enqueue_dma source(%arg13 : memref<128x128xf32, #tpu.memory_space<vmem>>) target(%dma_start3A_84 : memref<128x128xf32, #tpu.memory_space<vmem_shared>>) target_semaphore(%run_scoped3A : memref<!tpu.dma_semaphore, #tpu.memory_space<semaphore_mem>>)
      %dma_wait3A_85 = arith.constant 0 : i32
      %dma_wait3A_86 = tpu.memref_slice %arg15[%multiple_of3A_22, %dma_wait3A_85] : memref<10240x128xf32, #tpu.memory_space<vmem_shared>> -> memref<128x128xf32, #tpu.memory_space<vmem_shared>>
      %dma_wait3A_87 = arith.constant 0 : i32
      %dma_wait3A_88 = tpu.memref_slice %arg15[%multiple_of3A_22, %dma_wait3A_87] : memref<10240x128xf32, #tpu.memory_space<vmem_shared>> -> memref<128x128xf32, #tpu.memory_space<vmem_shared>>
      tpu.wait_dma2 semaphore(%run_scoped3A : memref<!tpu.dma_semaphore, #tpu.memory_space<semaphore_mem>>) src(%arg13 : memref<128x128xf32, #tpu.memory_space<vmem>>) dst(%dma_wait3A_88 : memref<128x128xf32, #tpu.memory_space<vmem_shared>>)
      tpu.yield
    }) : () -> ()
    %mul3A_23 = arith.constant 640 : i32
    %mul3A_24 = arith.muli %arg1, %mul3A_23 : i32
    %add3A_25 = arith.constant 512 : i32
    %add3A_26 = arith.addi %mul3A_24, %add3A_25 : i32
    %multiple_of3A_27 = tpu.assume_multiple %add3A_26, 8 : i32
    "tpu.region"() ({
      %run_scoped3A = tpu.sem_alloc : memref<!tpu.dma_semaphore, #tpu.memory_space<semaphore_mem>>
      %dma_start3A_81 = arith.constant 0 : i32
      %dma_start3A_82 = tpu.memref_slice %arg15[%multiple_of3A_27, %dma_start3A_81] : memref<10240x128xf32, #tpu.memory_space<vmem_shared>> -> memref<128x128xf32, #tpu.memory_space<vmem_shared>>
      %dma_start3A_83 = arith.constant 0 : i32
      %dma_start3A_84 = tpu.memref_slice %arg15[%multiple_of3A_27, %dma_start3A_83] : memref<10240x128xf32, #tpu.memory_space<vmem_shared>> -> memref<128x128xf32, #tpu.memory_space<vmem_shared>>
      tpu.enqueue_dma source(%arg13 : memref<128x128xf32, #tpu.memory_space<vmem>>) target(%dma_start3A_84 : memref<128x128xf32, #tpu.memory_space<vmem_shared>>) target_semaphore(%run_scoped3A : memref<!tpu.dma_semaphore, #tpu.memory_space<semaphore_mem>>)
      %dma_wait3A_85 = arith.constant 0 : i32
      %dma_wait3A_86 = tpu.memref_slice %arg15[%multiple_of3A_27, %dma_wait3A_85] : memref<10240x128xf32, #tpu.memory_space<vmem_shared>> -> memref<128x128xf32, #tpu.memory_space<vmem_shared>>
      %dma_wait3A_87 = arith.constant 0 : i32
      %dma_wait3A_88 = tpu.memref_slice %arg15[%multiple_of3A_27, %dma_wait3A_87] : memref<10240x128xf32, #tpu.memory_space<vmem_shared>> -> memref<128x128xf32, #tpu.memory_space<vmem_shared>>
      tpu.wait_dma2 semaphore(%run_scoped3A : memref<!tpu.dma_semaphore, #tpu.memory_space<semaphore_mem>>) src(%arg13 : memref<128x128xf32, #tpu.memory_space<vmem>>) dst(%dma_wait3A_88 : memref<128x128xf32, #tpu.memory_space<vmem_shared>>)
      tpu.yield
    }) : () -> ()
    %scan3A = arith.constant 0 : i32
    %scan3A_28 = arith.constant 0 : i32
    %scan3A_29 = arith.constant 640 : i32
    %scan3A_30 = arith.addi %scan3A_28, %scan3A_29 : i32
    %scan3A_31 = arith.constant 1 : i32
    scf.for %scan3A_81 = %scan3A_28 to %scan3A_30 step %scan3A_31  : i32 {
      %mul3A_82 = arith.constant 16 : i32
      %mul3A_83 = arith.muli %scan3A_81, %mul3A_82 : i32
      %multiple_of3A_84 = tpu.assume_multiple %mul3A_83, 16 : i32
      %swap3A = arith.index_cast %multiple_of3A_84 : i32 to index
      %swap3A_85 = tpu.vector_load %arg16[%swap3A] {strides = array<i32>} : memref<10240xf32, #tpu.memory_space<vmem>>, vector<16xf32>,
      tpu.vector_store %arg16[%swap3A], %broadcast_in_dim3A_3 {strides = array<i32>} : memref<10240xf32, #tpu.memory_space<vmem>>, vector<16xf32>,
    }
    %scan3A_32 = arith.constant 640 : i32
    %barrier3A = arith.constant 0 : index
    tpu.barrier barrier_id(%barrier3A)
    %mul3A_33 = arith.constant 5000 : i32
    %mul3A_34 = arith.muli %add3A, %mul3A_33 : i32
    %scan3A_35 = arith.constant 0 : i32
    %scan3A_36 = arith.constant 0 : i32
    %scan3A_37 = arith.constant 39 : i32
    %scan3A_38 = arith.addi %scan3A_36, %scan3A_37 : i32
    %scan3A_39 = arith.constant 1 : i32
    scf.for %scan3A_81 = %scan3A_36 to %scan3A_38 step %scan3A_39  : i32 {
      %mul3A_82 = arith.constant 128 : i32
      %mul3A_83 = arith.muli %scan3A_81, %mul3A_82 : i32
      %add3A_84 = arith.addi %mul3A_34, %mul3A_83 : i32
      %multiple_of3A_85 = tpu.assume_multiple %add3A_84, 8 : i32
      "tpu.region"() ({
        %run_scoped3A = tpu.sem_alloc : memref<!tpu.dma_semaphore, #tpu.memory_space<semaphore_mem>>
        %dma_start3A_108 = tpu.memref_slice %arg3[%multiple_of3A_85] : memref<160000xi32, #tpu.memory_space<hbm>> -> memref<128xi32, #tpu.memory_space<hbm>>
        %dma_start3A_109 = tpu.memref_slice %arg3[%multiple_of3A_85] : memref<160000xi32, #tpu.memory_space<hbm>> -> memref<128xi32, #tpu.memory_space<hbm>>
        tpu.enqueue_dma source(%dma_start3A_109 : memref<128xi32, #tpu.memory_space<hbm>>) target(%arg8 : memref<128xi32, #tpu.memory_space<vmem>>) target_semaphore(%run_scoped3A : memref<!tpu.dma_semaphore, #tpu.memory_space<semaphore_mem>>)
        %dma_wait3A_110 = tpu.memref_slice %arg3[%multiple_of3A_85] : memref<160000xi32, #tpu.memory_space<hbm>> -> memref<128xi32, #tpu.memory_space<hbm>>
        %dma_wait3A_111 = tpu.memref_slice %arg3[%multiple_of3A_85] : memref<160000xi32, #tpu.memory_space<hbm>> -> memref<128xi32, #tpu.memory_space<hbm>>
        tpu.wait_dma2 semaphore(%run_scoped3A : memref<!tpu.dma_semaphore, #tpu.memory_space<semaphore_mem>>) src(%dma_wait3A_111 : memref<128xi32, #tpu.memory_space<hbm>>) dst(%arg8 : memref<128xi32, #tpu.memory_space<vmem>>)
        tpu.yield
      }) : () -> ()
      "tpu.region"() ({
        %run_scoped3A = tpu.sem_alloc : memref<!tpu.dma_semaphore, #tpu.memory_space<semaphore_mem>>
        %dma_start3A_108 = tpu.memref_slice %arg4[%multiple_of3A_85] : memref<160000xi32, #tpu.memory_space<hbm>> -> memref<128xi32, #tpu.memory_space<hbm>>
        %dma_start3A_109 = tpu.memref_slice %arg4[%multiple_of3A_85] : memref<160000xi32, #tpu.memory_space<hbm>> -> memref<128xi32, #tpu.memory_space<hbm>>
        tpu.enqueue_dma source(%dma_start3A_109 : memref<128xi32, #tpu.memory_space<hbm>>) target(%arg9 : memref<128xi32, #tpu.memory_space<vmem>>) target_semaphore(%run_scoped3A : memref<!tpu.dma_semaphore, #tpu.memory_space<semaphore_mem>>)
        %dma_wait3A_110 = tpu.memref_slice %arg4[%multiple_of3A_85] : memref<160000xi32, #tpu.memory_space<hbm>> -> memref<128xi32, #tpu.memory_space<hbm>>
        %dma_wait3A_111 = tpu.memref_slice %arg4[%multiple_of3A_85] : memref<160000xi32, #tpu.memory_space<hbm>> -> memref<128xi32, #tpu.memory_space<hbm>>
        tpu.wait_dma2 semaphore(%run_scoped3A : memref<!tpu.dma_semaphore, #tpu.memory_space<semaphore_mem>>) src(%dma_wait3A_111 : memref<128xi32, #tpu.memory_space<hbm>>) dst(%arg9 : memref<128xi32, #tpu.memory_space<vmem>>)
        tpu.yield
      }) : () -> ()
      %dma_start3A_86 = arith.constant 0 : i32
      %dma_start3A_87 = arith.constant 0 : i32
      %dma_start3A_88 = tpu.memref_slice %arg2[%dma_start3A_86, %dma_start3A_87] : memref<10240x128xf32, #tpu.memory_space<hbm>> -> memref<10240x128xf32, #tpu.memory_space<hbm>>
      tpu.enqueue_indirect_dma source(%dma_start3A_88 : memref<10240x128xf32, #tpu.memory_space<hbm>>) target(%arg13 : memref<128x128xf32, #tpu.memory_space<vmem>>) offsets(%arg8 : memref<128xi32, #tpu.memory_space<vmem>>) semaphore(%arg17 : memref<!tpu.dma_semaphore, #tpu.memory_space<semaphore_mem>>)
      %get3A_89 = arith.constant 0 : index
      %get3A_90 = tpu.vector_load %arg9[%get3A_89] {strides = array<i32>} : memref<128xi32, #tpu.memory_space<vmem>>, vector<16xi32>,
      tpu.vector_store_idx %arg16[%get3A_90], %broadcast_in_dim3A_1 {add = true} : memref<10240xf32, #tpu.memory_space<vmem>>[vector<16xi32>], vector<16xf32>,
      %get3A_91 = arith.constant 16 : index
      %get3A_92 = tpu.vector_load %arg9[%get3A_91] {strides = array<i32>} : memref<128xi32, #tpu.memory_space<vmem>>, vector<16xi32>,
      tpu.vector_store_idx %arg16[%get3A_92], %broadcast_in_dim3A_1 {add = true} : memref<10240xf32, #tpu.memory_space<vmem>>[vector<16xi32>], vector<16xf32>,
      %get3A_93 = arith.constant 32 : index
      %get3A_94 = tpu.vector_load %arg9[%get3A_93] {strides = array<i32>} : memref<128xi32, #tpu.memory_space<vmem>>, vector<16xi32>,
      tpu.vector_store_idx %arg16[%get3A_94], %broadcast_in_dim3A_1 {add = true} : memref<10240xf32, #tpu.memory_space<vmem>>[vector<16xi32>], vector<16xf32>,
      %get3A_95 = arith.constant 48 : index
      %get3A_96 = tpu.vector_load %arg9[%get3A_95] {strides = array<i32>} : memref<128xi32, #tpu.memory_space<vmem>>, vector<16xi32>,
      tpu.vector_store_idx %arg16[%get3A_96], %broadcast_in_dim3A_1 {add = true} : memref<10240xf32, #tpu.memory_space<vmem>>[vector<16xi32>], vector<16xf32>,
      %get3A_97 = arith.constant 64 : index
      %get3A_98 = tpu.vector_load %arg9[%get3A_97] {strides = array<i32>} : memref<128xi32, #tpu.memory_space<vmem>>, vector<16xi32>,
      tpu.vector_store_idx %arg16[%get3A_98], %broadcast_in_dim3A_1 {add = true} : memref<10240xf32, #tpu.memory_space<vmem>>[vector<16xi32>], vector<16xf32>,
      %get3A_99 = arith.constant 80 : index
      %get3A_100 = tpu.vector_load %arg9[%get3A_99] {strides = array<i32>} : memref<128xi32, #tpu.memory_space<vmem>>, vector<16xi32>,
      tpu.vector_store_idx %arg16[%get3A_100], %broadcast_in_dim3A_1 {add = true} : memref<10240xf32, #tpu.memory_space<vmem>>[vector<16xi32>], vector<16xf32>,
      %get3A_101 = arith.constant 96 : index
      %get3A_102 = tpu.vector_load %arg9[%get3A_101] {strides = array<i32>} : memref<128xi32, #tpu.memory_space<vmem>>, vector<16xi32>,
      tpu.vector_store_idx %arg16[%get3A_102], %broadcast_in_dim3A_1 {add = true} : memref<10240xf32, #tpu.memory_space<vmem>>[vector<16xi32>], vector<16xf32>,
      %get3A_103 = arith.constant 112 : index
      %get3A_104 = tpu.vector_load %arg9[%get3A_103] {strides = array<i32>} : memref<128xi32, #tpu.memory_space<vmem>>, vector<16xi32>,
      tpu.vector_store_idx %arg16[%get3A_104], %broadcast_in_dim3A_1 {add = true} : memref<10240xf32, #tpu.memory_space<vmem>>[vector<16xi32>], vector<16xf32>,
      %dma_wait3A_105 = arith.constant 0 : i32
      %dma_wait3A_106 = arith.constant 0 : i32
      %dma_wait3A_107 = tpu.memref_slice %arg2[%dma_wait3A_105, %dma_wait3A_106] : memref<10240x128xf32, #tpu.memory_space<hbm>> -> memref<10240x128xf32, #tpu.memory_space<hbm>>
      tpu.wait_indirect_dma semaphore(%arg17 : memref<!tpu.dma_semaphore, #tpu.memory_space<semaphore_mem>>) src(%dma_wait3A_107 : memref<10240x128xf32, #tpu.memory_space<hbm>>) dst(%arg13 : memref<128x128xf32, #tpu.memory_space<vmem>>)
      "tpu.region"() ({
        %run_scoped3A = tpu.sem_alloc : memref<!tpu.dma_semaphore, #tpu.memory_space<semaphore_mem>>
        %dma_start3A_108 = arith.constant 0 : i32
        %dma_start3A_109 = arith.constant 0 : i32
        %dma_start3A_110 = tpu.memref_slice %arg15[%dma_start3A_108, %dma_start3A_109] : memref<10240x128xf32, #tpu.memory_space<vmem_shared>> -> memref<10240x128xf32, #tpu.memory_space<vmem_shared>>
        tpu.enqueue_indirect_dma source(%arg13 : memref<128x128xf32, #tpu.memory_space<vmem>>) target(%dma_start3A_110 : memref<10240x128xf32, #tpu.memory_space<vmem_shared>>) offsets(%arg9 : memref<128xi32, #tpu.memory_space<vmem>>) semaphore(%run_scoped3A : memref<!tpu.dma_semaphore, #tpu.memory_space<semaphore_mem>>) {add = true}
        %dma_wait3A_111 = arith.constant 0 : i32
        %dma_wait3A_112 = arith.constant 0 : i32
        %dma_wait3A_113 = tpu.memref_slice %arg15[%dma_wait3A_111, %dma_wait3A_112] : memref<10240x128xf32, #tpu.memory_space<vmem_shared>> -> memref<10240x128xf32, #tpu.memory_space<vmem_shared>>
        tpu.wait_indirect_dma semaphore(%run_scoped3A : memref<!tpu.dma_semaphore, #tpu.memory_space<semaphore_mem>>) src(%arg13 : memref<128x128xf32, #tpu.memory_space<vmem>>) dst(%dma_wait3A_113 : memref<10240x128xf32, #tpu.memory_space<vmem_shared>>)
        tpu.yield
      }) : () -> ()
    }
    %scan3A_40 = arith.constant 39 : i32
    %add3A_41 = arith.constant 4992 : i32
    %add3A_42 = arith.addi %mul3A_34, %add3A_41 : i32
    %multiple_of3A_43 = tpu.assume_multiple %add3A_42, 8 : i32
    "tpu.region"() ({
      %run_scoped3A = tpu.sem_alloc : memref<!tpu.dma_semaphore, #tpu.memory_space<semaphore_mem>>
      %dma_start3A_81 = tpu.memref_slice %arg3[%multiple_of3A_43] : memref<160000xi32, #tpu.memory_space<hbm>> -> memref<8xi32, #tpu.memory_space<hbm>>
      %dma_start3A_82 = tpu.memref_slice %arg3[%multiple_of3A_43] : memref<160000xi32, #tpu.memory_space<hbm>> -> memref<8xi32, #tpu.memory_space<hbm>>
      tpu.enqueue_dma source(%dma_start3A_82 : memref<8xi32, #tpu.memory_space<hbm>>) target(%arg10 : memref<8xi32, #tpu.memory_space<vmem>>) target_semaphore(%run_scoped3A : memref<!tpu.dma_semaphore, #tpu.memory_space<semaphore_mem>>)
      %dma_wait3A_83 = tpu.memref_slice %arg3[%multiple_of3A_43] : memref<160000xi32, #tpu.memory_space<hbm>> -> memref<8xi32, #tpu.memory_space<hbm>>
      %dma_wait3A_84 = tpu.memref_slice %arg3[%multiple_of3A_43] : memref<160000xi32, #tpu.memory_space<hbm>> -> memref<8xi32, #tpu.memory_space<hbm>>
      tpu.wait_dma2 semaphore(%run_scoped3A : memref<!tpu.dma_semaphore, #tpu.memory_space<semaphore_mem>>) src(%dma_wait3A_84 : memref<8xi32, #tpu.memory_space<hbm>>) dst(%arg10 : memref<8xi32, #tpu.memory_space<vmem>>)
      tpu.yield
    }) : () -> ()
    "tpu.region"() ({
      %run_scoped3A = tpu.sem_alloc : memref<!tpu.dma_semaphore, #tpu.memory_space<semaphore_mem>>
      %dma_start3A_81 = tpu.memref_slice %arg4[%multiple_of3A_43] : memref<160000xi32, #tpu.memory_space<hbm>> -> memref<8xi32, #tpu.memory_space<hbm>>
      %dma_start3A_82 = tpu.memref_slice %arg4[%multiple_of3A_43] : memref<160000xi32, #tpu.memory_space<hbm>> -> memref<8xi32, #tpu.memory_space<hbm>>
      tpu.enqueue_dma source(%dma_start3A_82 : memref<8xi32, #tpu.memory_space<hbm>>) target(%arg11 : memref<8xi32, #tpu.memory_space<vmem>>) target_semaphore(%run_scoped3A : memref<!tpu.dma_semaphore, #tpu.memory_space<semaphore_mem>>)
      %dma_wait3A_83 = tpu.memref_slice %arg4[%multiple_of3A_43] : memref<160000xi32, #tpu.memory_space<hbm>> -> memref<8xi32, #tpu.memory_space<hbm>>
      %dma_wait3A_84 = tpu.memref_slice %arg4[%multiple_of3A_43] : memref<160000xi32, #tpu.memory_space<hbm>> -> memref<8xi32, #tpu.memory_space<hbm>>
      tpu.wait_dma2 semaphore(%run_scoped3A : memref<!tpu.dma_semaphore, #tpu.memory_space<semaphore_mem>>) src(%dma_wait3A_84 : memref<8xi32, #tpu.memory_space<hbm>>) dst(%arg11 : memref<8xi32, #tpu.memory_space<vmem>>)
      tpu.yield
    }) : () -> ()
    %dma_start3A = arith.constant 0 : i32
    %dma_start3A_44 = arith.constant 0 : i32
    %dma_start3A_45 = tpu.memref_slice %arg2[%dma_start3A, %dma_start3A_44] : memref<10240x128xf32, #tpu.memory_space<hbm>> -> memref<10240x128xf32, #tpu.memory_space<hbm>>
    tpu.enqueue_indirect_dma source(%dma_start3A_45 : memref<10240x128xf32, #tpu.memory_space<hbm>>) target(%arg14 : memref<8x128xf32, #tpu.memory_space<vmem>>) offsets(%arg10 : memref<8xi32, #tpu.memory_space<vmem>>) semaphore(%arg17 : memref<!tpu.dma_semaphore, #tpu.memory_space<semaphore_mem>>)
    %add3A_46 = arith.constant 5000 : i32
    %add3A_47 = arith.addi %mul3A_34, %add3A_46 : i32
    %sub3A = arith.constant 16 : i32
    %sub3A_48 = arith.subi %add3A_47, %sub3A : i32
    %multiple_of3A_49 = tpu.assume_multiple %sub3A_48, 8 : i32
    "tpu.region"() ({
      %run_scoped3A = tpu.sem_alloc : memref<!tpu.dma_semaphore, #tpu.memory_space<semaphore_mem>>
      %dma_start3A_81 = tpu.memref_slice %arg4[%multiple_of3A_49] : memref<160000xi32, #tpu.memory_space<hbm>> -> memref<16xi32, #tpu.memory_space<hbm>>
      %dma_start3A_82 = tpu.memref_slice %arg4[%multiple_of3A_49] : memref<160000xi32, #tpu.memory_space<hbm>> -> memref<16xi32, #tpu.memory_space<hbm>>
      tpu.enqueue_dma source(%dma_start3A_82 : memref<16xi32, #tpu.memory_space<hbm>>) target(%arg12 : memref<16xi32, #tpu.memory_space<vmem>>) target_semaphore(%run_scoped3A : memref<!tpu.dma_semaphore, #tpu.memory_space<semaphore_mem>>)
      %dma_wait3A_83 = tpu.memref_slice %arg4[%multiple_of3A_49] : memref<160000xi32, #tpu.memory_space<hbm>> -> memref<16xi32, #tpu.memory_space<hbm>>
      %dma_wait3A_84 = tpu.memref_slice %arg4[%multiple_of3A_49] : memref<160000xi32, #tpu.memory_space<hbm>> -> memref<16xi32, #tpu.memory_space<hbm>>
      tpu.wait_dma2 semaphore(%run_scoped3A : memref<!tpu.dma_semaphore, #tpu.memory_space<semaphore_mem>>) src(%dma_wait3A_84 : memref<16xi32, #tpu.memory_space<hbm>>) dst(%arg12 : memref<16xi32, #tpu.memory_space<vmem>>)
      tpu.yield
    }) : () -> ()
    %iota3A = tpu.iota {dimensions = array<i32: 0>} : vector<16xi32>
    %ge3A = arith.constant 8 : i32
    %ge3A_50 = vector.broadcast %ge3A : i32 to vector<16xi32>
    %ge3A_51 = arith.cmpi sge, %iota3A, %ge3A_50 : vector<16xi32>
    %get3A = arith.constant 0 : index
    %get3A_52 = tpu.vector_load %arg12[%get3A] {strides = array<i32>} : memref<16xi32, #tpu.memory_space<vmem>>, vector<16xi32>,
    tpu.vector_store_idx %arg16[%get3A_52], %broadcast_in_dim3A_1 masked %ge3A_51 {add = true} : memref<10240xf32, #tpu.memory_space<vmem>>[vector<16xi32>], vector<16xf32>, vector<16xi1>
    %dma_wait3A = arith.constant 0 : i32
    %dma_wait3A_53 = arith.constant 0 : i32
    %dma_wait3A_54 = tpu.memref_slice %arg2[%dma_wait3A, %dma_wait3A_53] : memref<10240x128xf32, #tpu.memory_space<hbm>> -> memref<10240x128xf32, #tpu.memory_space<hbm>>
    tpu.wait_indirect_dma semaphore(%arg17 : memref<!tpu.dma_semaphore, #tpu.memory_space<semaphore_mem>>) src(%dma_wait3A_54 : memref<10240x128xf32, #tpu.memory_space<hbm>>) dst(%arg14 : memref<8x128xf32, #tpu.memory_space<vmem>>)
    "tpu.region"() ({
      %run_scoped3A = tpu.sem_alloc : memref<!tpu.dma_semaphore, #tpu.memory_space<semaphore_mem>>
      %dma_start3A_81 = arith.constant 0 : i32
      %dma_start3A_82 = arith.constant 0 : i32
      %dma_start3A_83 = tpu.memref_slice %arg15[%dma_start3A_81, %dma_start3A_82] : memref<10240x128xf32, #tpu.memory_space<vmem_shared>> -> memref<10240x128xf32, #tpu.memory_space<vmem_shared>>
      tpu.enqueue_indirect_dma source(%arg14 : memref<8x128xf32, #tpu.memory_space<vmem>>) target(%dma_start3A_83 : memref<10240x128xf32, #tpu.memory_space<vmem_shared>>) offsets(%arg11 : memref<8xi32, #tpu.memory_space<vmem>>) semaphore(%run_scoped3A : memref<!tpu.dma_semaphore, #tpu.memory_space<semaphore_mem>>) {add = true}
      %dma_wait3A_84 = arith.constant 0 : i32
      %dma_wait3A_85 = arith.constant 0 : i32
      %dma_wait3A_86 = tpu.memref_slice %arg15[%dma_wait3A_84, %dma_wait3A_85] : memref<10240x128xf32, #tpu.memory_space<vmem_shared>> -> memref<10240x128xf32, #tpu.memory_space<vmem_shared>>
      tpu.wait_indirect_dma semaphore(%run_scoped3A : memref<!tpu.dma_semaphore, #tpu.memory_space<semaphore_mem>>) src(%arg14 : memref<8x128xf32, #tpu.memory_space<vmem>>) dst(%dma_wait3A_86 : memref<10240x128xf32, #tpu.memory_space<vmem_shared>>)
      tpu.yield
    }) : () -> ()
    %barrier3A_55 = arith.constant 0 : index
    tpu.barrier barrier_id(%barrier3A_55)
    %mul3A_56 = arith.constant 640 : i32
    %mul3A_57 = arith.muli %arg1, %mul3A_56 : i32
    %add3A_58 = arith.constant 0 : i32
    %add3A_59 = arith.addi %mul3A_57, %add3A_58 : i32
    %multiple_of3A_60 = tpu.assume_multiple %add3A_59, 8 : i32
    "tpu.region"() ({
      %run_scoped3A = tpu.sem_alloc : memref<!tpu.dma_semaphore, #tpu.memory_space<semaphore_mem>>
      %dma_start3A_81 = arith.constant 0 : i32
      %dma_start3A_82 = tpu.memref_slice %arg15[%multiple_of3A_60, %dma_start3A_81] : memref<10240x128xf32, #tpu.memory_space<vmem_shared>> -> memref<128x128xf32, #tpu.memory_space<vmem_shared>>
      %dma_start3A_83 = arith.constant 0 : i32
      %dma_start3A_84 = tpu.memref_slice %arg15[%multiple_of3A_60, %dma_start3A_83] : memref<10240x128xf32, #tpu.memory_space<vmem_shared>> -> memref<128x128xf32, #tpu.memory_space<vmem_shared>>
      tpu.enqueue_dma source(%dma_start3A_84 : memref<128x128xf32, #tpu.memory_space<vmem_shared>>) target(%arg13 : memref<128x128xf32, #tpu.memory_space<vmem>>) target_semaphore(%run_scoped3A : memref<!tpu.dma_semaphore, #tpu.memory_space<semaphore_mem>>)
      %dma_wait3A_85 = arith.constant 0 : i32
      %dma_wait3A_86 = tpu.memref_slice %arg15[%multiple_of3A_60, %dma_wait3A_85] : memref<10240x128xf32, #tpu.memory_space<vmem_shared>> -> memref<128x128xf32, #tpu.memory_space<vmem_shared>>
      %dma_wait3A_87 = arith.constant 0 : i32
      %dma_wait3A_88 = tpu.memref_slice %arg15[%multiple_of3A_60, %dma_wait3A_87] : memref<10240x128xf32, #tpu.memory_space<vmem_shared>> -> memref<128x128xf32, #tpu.memory_space<vmem_shared>>
      tpu.wait_dma2 semaphore(%run_scoped3A : memref<!tpu.dma_semaphore, #tpu.memory_space<semaphore_mem>>) src(%dma_wait3A_88 : memref<128x128xf32, #tpu.memory_space<vmem_shared>>) dst(%arg13 : memref<128x128xf32, #tpu.memory_space<vmem>>)
      tpu.yield
    }) : () -> ()
    "tpu.region"() ({
      %run_scoped3A = tpu.sem_alloc : memref<!tpu.dma_semaphore, #tpu.memory_space<semaphore_mem>>
      %dma_start3A_81 = arith.constant 0 : i32
      %dma_start3A_82 = tpu.memref_slice %arg6[%arg0, %multiple_of3A_60, %dma_start3A_81] : memref<2x10240x128xf32, #tpu.memory_space<hbm>> -> memref<1x128x128xf32, #tpu.memory_space<hbm>>
      %dma_start3A_83 = tpu.memref_squeeze %dma_start3A_82 : memref<1x128x128xf32, #tpu.memory_space<hbm>> -> memref<128x128xf32, #tpu.memory_space<hbm>>
      %dma_start3A_84 = arith.constant 0 : i32
      %dma_start3A_85 = tpu.memref_slice %arg6[%arg0, %multiple_of3A_60, %dma_start3A_84] : memref<2x10240x128xf32, #tpu.memory_space<hbm>> -> memref<1x128x128xf32, #tpu.memory_space<hbm>>
      %dma_start3A_86 = tpu.memref_squeeze %dma_start3A_85 : memref<1x128x128xf32, #tpu.memory_space<hbm>> -> memref<128x128xf32, #tpu.memory_space<hbm>>
      tpu.enqueue_dma source(%arg13 : memref<128x128xf32, #tpu.memory_space<vmem>>) target(%dma_start3A_86 : memref<128x128xf32, #tpu.memory_space<hbm>>) target_semaphore(%run_scoped3A : memref<!tpu.dma_semaphore, #tpu.memory_space<semaphore_mem>>)
      %dma_wait3A_87 = arith.constant 0 : i32
      %dma_wait3A_88 = tpu.memref_slice %arg6[%arg0, %multiple_of3A_60, %dma_wait3A_87] : memref<2x10240x128xf32, #tpu.memory_space<hbm>> -> memref<1x128x128xf32, #tpu.memory_space<hbm>>
      %dma_wait3A_89 = tpu.memref_squeeze %dma_wait3A_88 : memref<1x128x128xf32, #tpu.memory_space<hbm>> -> memref<128x128xf32, #tpu.memory_space<hbm>>
      %dma_wait3A_90 = arith.constant 0 : i32
      %dma_wait3A_91 = tpu.memref_slice %arg6[%arg0, %multiple_of3A_60, %dma_wait3A_90] : memref<2x10240x128xf32, #tpu.memory_space<hbm>> -> memref<1x128x128xf32, #tpu.memory_space<hbm>>
      %dma_wait3A_92 = tpu.memref_squeeze %dma_wait3A_91 : memref<1x128x128xf32, #tpu.memory_space<hbm>> -> memref<128x128xf32, #tpu.memory_space<hbm>>
      tpu.wait_dma2 semaphore(%run_scoped3A : memref<!tpu.dma_semaphore, #tpu.memory_space<semaphore_mem>>) src(%arg13 : memref<128x128xf32, #tpu.memory_space<vmem>>) dst(%dma_wait3A_92 : memref<128x128xf32, #tpu.memory_space<hbm>>)
      tpu.yield
    }) : () -> ()
    %mul3A_61 = arith.constant 640 : i32
    %mul3A_62 = arith.muli %arg1, %mul3A_61 : i32
    %add3A_63 = arith.constant 128 : i32
    %add3A_64 = arith.addi %mul3A_62, %add3A_63 : i32
    %multiple_of3A_65 = tpu.assume_multiple %add3A_64, 8 : i32
    "tpu.region"() ({
      %run_scoped3A = tpu.sem_alloc : memref<!tpu.dma_semaphore, #tpu.memory_space<semaphore_mem>>
      %dma_start3A_81 = arith.constant 0 : i32
      %dma_start3A_82 = tpu.memref_slice %arg15[%multiple_of3A_65, %dma_start3A_81] : memref<10240x128xf32, #tpu.memory_space<vmem_shared>> -> memref<128x128xf32, #tpu.memory_space<vmem_shared>>
      %dma_start3A_83 = arith.constant 0 : i32
      %dma_start3A_84 = tpu.memref_slice %arg15[%multiple_of3A_65, %dma_start3A_83] : memref<10240x128xf32, #tpu.memory_space<vmem_shared>> -> memref<128x128xf32, #tpu.memory_space<vmem_shared>>
      tpu.enqueue_dma source(%dma_start3A_84 : memref<128x128xf32, #tpu.memory_space<vmem_shared>>) target(%arg13 : memref<128x128xf32, #tpu.memory_space<vmem>>) target_semaphore(%run_scoped3A : memref<!tpu.dma_semaphore, #tpu.memory_space<semaphore_mem>>)
      %dma_wait3A_85 = arith.constant 0 : i32
      %dma_wait3A_86 = tpu.memref_slice %arg15[%multiple_of3A_65, %dma_wait3A_85] : memref<10240x128xf32, #tpu.memory_space<vmem_shared>> -> memref<128x128xf32, #tpu.memory_space<vmem_shared>>
      %dma_wait3A_87 = arith.constant 0 : i32
      %dma_wait3A_88 = tpu.memref_slice %arg15[%multiple_of3A_65, %dma_wait3A_87] : memref<10240x128xf32, #tpu.memory_space<vmem_shared>> -> memref<128x128xf32, #tpu.memory_space<vmem_shared>>
      tpu.wait_dma2 semaphore(%run_scoped3A : memref<!tpu.dma_semaphore, #tpu.memory_space<semaphore_mem>>) src(%dma_wait3A_88 : memref<128x128xf32, #tpu.memory_space<vmem_shared>>) dst(%arg13 : memref<128x128xf32, #tpu.memory_space<vmem>>)
      tpu.yield
    }) : () -> ()
    "tpu.region"() ({
      %run_scoped3A = tpu.sem_alloc : memref<!tpu.dma_semaphore, #tpu.memory_space<semaphore_mem>>
      %dma_start3A_81 = arith.constant 0 : i32
      %dma_start3A_82 = tpu.memref_slice %arg6[%arg0, %multiple_of3A_65, %dma_start3A_81] : memref<2x10240x128xf32, #tpu.memory_space<hbm>> -> memref<1x128x128xf32, #tpu.memory_space<hbm>>
      %dma_start3A_83 = tpu.memref_squeeze %dma_start3A_82 : memref<1x128x128xf32, #tpu.memory_space<hbm>> -> memref<128x128xf32, #tpu.memory_space<hbm>>
      %dma_start3A_84 = arith.constant 0 : i32
      %dma_start3A_85 = tpu.memref_slice %arg6[%arg0, %multiple_of3A_65, %dma_start3A_84] : memref<2x10240x128xf32, #tpu.memory_space<hbm>> -> memref<1x128x128xf32, #tpu.memory_space<hbm>>
      %dma_start3A_86 = tpu.memref_squeeze %dma_start3A_85 : memref<1x128x128xf32, #tpu.memory_space<hbm>> -> memref<128x128xf32, #tpu.memory_space<hbm>>
      tpu.enqueue_dma source(%arg13 : memref<128x128xf32, #tpu.memory_space<vmem>>) target(%dma_start3A_86 : memref<128x128xf32, #tpu.memory_space<hbm>>) target_semaphore(%run_scoped3A : memref<!tpu.dma_semaphore, #tpu.memory_space<semaphore_mem>>)
      %dma_wait3A_87 = arith.constant 0 : i32
      %dma_wait3A_88 = tpu.memref_slice %arg6[%arg0, %multiple_of3A_65, %dma_wait3A_87] : memref<2x10240x128xf32, #tpu.memory_space<hbm>> -> memref<1x128x128xf32, #tpu.memory_space<hbm>>
      %dma_wait3A_89 = tpu.memref_squeeze %dma_wait3A_88 : memref<1x128x128xf32, #tpu.memory_space<hbm>> -> memref<128x128xf32, #tpu.memory_space<hbm>>
      %dma_wait3A_90 = arith.constant 0 : i32
      %dma_wait3A_91 = tpu.memref_slice %arg6[%arg0, %multiple_of3A_65, %dma_wait3A_90] : memref<2x10240x128xf32, #tpu.memory_space<hbm>> -> memref<1x128x128xf32, #tpu.memory_space<hbm>>
      %dma_wait3A_92 = tpu.memref_squeeze %dma_wait3A_91 : memref<1x128x128xf32, #tpu.memory_space<hbm>> -> memref<128x128xf32, #tpu.memory_space<hbm>>
      tpu.wait_dma2 semaphore(%run_scoped3A : memref<!tpu.dma_semaphore, #tpu.memory_space<semaphore_mem>>) src(%arg13 : memref<128x128xf32, #tpu.memory_space<vmem>>) dst(%dma_wait3A_92 : memref<128x128xf32, #tpu.memory_space<hbm>>)
      tpu.yield
    }) : () -> ()
    %mul3A_66 = arith.constant 640 : i32
    %mul3A_67 = arith.muli %arg1, %mul3A_66 : i32
    %add3A_68 = arith.constant 256 : i32
    %add3A_69 = arith.addi %mul3A_67, %add3A_68 : i32
    %multiple_of3A_70 = tpu.assume_multiple %add3A_69, 8 : i32
    "tpu.region"() ({
      %run_scoped3A = tpu.sem_alloc : memref<!tpu.dma_semaphore, #tpu.memory_space<semaphore_mem>>
      %dma_start3A_81 = arith.constant 0 : i32
      %dma_start3A_82 = tpu.memref_slice %arg15[%multiple_of3A_70, %dma_start3A_81] : memref<10240x128xf32, #tpu.memory_space<vmem_shared>> -> memref<128x128xf32, #tpu.memory_space<vmem_shared>>
      %dma_start3A_83 = arith.constant 0 : i32
      %dma_start3A_84 = tpu.memref_slice %arg15[%multiple_of3A_70, %dma_start3A_83] : memref<10240x128xf32, #tpu.memory_space<vmem_shared>> -> memref<128x128xf32, #tpu.memory_space<vmem_shared>>
      tpu.enqueue_dma source(%dma_start3A_84 : memref<128x128xf32, #tpu.memory_space<vmem_shared>>) target(%arg13 : memref<128x128xf32, #tpu.memory_space<vmem>>) target_semaphore(%run_scoped3A : memref<!tpu.dma_semaphore, #tpu.memory_space<semaphore_mem>>)
      %dma_wait3A_85 = arith.constant 0 : i32
      %dma_wait3A_86 = tpu.memref_slice %arg15[%multiple_of3A_70, %dma_wait3A_85] : memref<10240x128xf32, #tpu.memory_space<vmem_shared>> -> memref<128x128xf32, #tpu.memory_space<vmem_shared>>
      %dma_wait3A_87 = arith.constant 0 : i32
      %dma_wait3A_88 = tpu.memref_slice %arg15[%multiple_of3A_70, %dma_wait3A_87] : memref<10240x128xf32, #tpu.memory_space<vmem_shared>> -> memref<128x128xf32, #tpu.memory_space<vmem_shared>>
      tpu.wait_dma2 semaphore(%run_scoped3A : memref<!tpu.dma_semaphore, #tpu.memory_space<semaphore_mem>>) src(%dma_wait3A_88 : memref<128x128xf32, #tpu.memory_space<vmem_shared>>) dst(%arg13 : memref<128x128xf32, #tpu.memory_space<vmem>>)
      tpu.yield
    }) : () -> ()
    "tpu.region"() ({
      %run_scoped3A = tpu.sem_alloc : memref<!tpu.dma_semaphore, #tpu.memory_space<semaphore_mem>>
      %dma_start3A_81 = arith.constant 0 : i32
      %dma_start3A_82 = tpu.memref_slice %arg6[%arg0, %multiple_of3A_70, %dma_start3A_81] : memref<2x10240x128xf32, #tpu.memory_space<hbm>> -> memref<1x128x128xf32, #tpu.memory_space<hbm>>
      %dma_start3A_83 = tpu.memref_squeeze %dma_start3A_82 : memref<1x128x128xf32, #tpu.memory_space<hbm>> -> memref<128x128xf32, #tpu.memory_space<hbm>>
      %dma_start3A_84 = arith.constant 0 : i32
      %dma_start3A_85 = tpu.memref_slice %arg6[%arg0, %multiple_of3A_70, %dma_start3A_84] : memref<2x10240x128xf32, #tpu.memory_space<hbm>> -> memref<1x128x128xf32, #tpu.memory_space<hbm>>
      %dma_start3A_86 = tpu.memref_squeeze %dma_start3A_85 : memref<1x128x128xf32, #tpu.memory_space<hbm>> -> memref<128x128xf32, #tpu.memory_space<hbm>>
      tpu.enqueue_dma source(%arg13 : memref<128x128xf32, #tpu.memory_space<vmem>>) target(%dma_start3A_86 : memref<128x128xf32, #tpu.memory_space<hbm>>) target_semaphore(%run_scoped3A : memref<!tpu.dma_semaphore, #tpu.memory_space<semaphore_mem>>)
      %dma_wait3A_87 = arith.constant 0 : i32
      %dma_wait3A_88 = tpu.memref_slice %arg6[%arg0, %multiple_of3A_70, %dma_wait3A_87] : memref<2x10240x128xf32, #tpu.memory_space<hbm>> -> memref<1x128x128xf32, #tpu.memory_space<hbm>>
      %dma_wait3A_89 = tpu.memref_squeeze %dma_wait3A_88 : memref<1x128x128xf32, #tpu.memory_space<hbm>> -> memref<128x128xf32, #tpu.memory_space<hbm>>
      %dma_wait3A_90 = arith.constant 0 : i32
      %dma_wait3A_91 = tpu.memref_slice %arg6[%arg0, %multiple_of3A_70, %dma_wait3A_90] : memref<2x10240x128xf32, #tpu.memory_space<hbm>> -> memref<1x128x128xf32, #tpu.memory_space<hbm>>
      %dma_wait3A_92 = tpu.memref_squeeze %dma_wait3A_91 : memref<1x128x128xf32, #tpu.memory_space<hbm>> -> memref<128x128xf32, #tpu.memory_space<hbm>>
      tpu.wait_dma2 semaphore(%run_scoped3A : memref<!tpu.dma_semaphore, #tpu.memory_space<semaphore_mem>>) src(%arg13 : memref<128x128xf32, #tpu.memory_space<vmem>>) dst(%dma_wait3A_92 : memref<128x128xf32, #tpu.memory_space<hbm>>)
      tpu.yield
    }) : () -> ()
    %mul3A_71 = arith.constant 640 : i32
    %mul3A_72 = arith.muli %arg1, %mul3A_71 : i32
    %add3A_73 = arith.constant 384 : i32
    %add3A_74 = arith.addi %mul3A_72, %add3A_73 : i32
    %multiple_of3A_75 = tpu.assume_multiple %add3A_74, 8 : i32
    "tpu.region"() ({
      %run_scoped3A = tpu.sem_alloc : memref<!tpu.dma_semaphore, #tpu.memory_space<semaphore_mem>>
      %dma_start3A_81 = arith.constant 0 : i32
      %dma_start3A_82 = tpu.memref_slice %arg15[%multiple_of3A_75, %dma_start3A_81] : memref<10240x128xf32, #tpu.memory_space<vmem_shared>> -> memref<128x128xf32, #tpu.memory_space<vmem_shared>>
      %dma_start3A_83 = arith.constant 0 : i32
      %dma_start3A_84 = tpu.memref_slice %arg15[%multiple_of3A_75, %dma_start3A_83] : memref<10240x128xf32, #tpu.memory_space<vmem_shared>> -> memref<128x128xf32, #tpu.memory_space<vmem_shared>>
      tpu.enqueue_dma source(%dma_start3A_84 : memref<128x128xf32, #tpu.memory_space<vmem_shared>>) target(%arg13 : memref<128x128xf32, #tpu.memory_space<vmem>>) target_semaphore(%run_scoped3A : memref<!tpu.dma_semaphore, #tpu.memory_space<semaphore_mem>>)
      %dma_wait3A_85 = arith.constant 0 : i32
      %dma_wait3A_86 = tpu.memref_slice %arg15[%multiple_of3A_75, %dma_wait3A_85] : memref<10240x128xf32, #tpu.memory_space<vmem_shared>> -> memref<128x128xf32, #tpu.memory_space<vmem_shared>>
      %dma_wait3A_87 = arith.constant 0 : i32
      %dma_wait3A_88 = tpu.memref_slice %arg15[%multiple_of3A_75, %dma_wait3A_87] : memref<10240x128xf32, #tpu.memory_space<vmem_shared>> -> memref<128x128xf32, #tpu.memory_space<vmem_shared>>
      tpu.wait_dma2 semaphore(%run_scoped3A : memref<!tpu.dma_semaphore, #tpu.memory_space<semaphore_mem>>) src(%dma_wait3A_88 : memref<128x128xf32, #tpu.memory_space<vmem_shared>>) dst(%arg13 : memref<128x128xf32, #tpu.memory_space<vmem>>)
      tpu.yield
    }) : () -> ()
    "tpu.region"() ({
      %run_scoped3A = tpu.sem_alloc : memref<!tpu.dma_semaphore, #tpu.memory_space<semaphore_mem>>
      %dma_start3A_81 = arith.constant 0 : i32
      %dma_start3A_82 = tpu.memref_slice %arg6[%arg0, %multiple_of3A_75, %dma_start3A_81] : memref<2x10240x128xf32, #tpu.memory_space<hbm>> -> memref<1x128x128xf32, #tpu.memory_space<hbm>>
      %dma_start3A_83 = tpu.memref_squeeze %dma_start3A_82 : memref<1x128x128xf32, #tpu.memory_space<hbm>> -> memref<128x128xf32, #tpu.memory_space<hbm>>
      %dma_start3A_84 = arith.constant 0 : i32
      %dma_start3A_85 = tpu.memref_slice %arg6[%arg0, %multiple_of3A_75, %dma_start3A_84] : memref<2x10240x128xf32, #tpu.memory_space<hbm>> -> memref<1x128x128xf32, #tpu.memory_space<hbm>>
      %dma_start3A_86 = tpu.memref_squeeze %dma_start3A_85 : memref<1x128x128xf32, #tpu.memory_space<hbm>> -> memref<128x128xf32, #tpu.memory_space<hbm>>
      tpu.enqueue_dma source(%arg13 : memref<128x128xf32, #tpu.memory_space<vmem>>) target(%dma_start3A_86 : memref<128x128xf32, #tpu.memory_space<hbm>>) target_semaphore(%run_scoped3A : memref<!tpu.dma_semaphore, #tpu.memory_space<semaphore_mem>>)
      %dma_wait3A_87 = arith.constant 0 : i32
      %dma_wait3A_88 = tpu.memref_slice %arg6[%arg0, %multiple_of3A_75, %dma_wait3A_87] : memref<2x10240x128xf32, #tpu.memory_space<hbm>> -> memref<1x128x128xf32, #tpu.memory_space<hbm>>
      %dma_wait3A_89 = tpu.memref_squeeze %dma_wait3A_88 : memref<1x128x128xf32, #tpu.memory_space<hbm>> -> memref<128x128xf32, #tpu.memory_space<hbm>>
      %dma_wait3A_90 = arith.constant 0 : i32
      %dma_wait3A_91 = tpu.memref_slice %arg6[%arg0, %multiple_of3A_75, %dma_wait3A_90] : memref<2x10240x128xf32, #tpu.memory_space<hbm>> -> memref<1x128x128xf32, #tpu.memory_space<hbm>>
      %dma_wait3A_92 = tpu.memref_squeeze %dma_wait3A_91 : memref<1x128x128xf32, #tpu.memory_space<hbm>> -> memref<128x128xf32, #tpu.memory_space<hbm>>
      tpu.wait_dma2 semaphore(%run_scoped3A : memref<!tpu.dma_semaphore, #tpu.memory_space<semaphore_mem>>) src(%arg13 : memref<128x128xf32, #tpu.memory_space<vmem>>) dst(%dma_wait3A_92 : memref<128x128xf32, #tpu.memory_space<hbm>>)
      tpu.yield
    }) : () -> ()
    %mul3A_76 = arith.constant 640 : i32
    %mul3A_77 = arith.muli %arg1, %mul3A_76 : i32
    %add3A_78 = arith.constant 512 : i32
    %add3A_79 = arith.addi %mul3A_77, %add3A_78 : i32
    %multiple_of3A_80 = tpu.assume_multiple %add3A_79, 8 : i32
    "tpu.region"() ({
      %run_scoped3A = tpu.sem_alloc : memref<!tpu.dma_semaphore, #tpu.memory_space<semaphore_mem>>
      %dma_start3A_81 = arith.constant 0 : i32
      %dma_start3A_82 = tpu.memref_slice %arg15[%multiple_of3A_80, %dma_start3A_81] : memref<10240x128xf32, #tpu.memory_space<vmem_shared>> -> memref<128x128xf32, #tpu.memory_space<vmem_shared>>
      %dma_start3A_83 = arith.constant 0 : i32
      %dma_start3A_84 = tpu.memref_slice %arg15[%multiple_of3A_80, %dma_start3A_83] : memref<10240x128xf32, #tpu.memory_space<vmem_shared>> -> memref<128x128xf32, #tpu.memory_space<vmem_shared>>
      tpu.enqueue_dma source(%dma_start3A_84 : memref<128x128xf32, #tpu.memory_space<vmem_shared>>) target(%arg13 : memref<128x128xf32, #tpu.memory_space<vmem>>) target_semaphore(%run_scoped3A : memref<!tpu.dma_semaphore, #tpu.memory_space<semaphore_mem>>)
      %dma_wait3A_85 = arith.constant 0 : i32
      %dma_wait3A_86 = tpu.memref_slice %arg15[%multiple_of3A_80, %dma_wait3A_85] : memref<10240x128xf32, #tpu.memory_space<vmem_shared>> -> memref<128x128xf32, #tpu.memory_space<vmem_shared>>
      %dma_wait3A_87 = arith.constant 0 : i32
      %dma_wait3A_88 = tpu.memref_slice %arg15[%multiple_of3A_80, %dma_wait3A_87] : memref<10240x128xf32, #tpu.memory_space<vmem_shared>> -> memref<128x128xf32, #tpu.memory_space<vmem_shared>>
      tpu.wait_dma2 semaphore(%run_scoped3A : memref<!tpu.dma_semaphore, #tpu.memory_space<semaphore_mem>>) src(%dma_wait3A_88 : memref<128x128xf32, #tpu.memory_space<vmem_shared>>) dst(%arg13 : memref<128x128xf32, #tpu.memory_space<vmem>>)
      tpu.yield
    }) : () -> ()
    "tpu.region"() ({
      %run_scoped3A = tpu.sem_alloc : memref<!tpu.dma_semaphore, #tpu.memory_space<semaphore_mem>>
      %dma_start3A_81 = arith.constant 0 : i32
      %dma_start3A_82 = tpu.memref_slice %arg6[%arg0, %multiple_of3A_80, %dma_start3A_81] : memref<2x10240x128xf32, #tpu.memory_space<hbm>> -> memref<1x128x128xf32, #tpu.memory_space<hbm>>
      %dma_start3A_83 = tpu.memref_squeeze %dma_start3A_82 : memref<1x128x128xf32, #tpu.memory_space<hbm>> -> memref<128x128xf32, #tpu.memory_space<hbm>>
      %dma_start3A_84 = arith.constant 0 : i32
      %dma_start3A_85 = tpu.memref_slice %arg6[%arg0, %multiple_of3A_80, %dma_start3A_84] : memref<2x10240x128xf32, #tpu.memory_space<hbm>> -> memref<1x128x128xf32, #tpu.memory_space<hbm>>
      %dma_start3A_86 = tpu.memref_squeeze %dma_start3A_85 : memref<1x128x128xf32, #tpu.memory_space<hbm>> -> memref<128x128xf32, #tpu.memory_space<hbm>>
      tpu.enqueue_dma source(%arg13 : memref<128x128xf32, #tpu.memory_space<vmem>>) target(%dma_start3A_86 : memref<128x128xf32, #tpu.memory_space<hbm>>) target_semaphore(%run_scoped3A : memref<!tpu.dma_semaphore, #tpu.memory_space<semaphore_mem>>)
      %dma_wait3A_87 = arith.constant 0 : i32
      %dma_wait3A_88 = tpu.memref_slice %arg6[%arg0, %multiple_of3A_80, %dma_wait3A_87] : memref<2x10240x128xf32, #tpu.memory_space<hbm>> -> memref<1x128x128xf32, #tpu.memory_space<hbm>>
      %dma_wait3A_89 = tpu.memref_squeeze %dma_wait3A_88 : memref<1x128x128xf32, #tpu.memory_space<hbm>> -> memref<128x128xf32, #tpu.memory_space<hbm>>
      %dma_wait3A_90 = arith.constant 0 : i32
      %dma_wait3A_91 = tpu.memref_slice %arg6[%arg0, %multiple_of3A_80, %dma_wait3A_90] : memref<2x10240x128xf32, #tpu.memory_space<hbm>> -> memref<1x128x128xf32, #tpu.memory_space<hbm>>
      %dma_wait3A_92 = tpu.memref_squeeze %dma_wait3A_91 : memref<1x128x128xf32, #tpu.memory_space<hbm>> -> memref<128x128xf32, #tpu.memory_space<hbm>>
      tpu.wait_dma2 semaphore(%run_scoped3A : memref<!tpu.dma_semaphore, #tpu.memory_space<semaphore_mem>>) src(%arg13 : memref<128x128xf32, #tpu.memory_space<vmem>>) dst(%dma_wait3A_92 : memref<128x128xf32, #tpu.memory_space<hbm>>)
      tpu.yield
    }) : () -> ()
    "tpu.region"() ({
      %run_scoped3A = tpu.sem_alloc : memref<!tpu.dma_semaphore, #tpu.memory_space<semaphore_mem>>
      %dma_start3A_81 = arith.constant 0 : i32
      %dma_start3A_82 = tpu.memref_slice %arg7[%add3A, %dma_start3A_81] : memref<32x10240xf32, #tpu.memory_space<hbm>> -> memref<1x10240xf32, #tpu.memory_space<hbm>>
      %dma_start3A_83 = tpu.memref_squeeze %dma_start3A_82 : memref<1x10240xf32, #tpu.memory_space<hbm>> -> memref<10240xf32, #tpu.memory_space<hbm>>
      %dma_start3A_84 = arith.constant 0 : i32
      %dma_start3A_85 = tpu.memref_slice %arg7[%add3A, %dma_start3A_84] : memref<32x10240xf32, #tpu.memory_space<hbm>> -> memref<1x10240xf32, #tpu.memory_space<hbm>>
      %dma_start3A_86 = tpu.memref_squeeze %dma_start3A_85 : memref<1x10240xf32, #tpu.memory_space<hbm>> -> memref<10240xf32, #tpu.memory_space<hbm>>
      tpu.enqueue_dma source(%arg16 : memref<10240xf32, #tpu.memory_space<vmem>>) target(%dma_start3A_86 : memref<10240xf32, #tpu.memory_space<hbm>>) target_semaphore(%run_scoped3A : memref<!tpu.dma_semaphore, #tpu.memory_space<semaphore_mem>>)
      %dma_wait3A_87 = arith.constant 0 : i32
      %dma_wait3A_88 = tpu.memref_slice %arg7[%add3A, %dma_wait3A_87] : memref<32x10240xf32, #tpu.memory_space<hbm>> -> memref<1x10240xf32, #tpu.memory_space<hbm>>
      %dma_wait3A_89 = tpu.memref_squeeze %dma_wait3A_88 : memref<1x10240xf32, #tpu.memory_space<hbm>> -> memref<10240xf32, #tpu.memory_space<hbm>>
      %dma_wait3A_90 = arith.constant 0 : i32
      %dma_wait3A_91 = tpu.memref_slice %arg7[%add3A, %dma_wait3A_90] : memref<32x10240xf32, #tpu.memory_space<hbm>> -> memref<1x10240xf32, #tpu.memory_space<hbm>>
      %dma_wait3A_92 = tpu.memref_squeeze %dma_wait3A_91 : memref<1x10240xf32, #tpu.memory_space<hbm>> -> memref<10240xf32, #tpu.memory_space<hbm>>
      tpu.wait_dma2 semaphore(%run_scoped3A : memref<!tpu.dma_semaphore, #tpu.memory_space<semaphore_mem>>) src(%arg16 : memref<10240xf32, #tpu.memory_space<vmem>>) dst(%dma_wait3A_92 : memref<10240xf32, #tpu.memory_space<hbm>>)
      tpu.yield
    }) : () -> ()
    return
  }
}

#map = affine_map<(d0, d1) -> (0, 0)>
#map1 = affine_map<(d0, d1) -> (0)>
#map2 = affine_map<(d0, d1) -> (0, 0, 0)>
module attributes {stable_mosaic.version = 14 : i64} {
  func.func @agg(%arg0: i32, %arg1: i32, %arg2: memref<10240x128xf32, #tpu.memory_space<hbm>>, %arg3: memref<160000xi32, #tpu.memory_space<hbm>>, %arg4: memref<160000xi32, #tpu.memory_space<hbm>>, %arg5: memref<128x128xf32, #tpu.memory_space<hbm>>, %arg6: memref<2x10240x128xf32, #tpu.memory_space<hbm>>, %arg7: memref<128xi32, #tpu.memory_space<vmem>>, %arg8: memref<128xi32, #tpu.memory_space<vmem>>, %arg9: memref<8xi32, #tpu.memory_space<vmem>>, %arg10: memref<8xi32, #tpu.memory_space<vmem>>, %arg11: memref<16xi32, #tpu.memory_space<vmem>>, %arg12: memref<128x128xf32, #tpu.memory_space<vmem>>, %arg13: memref<8x128xf32, #tpu.memory_space<vmem>>, %arg14: memref<10240x128xf32, #tpu.memory_space<vmem_shared>>, %arg15: memref<!tpu.dma_semaphore, #tpu.memory_space<semaphore_mem>>) attributes {dimension_semantics = [#tpu.dimension_semantics<core_parallel>, #tpu.dimension_semantics<subcore_parallel>], iteration_bounds = array<i64: 2, 16>, scalar_prefetch = 0 : i64, scratch_operands = 9 : i64, tpu.core_type = #tpu.core_type<sc_vector_subcore>, window_params = [{transform_indices = #map}, {transform_indices = #map1}, {transform_indices = #map1}, {transform_indices = #map}, {transform_indices = #map2}]} {
    %mul3A = arith.constant 16 : i32
    %mul3A_0 = arith.muli %arg0, %mul3A : i32
    %add3A = arith.addi %mul3A_0, %arg1 : i32
    %broadcast_in_dim3A = arith.constant 1.000000e+00 : f32
    %broadcast_in_dim3A_1 = vector.broadcast %broadcast_in_dim3A : f32 to vector<16xf32>
    %broadcast_in_dim3A_2 = arith.constant 0.000000e+00 : f32
    %broadcast_in_dim3A_3 = vector.broadcast %broadcast_in_dim3A_2 : f32 to vector<16xf32>
    "tpu.region"() ({
      %run_scoped3A = tpu.sem_alloc : memref<!tpu.dma_semaphore, #tpu.memory_space<semaphore_mem>>
      tpu.enqueue_dma source(%arg5 : memref<128x128xf32, #tpu.memory_space<hbm>>) target(%arg12 : memref<128x128xf32, #tpu.memory_space<vmem>>) target_semaphore(%run_scoped3A : memref<!tpu.dma_semaphore, #tpu.memory_space<semaphore_mem>>)
      tpu.wait_dma2 semaphore(%run_scoped3A : memref<!tpu.dma_semaphore, #tpu.memory_space<semaphore_mem>>) src(%arg5 : memref<128x128xf32, #tpu.memory_space<hbm>>) dst(%arg12 : memref<128x128xf32, #tpu.memory_space<vmem>>)
      tpu.yield
    }) : () -> ()
    %mul3A_4 = arith.constant 640 : i32
    %mul3A_5 = arith.muli %arg1, %mul3A_4 : i32
    %add3A_6 = arith.constant 0 : i32
    %add3A_7 = arith.addi %mul3A_5, %add3A_6 : i32
    %multiple_of3A = tpu.assume_multiple %add3A_7, 8 : i32
    "tpu.region"() ({
      %run_scoped3A = tpu.sem_alloc : memref<!tpu.dma_semaphore, #tpu.memory_space<semaphore_mem>>
      %dma_start3A_68 = arith.constant 0 : i32
      %dma_start3A_69 = tpu.memref_slice %arg14[%multiple_of3A, %dma_start3A_68] : memref<10240x128xf32, #tpu.memory_space<vmem_shared>> -> memref<128x128xf32, #tpu.memory_space<vmem_shared>>
      %dma_start3A_70 = arith.constant 0 : i32
      %dma_start3A_71 = tpu.memref_slice %arg14[%multiple_of3A, %dma_start3A_70] : memref<10240x128xf32, #tpu.memory_space<vmem_shared>> -> memref<128x128xf32, #tpu.memory_space<vmem_shared>>
      tpu.enqueue_dma source(%arg12 : memref<128x128xf32, #tpu.memory_space<vmem>>) target(%dma_start3A_71 : memref<128x128xf32, #tpu.memory_space<vmem_shared>>) target_semaphore(%run_scoped3A : memref<!tpu.dma_semaphore, #tpu.memory_space<semaphore_mem>>)
      %dma_wait3A_72 = arith.constant 0 : i32
      %dma_wait3A_73 = tpu.memref_slice %arg14[%multiple_of3A, %dma_wait3A_72] : memref<10240x128xf32, #tpu.memory_space<vmem_shared>> -> memref<128x128xf32, #tpu.memory_space<vmem_shared>>
      %dma_wait3A_74 = arith.constant 0 : i32
      %dma_wait3A_75 = tpu.memref_slice %arg14[%multiple_of3A, %dma_wait3A_74] : memref<10240x128xf32, #tpu.memory_space<vmem_shared>> -> memref<128x128xf32, #tpu.memory_space<vmem_shared>>
      tpu.wait_dma2 semaphore(%run_scoped3A : memref<!tpu.dma_semaphore, #tpu.memory_space<semaphore_mem>>) src(%arg12 : memref<128x128xf32, #tpu.memory_space<vmem>>) dst(%dma_wait3A_75 : memref<128x128xf32, #tpu.memory_space<vmem_shared>>)
      tpu.yield
    }) : () -> ()
    %mul3A_8 = arith.constant 640 : i32
    %mul3A_9 = arith.muli %arg1, %mul3A_8 : i32
    %add3A_10 = arith.constant 128 : i32
    %add3A_11 = arith.addi %mul3A_9, %add3A_10 : i32
    %multiple_of3A_12 = tpu.assume_multiple %add3A_11, 8 : i32
    "tpu.region"() ({
      %run_scoped3A = tpu.sem_alloc : memref<!tpu.dma_semaphore, #tpu.memory_space<semaphore_mem>>
      %dma_start3A_68 = arith.constant 0 : i32
      %dma_start3A_69 = tpu.memref_slice %arg14[%multiple_of3A_12, %dma_start3A_68] : memref<10240x128xf32, #tpu.memory_space<vmem_shared>> -> memref<128x128xf32, #tpu.memory_space<vmem_shared>>
      %dma_start3A_70 = arith.constant 0 : i32
      %dma_start3A_71 = tpu.memref_slice %arg14[%multiple_of3A_12, %dma_start3A_70] : memref<10240x128xf32, #tpu.memory_space<vmem_shared>> -> memref<128x128xf32, #tpu.memory_space<vmem_shared>>
      tpu.enqueue_dma source(%arg12 : memref<128x128xf32, #tpu.memory_space<vmem>>) target(%dma_start3A_71 : memref<128x128xf32, #tpu.memory_space<vmem_shared>>) target_semaphore(%run_scoped3A : memref<!tpu.dma_semaphore, #tpu.memory_space<semaphore_mem>>)
      %dma_wait3A_72 = arith.constant 0 : i32
      %dma_wait3A_73 = tpu.memref_slice %arg14[%multiple_of3A_12, %dma_wait3A_72] : memref<10240x128xf32, #tpu.memory_space<vmem_shared>> -> memref<128x128xf32, #tpu.memory_space<vmem_shared>>
      %dma_wait3A_74 = arith.constant 0 : i32
      %dma_wait3A_75 = tpu.memref_slice %arg14[%multiple_of3A_12, %dma_wait3A_74] : memref<10240x128xf32, #tpu.memory_space<vmem_shared>> -> memref<128x128xf32, #tpu.memory_space<vmem_shared>>
      tpu.wait_dma2 semaphore(%run_scoped3A : memref<!tpu.dma_semaphore, #tpu.memory_space<semaphore_mem>>) src(%arg12 : memref<128x128xf32, #tpu.memory_space<vmem>>) dst(%dma_wait3A_75 : memref<128x128xf32, #tpu.memory_space<vmem_shared>>)
      tpu.yield
    }) : () -> ()
    %mul3A_13 = arith.constant 640 : i32
    %mul3A_14 = arith.muli %arg1, %mul3A_13 : i32
    %add3A_15 = arith.constant 256 : i32
    %add3A_16 = arith.addi %mul3A_14, %add3A_15 : i32
    %multiple_of3A_17 = tpu.assume_multiple %add3A_16, 8 : i32
    "tpu.region"() ({
      %run_scoped3A = tpu.sem_alloc : memref<!tpu.dma_semaphore, #tpu.memory_space<semaphore_mem>>
      %dma_start3A_68 = arith.constant 0 : i32
      %dma_start3A_69 = tpu.memref_slice %arg14[%multiple_of3A_17, %dma_start3A_68] : memref<10240x128xf32, #tpu.memory_space<vmem_shared>> -> memref<128x128xf32, #tpu.memory_space<vmem_shared>>
      %dma_start3A_70 = arith.constant 0 : i32
      %dma_start3A_71 = tpu.memref_slice %arg14[%multiple_of3A_17, %dma_start3A_70] : memref<10240x128xf32, #tpu.memory_space<vmem_shared>> -> memref<128x128xf32, #tpu.memory_space<vmem_shared>>
      tpu.enqueue_dma source(%arg12 : memref<128x128xf32, #tpu.memory_space<vmem>>) target(%dma_start3A_71 : memref<128x128xf32, #tpu.memory_space<vmem_shared>>) target_semaphore(%run_scoped3A : memref<!tpu.dma_semaphore, #tpu.memory_space<semaphore_mem>>)
      %dma_wait3A_72 = arith.constant 0 : i32
      %dma_wait3A_73 = tpu.memref_slice %arg14[%multiple_of3A_17, %dma_wait3A_72] : memref<10240x128xf32, #tpu.memory_space<vmem_shared>> -> memref<128x128xf32, #tpu.memory_space<vmem_shared>>
      %dma_wait3A_74 = arith.constant 0 : i32
      %dma_wait3A_75 = tpu.memref_slice %arg14[%multiple_of3A_17, %dma_wait3A_74] : memref<10240x128xf32, #tpu.memory_space<vmem_shared>> -> memref<128x128xf32, #tpu.memory_space<vmem_shared>>
      tpu.wait_dma2 semaphore(%run_scoped3A : memref<!tpu.dma_semaphore, #tpu.memory_space<semaphore_mem>>) src(%arg12 : memref<128x128xf32, #tpu.memory_space<vmem>>) dst(%dma_wait3A_75 : memref<128x128xf32, #tpu.memory_space<vmem_shared>>)
      tpu.yield
    }) : () -> ()
    %mul3A_18 = arith.constant 640 : i32
    %mul3A_19 = arith.muli %arg1, %mul3A_18 : i32
    %add3A_20 = arith.constant 384 : i32
    %add3A_21 = arith.addi %mul3A_19, %add3A_20 : i32
    %multiple_of3A_22 = tpu.assume_multiple %add3A_21, 8 : i32
    "tpu.region"() ({
      %run_scoped3A = tpu.sem_alloc : memref<!tpu.dma_semaphore, #tpu.memory_space<semaphore_mem>>
      %dma_start3A_68 = arith.constant 0 : i32
      %dma_start3A_69 = tpu.memref_slice %arg14[%multiple_of3A_22, %dma_start3A_68] : memref<10240x128xf32, #tpu.memory_space<vmem_shared>> -> memref<128x128xf32, #tpu.memory_space<vmem_shared>>
      %dma_start3A_70 = arith.constant 0 : i32
      %dma_start3A_71 = tpu.memref_slice %arg14[%multiple_of3A_22, %dma_start3A_70] : memref<10240x128xf32, #tpu.memory_space<vmem_shared>> -> memref<128x128xf32, #tpu.memory_space<vmem_shared>>
      tpu.enqueue_dma source(%arg12 : memref<128x128xf32, #tpu.memory_space<vmem>>) target(%dma_start3A_71 : memref<128x128xf32, #tpu.memory_space<vmem_shared>>) target_semaphore(%run_scoped3A : memref<!tpu.dma_semaphore, #tpu.memory_space<semaphore_mem>>)
      %dma_wait3A_72 = arith.constant 0 : i32
      %dma_wait3A_73 = tpu.memref_slice %arg14[%multiple_of3A_22, %dma_wait3A_72] : memref<10240x128xf32, #tpu.memory_space<vmem_shared>> -> memref<128x128xf32, #tpu.memory_space<vmem_shared>>
      %dma_wait3A_74 = arith.constant 0 : i32
      %dma_wait3A_75 = tpu.memref_slice %arg14[%multiple_of3A_22, %dma_wait3A_74] : memref<10240x128xf32, #tpu.memory_space<vmem_shared>> -> memref<128x128xf32, #tpu.memory_space<vmem_shared>>
      tpu.wait_dma2 semaphore(%run_scoped3A : memref<!tpu.dma_semaphore, #tpu.memory_space<semaphore_mem>>) src(%arg12 : memref<128x128xf32, #tpu.memory_space<vmem>>) dst(%dma_wait3A_75 : memref<128x128xf32, #tpu.memory_space<vmem_shared>>)
      tpu.yield
    }) : () -> ()
    %mul3A_23 = arith.constant 640 : i32
    %mul3A_24 = arith.muli %arg1, %mul3A_23 : i32
    %add3A_25 = arith.constant 512 : i32
    %add3A_26 = arith.addi %mul3A_24, %add3A_25 : i32
    %multiple_of3A_27 = tpu.assume_multiple %add3A_26, 8 : i32
    "tpu.region"() ({
      %run_scoped3A = tpu.sem_alloc : memref<!tpu.dma_semaphore, #tpu.memory_space<semaphore_mem>>
      %dma_start3A_68 = arith.constant 0 : i32
      %dma_start3A_69 = tpu.memref_slice %arg14[%multiple_of3A_27, %dma_start3A_68] : memref<10240x128xf32, #tpu.memory_space<vmem_shared>> -> memref<128x128xf32, #tpu.memory_space<vmem_shared>>
      %dma_start3A_70 = arith.constant 0 : i32
      %dma_start3A_71 = tpu.memref_slice %arg14[%multiple_of3A_27, %dma_start3A_70] : memref<10240x128xf32, #tpu.memory_space<vmem_shared>> -> memref<128x128xf32, #tpu.memory_space<vmem_shared>>
      tpu.enqueue_dma source(%arg12 : memref<128x128xf32, #tpu.memory_space<vmem>>) target(%dma_start3A_71 : memref<128x128xf32, #tpu.memory_space<vmem_shared>>) target_semaphore(%run_scoped3A : memref<!tpu.dma_semaphore, #tpu.memory_space<semaphore_mem>>)
      %dma_wait3A_72 = arith.constant 0 : i32
      %dma_wait3A_73 = tpu.memref_slice %arg14[%multiple_of3A_27, %dma_wait3A_72] : memref<10240x128xf32, #tpu.memory_space<vmem_shared>> -> memref<128x128xf32, #tpu.memory_space<vmem_shared>>
      %dma_wait3A_74 = arith.constant 0 : i32
      %dma_wait3A_75 = tpu.memref_slice %arg14[%multiple_of3A_27, %dma_wait3A_74] : memref<10240x128xf32, #tpu.memory_space<vmem_shared>> -> memref<128x128xf32, #tpu.memory_space<vmem_shared>>
      tpu.wait_dma2 semaphore(%run_scoped3A : memref<!tpu.dma_semaphore, #tpu.memory_space<semaphore_mem>>) src(%arg12 : memref<128x128xf32, #tpu.memory_space<vmem>>) dst(%dma_wait3A_75 : memref<128x128xf32, #tpu.memory_space<vmem_shared>>)
      tpu.yield
    }) : () -> ()
    %barrier3A = arith.constant 0 : index
    tpu.barrier barrier_id(%barrier3A)
    %mul3A_28 = arith.constant 5000 : i32
    %mul3A_29 = arith.muli %add3A, %mul3A_28 : i32
    %scan3A = arith.constant 0 : i32
    %scan3A_30 = arith.constant 0 : i32
    %scan3A_31 = arith.constant 39 : i32
    %scan3A_32 = arith.addi %scan3A_30, %scan3A_31 : i32
    %scan3A_33 = arith.constant 1 : i32
    scf.for %scan3A_68 = %scan3A_30 to %scan3A_32 step %scan3A_33  : i32 {
      %mul3A_69 = arith.constant 128 : i32
      %mul3A_70 = arith.muli %scan3A_68, %mul3A_69 : i32
      %add3A_71 = arith.addi %mul3A_29, %mul3A_70 : i32
      %multiple_of3A_72 = tpu.assume_multiple %add3A_71, 8 : i32
      "tpu.region"() ({
        %run_scoped3A = tpu.sem_alloc : memref<!tpu.dma_semaphore, #tpu.memory_space<semaphore_mem>>
        %dma_start3A_79 = tpu.memref_slice %arg3[%multiple_of3A_72] : memref<160000xi32, #tpu.memory_space<hbm>> -> memref<128xi32, #tpu.memory_space<hbm>>
        %dma_start3A_80 = tpu.memref_slice %arg3[%multiple_of3A_72] : memref<160000xi32, #tpu.memory_space<hbm>> -> memref<128xi32, #tpu.memory_space<hbm>>
        tpu.enqueue_dma source(%dma_start3A_80 : memref<128xi32, #tpu.memory_space<hbm>>) target(%arg7 : memref<128xi32, #tpu.memory_space<vmem>>) target_semaphore(%run_scoped3A : memref<!tpu.dma_semaphore, #tpu.memory_space<semaphore_mem>>)
        %dma_wait3A_81 = tpu.memref_slice %arg3[%multiple_of3A_72] : memref<160000xi32, #tpu.memory_space<hbm>> -> memref<128xi32, #tpu.memory_space<hbm>>
        %dma_wait3A_82 = tpu.memref_slice %arg3[%multiple_of3A_72] : memref<160000xi32, #tpu.memory_space<hbm>> -> memref<128xi32, #tpu.memory_space<hbm>>
        tpu.wait_dma2 semaphore(%run_scoped3A : memref<!tpu.dma_semaphore, #tpu.memory_space<semaphore_mem>>) src(%dma_wait3A_82 : memref<128xi32, #tpu.memory_space<hbm>>) dst(%arg7 : memref<128xi32, #tpu.memory_space<vmem>>)
        tpu.yield
      }) : () -> ()
      "tpu.region"() ({
        %run_scoped3A = tpu.sem_alloc : memref<!tpu.dma_semaphore, #tpu.memory_space<semaphore_mem>>
        %dma_start3A_79 = tpu.memref_slice %arg4[%multiple_of3A_72] : memref<160000xi32, #tpu.memory_space<hbm>> -> memref<128xi32, #tpu.memory_space<hbm>>
        %dma_start3A_80 = tpu.memref_slice %arg4[%multiple_of3A_72] : memref<160000xi32, #tpu.memory_space<hbm>> -> memref<128xi32, #tpu.memory_space<hbm>>
        tpu.enqueue_dma source(%dma_start3A_80 : memref<128xi32, #tpu.memory_space<hbm>>) target(%arg8 : memref<128xi32, #tpu.memory_space<vmem>>) target_semaphore(%run_scoped3A : memref<!tpu.dma_semaphore, #tpu.memory_space<semaphore_mem>>)
        %dma_wait3A_81 = tpu.memref_slice %arg4[%multiple_of3A_72] : memref<160000xi32, #tpu.memory_space<hbm>> -> memref<128xi32, #tpu.memory_space<hbm>>
        %dma_wait3A_82 = tpu.memref_slice %arg4[%multiple_of3A_72] : memref<160000xi32, #tpu.memory_space<hbm>> -> memref<128xi32, #tpu.memory_space<hbm>>
        tpu.wait_dma2 semaphore(%run_scoped3A : memref<!tpu.dma_semaphore, #tpu.memory_space<semaphore_mem>>) src(%dma_wait3A_82 : memref<128xi32, #tpu.memory_space<hbm>>) dst(%arg8 : memref<128xi32, #tpu.memory_space<vmem>>)
        tpu.yield
      }) : () -> ()
      %dma_start3A_73 = arith.constant 0 : i32
      %dma_start3A_74 = arith.constant 0 : i32
      %dma_start3A_75 = tpu.memref_slice %arg2[%dma_start3A_73, %dma_start3A_74] : memref<10240x128xf32, #tpu.memory_space<hbm>> -> memref<10240x128xf32, #tpu.memory_space<hbm>>
      tpu.enqueue_indirect_dma source(%dma_start3A_75 : memref<10240x128xf32, #tpu.memory_space<hbm>>) target(%arg12 : memref<128x128xf32, #tpu.memory_space<vmem>>) offsets(%arg7 : memref<128xi32, #tpu.memory_space<vmem>>) semaphore(%arg15 : memref<!tpu.dma_semaphore, #tpu.memory_space<semaphore_mem>>)
      %dma_wait3A_76 = arith.constant 0 : i32
      %dma_wait3A_77 = arith.constant 0 : i32
      %dma_wait3A_78 = tpu.memref_slice %arg2[%dma_wait3A_76, %dma_wait3A_77] : memref<10240x128xf32, #tpu.memory_space<hbm>> -> memref<10240x128xf32, #tpu.memory_space<hbm>>
      tpu.wait_indirect_dma semaphore(%arg15 : memref<!tpu.dma_semaphore, #tpu.memory_space<semaphore_mem>>) src(%dma_wait3A_78 : memref<10240x128xf32, #tpu.memory_space<hbm>>) dst(%arg12 : memref<128x128xf32, #tpu.memory_space<vmem>>)
      "tpu.region"() ({
        %run_scoped3A = tpu.sem_alloc : memref<!tpu.dma_semaphore, #tpu.memory_space<semaphore_mem>>
        %dma_start3A_79 = arith.constant 0 : i32
        %dma_start3A_80 = arith.constant 0 : i32
        %dma_start3A_81 = tpu.memref_slice %arg14[%dma_start3A_79, %dma_start3A_80] : memref<10240x128xf32, #tpu.memory_space<vmem_shared>> -> memref<10240x128xf32, #tpu.memory_space<vmem_shared>>
        tpu.enqueue_indirect_dma source(%arg12 : memref<128x128xf32, #tpu.memory_space<vmem>>) target(%dma_start3A_81 : memref<10240x128xf32, #tpu.memory_space<vmem_shared>>) offsets(%arg8 : memref<128xi32, #tpu.memory_space<vmem>>) semaphore(%run_scoped3A : memref<!tpu.dma_semaphore, #tpu.memory_space<semaphore_mem>>) {add = true}
        %dma_wait3A_82 = arith.constant 0 : i32
        %dma_wait3A_83 = arith.constant 0 : i32
        %dma_wait3A_84 = tpu.memref_slice %arg14[%dma_wait3A_82, %dma_wait3A_83] : memref<10240x128xf32, #tpu.memory_space<vmem_shared>> -> memref<10240x128xf32, #tpu.memory_space<vmem_shared>>
        tpu.wait_indirect_dma semaphore(%run_scoped3A : memref<!tpu.dma_semaphore, #tpu.memory_space<semaphore_mem>>) src(%arg12 : memref<128x128xf32, #tpu.memory_space<vmem>>) dst(%dma_wait3A_84 : memref<10240x128xf32, #tpu.memory_space<vmem_shared>>)
        tpu.yield
      }) : () -> ()
    }
    %scan3A_34 = arith.constant 39 : i32
    %add3A_35 = arith.constant 4992 : i32
    %add3A_36 = arith.addi %mul3A_29, %add3A_35 : i32
    %multiple_of3A_37 = tpu.assume_multiple %add3A_36, 8 : i32
    "tpu.region"() ({
      %run_scoped3A = tpu.sem_alloc : memref<!tpu.dma_semaphore, #tpu.memory_space<semaphore_mem>>
      %dma_start3A_68 = tpu.memref_slice %arg3[%multiple_of3A_37] : memref<160000xi32, #tpu.memory_space<hbm>> -> memref<8xi32, #tpu.memory_space<hbm>>
      %dma_start3A_69 = tpu.memref_slice %arg3[%multiple_of3A_37] : memref<160000xi32, #tpu.memory_space<hbm>> -> memref<8xi32, #tpu.memory_space<hbm>>
      tpu.enqueue_dma source(%dma_start3A_69 : memref<8xi32, #tpu.memory_space<hbm>>) target(%arg9 : memref<8xi32, #tpu.memory_space<vmem>>) target_semaphore(%run_scoped3A : memref<!tpu.dma_semaphore, #tpu.memory_space<semaphore_mem>>)
      %dma_wait3A_70 = tpu.memref_slice %arg3[%multiple_of3A_37] : memref<160000xi32, #tpu.memory_space<hbm>> -> memref<8xi32, #tpu.memory_space<hbm>>
      %dma_wait3A_71 = tpu.memref_slice %arg3[%multiple_of3A_37] : memref<160000xi32, #tpu.memory_space<hbm>> -> memref<8xi32, #tpu.memory_space<hbm>>
      tpu.wait_dma2 semaphore(%run_scoped3A : memref<!tpu.dma_semaphore, #tpu.memory_space<semaphore_mem>>) src(%dma_wait3A_71 : memref<8xi32, #tpu.memory_space<hbm>>) dst(%arg9 : memref<8xi32, #tpu.memory_space<vmem>>)
      tpu.yield
    }) : () -> ()
    "tpu.region"() ({
      %run_scoped3A = tpu.sem_alloc : memref<!tpu.dma_semaphore, #tpu.memory_space<semaphore_mem>>
      %dma_start3A_68 = tpu.memref_slice %arg4[%multiple_of3A_37] : memref<160000xi32, #tpu.memory_space<hbm>> -> memref<8xi32, #tpu.memory_space<hbm>>
      %dma_start3A_69 = tpu.memref_slice %arg4[%multiple_of3A_37] : memref<160000xi32, #tpu.memory_space<hbm>> -> memref<8xi32, #tpu.memory_space<hbm>>
      tpu.enqueue_dma source(%dma_start3A_69 : memref<8xi32, #tpu.memory_space<hbm>>) target(%arg10 : memref<8xi32, #tpu.memory_space<vmem>>) target_semaphore(%run_scoped3A : memref<!tpu.dma_semaphore, #tpu.memory_space<semaphore_mem>>)
      %dma_wait3A_70 = tpu.memref_slice %arg4[%multiple_of3A_37] : memref<160000xi32, #tpu.memory_space<hbm>> -> memref<8xi32, #tpu.memory_space<hbm>>
      %dma_wait3A_71 = tpu.memref_slice %arg4[%multiple_of3A_37] : memref<160000xi32, #tpu.memory_space<hbm>> -> memref<8xi32, #tpu.memory_space<hbm>>
      tpu.wait_dma2 semaphore(%run_scoped3A : memref<!tpu.dma_semaphore, #tpu.memory_space<semaphore_mem>>) src(%dma_wait3A_71 : memref<8xi32, #tpu.memory_space<hbm>>) dst(%arg10 : memref<8xi32, #tpu.memory_space<vmem>>)
      tpu.yield
    }) : () -> ()
    %dma_start3A = arith.constant 0 : i32
    %dma_start3A_38 = arith.constant 0 : i32
    %dma_start3A_39 = tpu.memref_slice %arg2[%dma_start3A, %dma_start3A_38] : memref<10240x128xf32, #tpu.memory_space<hbm>> -> memref<10240x128xf32, #tpu.memory_space<hbm>>
    tpu.enqueue_indirect_dma source(%dma_start3A_39 : memref<10240x128xf32, #tpu.memory_space<hbm>>) target(%arg13 : memref<8x128xf32, #tpu.memory_space<vmem>>) offsets(%arg9 : memref<8xi32, #tpu.memory_space<vmem>>) semaphore(%arg15 : memref<!tpu.dma_semaphore, #tpu.memory_space<semaphore_mem>>)
    %dma_wait3A = arith.constant 0 : i32
    %dma_wait3A_40 = arith.constant 0 : i32
    %dma_wait3A_41 = tpu.memref_slice %arg2[%dma_wait3A, %dma_wait3A_40] : memref<10240x128xf32, #tpu.memory_space<hbm>> -> memref<10240x128xf32, #tpu.memory_space<hbm>>
    tpu.wait_indirect_dma semaphore(%arg15 : memref<!tpu.dma_semaphore, #tpu.memory_space<semaphore_mem>>) src(%dma_wait3A_41 : memref<10240x128xf32, #tpu.memory_space<hbm>>) dst(%arg13 : memref<8x128xf32, #tpu.memory_space<vmem>>)
    "tpu.region"() ({
      %run_scoped3A = tpu.sem_alloc : memref<!tpu.dma_semaphore, #tpu.memory_space<semaphore_mem>>
      %dma_start3A_68 = arith.constant 0 : i32
      %dma_start3A_69 = arith.constant 0 : i32
      %dma_start3A_70 = tpu.memref_slice %arg14[%dma_start3A_68, %dma_start3A_69] : memref<10240x128xf32, #tpu.memory_space<vmem_shared>> -> memref<10240x128xf32, #tpu.memory_space<vmem_shared>>
      tpu.enqueue_indirect_dma source(%arg13 : memref<8x128xf32, #tpu.memory_space<vmem>>) target(%dma_start3A_70 : memref<10240x128xf32, #tpu.memory_space<vmem_shared>>) offsets(%arg10 : memref<8xi32, #tpu.memory_space<vmem>>) semaphore(%run_scoped3A : memref<!tpu.dma_semaphore, #tpu.memory_space<semaphore_mem>>) {add = true}
      %dma_wait3A_71 = arith.constant 0 : i32
      %dma_wait3A_72 = arith.constant 0 : i32
      %dma_wait3A_73 = tpu.memref_slice %arg14[%dma_wait3A_71, %dma_wait3A_72] : memref<10240x128xf32, #tpu.memory_space<vmem_shared>> -> memref<10240x128xf32, #tpu.memory_space<vmem_shared>>
      tpu.wait_indirect_dma semaphore(%run_scoped3A : memref<!tpu.dma_semaphore, #tpu.memory_space<semaphore_mem>>) src(%arg13 : memref<8x128xf32, #tpu.memory_space<vmem>>) dst(%dma_wait3A_73 : memref<10240x128xf32, #tpu.memory_space<vmem_shared>>)
      tpu.yield
    }) : () -> ()
    %barrier3A_42 = arith.constant 0 : index
    tpu.barrier barrier_id(%barrier3A_42)
    %mul3A_43 = arith.constant 640 : i32
    %mul3A_44 = arith.muli %arg1, %mul3A_43 : i32
    %add3A_45 = arith.constant 0 : i32
    %add3A_46 = arith.addi %mul3A_44, %add3A_45 : i32
    %multiple_of3A_47 = tpu.assume_multiple %add3A_46, 8 : i32
    "tpu.region"() ({
      %run_scoped3A = tpu.sem_alloc : memref<!tpu.dma_semaphore, #tpu.memory_space<semaphore_mem>>
      %dma_start3A_68 = arith.constant 0 : i32
      %dma_start3A_69 = tpu.memref_slice %arg14[%multiple_of3A_47, %dma_start3A_68] : memref<10240x128xf32, #tpu.memory_space<vmem_shared>> -> memref<128x128xf32, #tpu.memory_space<vmem_shared>>
      %dma_start3A_70 = arith.constant 0 : i32
      %dma_start3A_71 = tpu.memref_slice %arg14[%multiple_of3A_47, %dma_start3A_70] : memref<10240x128xf32, #tpu.memory_space<vmem_shared>> -> memref<128x128xf32, #tpu.memory_space<vmem_shared>>
      tpu.enqueue_dma source(%dma_start3A_71 : memref<128x128xf32, #tpu.memory_space<vmem_shared>>) target(%arg12 : memref<128x128xf32, #tpu.memory_space<vmem>>) target_semaphore(%run_scoped3A : memref<!tpu.dma_semaphore, #tpu.memory_space<semaphore_mem>>)
      %dma_wait3A_72 = arith.constant 0 : i32
      %dma_wait3A_73 = tpu.memref_slice %arg14[%multiple_of3A_47, %dma_wait3A_72] : memref<10240x128xf32, #tpu.memory_space<vmem_shared>> -> memref<128x128xf32, #tpu.memory_space<vmem_shared>>
      %dma_wait3A_74 = arith.constant 0 : i32
      %dma_wait3A_75 = tpu.memref_slice %arg14[%multiple_of3A_47, %dma_wait3A_74] : memref<10240x128xf32, #tpu.memory_space<vmem_shared>> -> memref<128x128xf32, #tpu.memory_space<vmem_shared>>
      tpu.wait_dma2 semaphore(%run_scoped3A : memref<!tpu.dma_semaphore, #tpu.memory_space<semaphore_mem>>) src(%dma_wait3A_75 : memref<128x128xf32, #tpu.memory_space<vmem_shared>>) dst(%arg12 : memref<128x128xf32, #tpu.memory_space<vmem>>)
      tpu.yield
    }) : () -> ()
    "tpu.region"() ({
      %run_scoped3A = tpu.sem_alloc : memref<!tpu.dma_semaphore, #tpu.memory_space<semaphore_mem>>
      %dma_start3A_68 = arith.constant 0 : i32
      %dma_start3A_69 = tpu.memref_slice %arg6[%arg0, %multiple_of3A_47, %dma_start3A_68] : memref<2x10240x128xf32, #tpu.memory_space<hbm>> -> memref<1x128x128xf32, #tpu.memory_space<hbm>>
      %dma_start3A_70 = tpu.memref_squeeze %dma_start3A_69 : memref<1x128x128xf32, #tpu.memory_space<hbm>> -> memref<128x128xf32, #tpu.memory_space<hbm>>
      %dma_start3A_71 = arith.constant 0 : i32
      %dma_start3A_72 = tpu.memref_slice %arg6[%arg0, %multiple_of3A_47, %dma_start3A_71] : memref<2x10240x128xf32, #tpu.memory_space<hbm>> -> memref<1x128x128xf32, #tpu.memory_space<hbm>>
      %dma_start3A_73 = tpu.memref_squeeze %dma_start3A_72 : memref<1x128x128xf32, #tpu.memory_space<hbm>> -> memref<128x128xf32, #tpu.memory_space<hbm>>
      tpu.enqueue_dma source(%arg12 : memref<128x128xf32, #tpu.memory_space<vmem>>) target(%dma_start3A_73 : memref<128x128xf32, #tpu.memory_space<hbm>>) target_semaphore(%run_scoped3A : memref<!tpu.dma_semaphore, #tpu.memory_space<semaphore_mem>>)
      %dma_wait3A_74 = arith.constant 0 : i32
      %dma_wait3A_75 = tpu.memref_slice %arg6[%arg0, %multiple_of3A_47, %dma_wait3A_74] : memref<2x10240x128xf32, #tpu.memory_space<hbm>> -> memref<1x128x128xf32, #tpu.memory_space<hbm>>
      %dma_wait3A_76 = tpu.memref_squeeze %dma_wait3A_75 : memref<1x128x128xf32, #tpu.memory_space<hbm>> -> memref<128x128xf32, #tpu.memory_space<hbm>>
      %dma_wait3A_77 = arith.constant 0 : i32
      %dma_wait3A_78 = tpu.memref_slice %arg6[%arg0, %multiple_of3A_47, %dma_wait3A_77] : memref<2x10240x128xf32, #tpu.memory_space<hbm>> -> memref<1x128x128xf32, #tpu.memory_space<hbm>>
      %dma_wait3A_79 = tpu.memref_squeeze %dma_wait3A_78 : memref<1x128x128xf32, #tpu.memory_space<hbm>> -> memref<128x128xf32, #tpu.memory_space<hbm>>
      tpu.wait_dma2 semaphore(%run_scoped3A : memref<!tpu.dma_semaphore, #tpu.memory_space<semaphore_mem>>) src(%arg12 : memref<128x128xf32, #tpu.memory_space<vmem>>) dst(%dma_wait3A_79 : memref<128x128xf32, #tpu.memory_space<hbm>>)
      tpu.yield
    }) : () -> ()
    %mul3A_48 = arith.constant 640 : i32
    %mul3A_49 = arith.muli %arg1, %mul3A_48 : i32
    %add3A_50 = arith.constant 128 : i32
    %add3A_51 = arith.addi %mul3A_49, %add3A_50 : i32
    %multiple_of3A_52 = tpu.assume_multiple %add3A_51, 8 : i32
    "tpu.region"() ({
      %run_scoped3A = tpu.sem_alloc : memref<!tpu.dma_semaphore, #tpu.memory_space<semaphore_mem>>
      %dma_start3A_68 = arith.constant 0 : i32
      %dma_start3A_69 = tpu.memref_slice %arg14[%multiple_of3A_52, %dma_start3A_68] : memref<10240x128xf32, #tpu.memory_space<vmem_shared>> -> memref<128x128xf32, #tpu.memory_space<vmem_shared>>
      %dma_start3A_70 = arith.constant 0 : i32
      %dma_start3A_71 = tpu.memref_slice %arg14[%multiple_of3A_52, %dma_start3A_70] : memref<10240x128xf32, #tpu.memory_space<vmem_shared>> -> memref<128x128xf32, #tpu.memory_space<vmem_shared>>
      tpu.enqueue_dma source(%dma_start3A_71 : memref<128x128xf32, #tpu.memory_space<vmem_shared>>) target(%arg12 : memref<128x128xf32, #tpu.memory_space<vmem>>) target_semaphore(%run_scoped3A : memref<!tpu.dma_semaphore, #tpu.memory_space<semaphore_mem>>)
      %dma_wait3A_72 = arith.constant 0 : i32
      %dma_wait3A_73 = tpu.memref_slice %arg14[%multiple_of3A_52, %dma_wait3A_72] : memref<10240x128xf32, #tpu.memory_space<vmem_shared>> -> memref<128x128xf32, #tpu.memory_space<vmem_shared>>
      %dma_wait3A_74 = arith.constant 0 : i32
      %dma_wait3A_75 = tpu.memref_slice %arg14[%multiple_of3A_52, %dma_wait3A_74] : memref<10240x128xf32, #tpu.memory_space<vmem_shared>> -> memref<128x128xf32, #tpu.memory_space<vmem_shared>>
      tpu.wait_dma2 semaphore(%run_scoped3A : memref<!tpu.dma_semaphore, #tpu.memory_space<semaphore_mem>>) src(%dma_wait3A_75 : memref<128x128xf32, #tpu.memory_space<vmem_shared>>) dst(%arg12 : memref<128x128xf32, #tpu.memory_space<vmem>>)
      tpu.yield
    }) : () -> ()
    "tpu.region"() ({
      %run_scoped3A = tpu.sem_alloc : memref<!tpu.dma_semaphore, #tpu.memory_space<semaphore_mem>>
      %dma_start3A_68 = arith.constant 0 : i32
      %dma_start3A_69 = tpu.memref_slice %arg6[%arg0, %multiple_of3A_52, %dma_start3A_68] : memref<2x10240x128xf32, #tpu.memory_space<hbm>> -> memref<1x128x128xf32, #tpu.memory_space<hbm>>
      %dma_start3A_70 = tpu.memref_squeeze %dma_start3A_69 : memref<1x128x128xf32, #tpu.memory_space<hbm>> -> memref<128x128xf32, #tpu.memory_space<hbm>>
      %dma_start3A_71 = arith.constant 0 : i32
      %dma_start3A_72 = tpu.memref_slice %arg6[%arg0, %multiple_of3A_52, %dma_start3A_71] : memref<2x10240x128xf32, #tpu.memory_space<hbm>> -> memref<1x128x128xf32, #tpu.memory_space<hbm>>
      %dma_start3A_73 = tpu.memref_squeeze %dma_start3A_72 : memref<1x128x128xf32, #tpu.memory_space<hbm>> -> memref<128x128xf32, #tpu.memory_space<hbm>>
      tpu.enqueue_dma source(%arg12 : memref<128x128xf32, #tpu.memory_space<vmem>>) target(%dma_start3A_73 : memref<128x128xf32, #tpu.memory_space<hbm>>) target_semaphore(%run_scoped3A : memref<!tpu.dma_semaphore, #tpu.memory_space<semaphore_mem>>)
      %dma_wait3A_74 = arith.constant 0 : i32
      %dma_wait3A_75 = tpu.memref_slice %arg6[%arg0, %multiple_of3A_52, %dma_wait3A_74] : memref<2x10240x128xf32, #tpu.memory_space<hbm>> -> memref<1x128x128xf32, #tpu.memory_space<hbm>>
      %dma_wait3A_76 = tpu.memref_squeeze %dma_wait3A_75 : memref<1x128x128xf32, #tpu.memory_space<hbm>> -> memref<128x128xf32, #tpu.memory_space<hbm>>
      %dma_wait3A_77 = arith.constant 0 : i32
      %dma_wait3A_78 = tpu.memref_slice %arg6[%arg0, %multiple_of3A_52, %dma_wait3A_77] : memref<2x10240x128xf32, #tpu.memory_space<hbm>> -> memref<1x128x128xf32, #tpu.memory_space<hbm>>
      %dma_wait3A_79 = tpu.memref_squeeze %dma_wait3A_78 : memref<1x128x128xf32, #tpu.memory_space<hbm>> -> memref<128x128xf32, #tpu.memory_space<hbm>>
      tpu.wait_dma2 semaphore(%run_scoped3A : memref<!tpu.dma_semaphore, #tpu.memory_space<semaphore_mem>>) src(%arg12 : memref<128x128xf32, #tpu.memory_space<vmem>>) dst(%dma_wait3A_79 : memref<128x128xf32, #tpu.memory_space<hbm>>)
      tpu.yield
    }) : () -> ()
    %mul3A_53 = arith.constant 640 : i32
    %mul3A_54 = arith.muli %arg1, %mul3A_53 : i32
    %add3A_55 = arith.constant 256 : i32
    %add3A_56 = arith.addi %mul3A_54, %add3A_55 : i32
    %multiple_of3A_57 = tpu.assume_multiple %add3A_56, 8 : i32
    "tpu.region"() ({
      %run_scoped3A = tpu.sem_alloc : memref<!tpu.dma_semaphore, #tpu.memory_space<semaphore_mem>>
      %dma_start3A_68 = arith.constant 0 : i32
      %dma_start3A_69 = tpu.memref_slice %arg14[%multiple_of3A_57, %dma_start3A_68] : memref<10240x128xf32, #tpu.memory_space<vmem_shared>> -> memref<128x128xf32, #tpu.memory_space<vmem_shared>>
      %dma_start3A_70 = arith.constant 0 : i32
      %dma_start3A_71 = tpu.memref_slice %arg14[%multiple_of3A_57, %dma_start3A_70] : memref<10240x128xf32, #tpu.memory_space<vmem_shared>> -> memref<128x128xf32, #tpu.memory_space<vmem_shared>>
      tpu.enqueue_dma source(%dma_start3A_71 : memref<128x128xf32, #tpu.memory_space<vmem_shared>>) target(%arg12 : memref<128x128xf32, #tpu.memory_space<vmem>>) target_semaphore(%run_scoped3A : memref<!tpu.dma_semaphore, #tpu.memory_space<semaphore_mem>>)
      %dma_wait3A_72 = arith.constant 0 : i32
      %dma_wait3A_73 = tpu.memref_slice %arg14[%multiple_of3A_57, %dma_wait3A_72] : memref<10240x128xf32, #tpu.memory_space<vmem_shared>> -> memref<128x128xf32, #tpu.memory_space<vmem_shared>>
      %dma_wait3A_74 = arith.constant 0 : i32
      %dma_wait3A_75 = tpu.memref_slice %arg14[%multiple_of3A_57, %dma_wait3A_74] : memref<10240x128xf32, #tpu.memory_space<vmem_shared>> -> memref<128x128xf32, #tpu.memory_space<vmem_shared>>
      tpu.wait_dma2 semaphore(%run_scoped3A : memref<!tpu.dma_semaphore, #tpu.memory_space<semaphore_mem>>) src(%dma_wait3A_75 : memref<128x128xf32, #tpu.memory_space<vmem_shared>>) dst(%arg12 : memref<128x128xf32, #tpu.memory_space<vmem>>)
      tpu.yield
    }) : () -> ()
    "tpu.region"() ({
      %run_scoped3A = tpu.sem_alloc : memref<!tpu.dma_semaphore, #tpu.memory_space<semaphore_mem>>
      %dma_start3A_68 = arith.constant 0 : i32
      %dma_start3A_69 = tpu.memref_slice %arg6[%arg0, %multiple_of3A_57, %dma_start3A_68] : memref<2x10240x128xf32, #tpu.memory_space<hbm>> -> memref<1x128x128xf32, #tpu.memory_space<hbm>>
      %dma_start3A_70 = tpu.memref_squeeze %dma_start3A_69 : memref<1x128x128xf32, #tpu.memory_space<hbm>> -> memref<128x128xf32, #tpu.memory_space<hbm>>
      %dma_start3A_71 = arith.constant 0 : i32
      %dma_start3A_72 = tpu.memref_slice %arg6[%arg0, %multiple_of3A_57, %dma_start3A_71] : memref<2x10240x128xf32, #tpu.memory_space<hbm>> -> memref<1x128x128xf32, #tpu.memory_space<hbm>>
      %dma_start3A_73 = tpu.memref_squeeze %dma_start3A_72 : memref<1x128x128xf32, #tpu.memory_space<hbm>> -> memref<128x128xf32, #tpu.memory_space<hbm>>
      tpu.enqueue_dma source(%arg12 : memref<128x128xf32, #tpu.memory_space<vmem>>) target(%dma_start3A_73 : memref<128x128xf32, #tpu.memory_space<hbm>>) target_semaphore(%run_scoped3A : memref<!tpu.dma_semaphore, #tpu.memory_space<semaphore_mem>>)
      %dma_wait3A_74 = arith.constant 0 : i32
      %dma_wait3A_75 = tpu.memref_slice %arg6[%arg0, %multiple_of3A_57, %dma_wait3A_74] : memref<2x10240x128xf32, #tpu.memory_space<hbm>> -> memref<1x128x128xf32, #tpu.memory_space<hbm>>
      %dma_wait3A_76 = tpu.memref_squeeze %dma_wait3A_75 : memref<1x128x128xf32, #tpu.memory_space<hbm>> -> memref<128x128xf32, #tpu.memory_space<hbm>>
      %dma_wait3A_77 = arith.constant 0 : i32
      %dma_wait3A_78 = tpu.memref_slice %arg6[%arg0, %multiple_of3A_57, %dma_wait3A_77] : memref<2x10240x128xf32, #tpu.memory_space<hbm>> -> memref<1x128x128xf32, #tpu.memory_space<hbm>>
      %dma_wait3A_79 = tpu.memref_squeeze %dma_wait3A_78 : memref<1x128x128xf32, #tpu.memory_space<hbm>> -> memref<128x128xf32, #tpu.memory_space<hbm>>
      tpu.wait_dma2 semaphore(%run_scoped3A : memref<!tpu.dma_semaphore, #tpu.memory_space<semaphore_mem>>) src(%arg12 : memref<128x128xf32, #tpu.memory_space<vmem>>) dst(%dma_wait3A_79 : memref<128x128xf32, #tpu.memory_space<hbm>>)
      tpu.yield
    }) : () -> ()
    %mul3A_58 = arith.constant 640 : i32
    %mul3A_59 = arith.muli %arg1, %mul3A_58 : i32
    %add3A_60 = arith.constant 384 : i32
    %add3A_61 = arith.addi %mul3A_59, %add3A_60 : i32
    %multiple_of3A_62 = tpu.assume_multiple %add3A_61, 8 : i32
    "tpu.region"() ({
      %run_scoped3A = tpu.sem_alloc : memref<!tpu.dma_semaphore, #tpu.memory_space<semaphore_mem>>
      %dma_start3A_68 = arith.constant 0 : i32
      %dma_start3A_69 = tpu.memref_slice %arg14[%multiple_of3A_62, %dma_start3A_68] : memref<10240x128xf32, #tpu.memory_space<vmem_shared>> -> memref<128x128xf32, #tpu.memory_space<vmem_shared>>
      %dma_start3A_70 = arith.constant 0 : i32
      %dma_start3A_71 = tpu.memref_slice %arg14[%multiple_of3A_62, %dma_start3A_70] : memref<10240x128xf32, #tpu.memory_space<vmem_shared>> -> memref<128x128xf32, #tpu.memory_space<vmem_shared>>
      tpu.enqueue_dma source(%dma_start3A_71 : memref<128x128xf32, #tpu.memory_space<vmem_shared>>) target(%arg12 : memref<128x128xf32, #tpu.memory_space<vmem>>) target_semaphore(%run_scoped3A : memref<!tpu.dma_semaphore, #tpu.memory_space<semaphore_mem>>)
      %dma_wait3A_72 = arith.constant 0 : i32
      %dma_wait3A_73 = tpu.memref_slice %arg14[%multiple_of3A_62, %dma_wait3A_72] : memref<10240x128xf32, #tpu.memory_space<vmem_shared>> -> memref<128x128xf32, #tpu.memory_space<vmem_shared>>
      %dma_wait3A_74 = arith.constant 0 : i32
      %dma_wait3A_75 = tpu.memref_slice %arg14[%multiple_of3A_62, %dma_wait3A_74] : memref<10240x128xf32, #tpu.memory_space<vmem_shared>> -> memref<128x128xf32, #tpu.memory_space<vmem_shared>>
      tpu.wait_dma2 semaphore(%run_scoped3A : memref<!tpu.dma_semaphore, #tpu.memory_space<semaphore_mem>>) src(%dma_wait3A_75 : memref<128x128xf32, #tpu.memory_space<vmem_shared>>) dst(%arg12 : memref<128x128xf32, #tpu.memory_space<vmem>>)
      tpu.yield
    }) : () -> ()
    "tpu.region"() ({
      %run_scoped3A = tpu.sem_alloc : memref<!tpu.dma_semaphore, #tpu.memory_space<semaphore_mem>>
      %dma_start3A_68 = arith.constant 0 : i32
      %dma_start3A_69 = tpu.memref_slice %arg6[%arg0, %multiple_of3A_62, %dma_start3A_68] : memref<2x10240x128xf32, #tpu.memory_space<hbm>> -> memref<1x128x128xf32, #tpu.memory_space<hbm>>
      %dma_start3A_70 = tpu.memref_squeeze %dma_start3A_69 : memref<1x128x128xf32, #tpu.memory_space<hbm>> -> memref<128x128xf32, #tpu.memory_space<hbm>>
      %dma_start3A_71 = arith.constant 0 : i32
      %dma_start3A_72 = tpu.memref_slice %arg6[%arg0, %multiple_of3A_62, %dma_start3A_71] : memref<2x10240x128xf32, #tpu.memory_space<hbm>> -> memref<1x128x128xf32, #tpu.memory_space<hbm>>
      %dma_start3A_73 = tpu.memref_squeeze %dma_start3A_72 : memref<1x128x128xf32, #tpu.memory_space<hbm>> -> memref<128x128xf32, #tpu.memory_space<hbm>>
      tpu.enqueue_dma source(%arg12 : memref<128x128xf32, #tpu.memory_space<vmem>>) target(%dma_start3A_73 : memref<128x128xf32, #tpu.memory_space<hbm>>) target_semaphore(%run_scoped3A : memref<!tpu.dma_semaphore, #tpu.memory_space<semaphore_mem>>)
      %dma_wait3A_74 = arith.constant 0 : i32
      %dma_wait3A_75 = tpu.memref_slice %arg6[%arg0, %multiple_of3A_62, %dma_wait3A_74] : memref<2x10240x128xf32, #tpu.memory_space<hbm>> -> memref<1x128x128xf32, #tpu.memory_space<hbm>>
      %dma_wait3A_76 = tpu.memref_squeeze %dma_wait3A_75 : memref<1x128x128xf32, #tpu.memory_space<hbm>> -> memref<128x128xf32, #tpu.memory_space<hbm>>
      %dma_wait3A_77 = arith.constant 0 : i32
      %dma_wait3A_78 = tpu.memref_slice %arg6[%arg0, %multiple_of3A_62, %dma_wait3A_77] : memref<2x10240x128xf32, #tpu.memory_space<hbm>> -> memref<1x128x128xf32, #tpu.memory_space<hbm>>
      %dma_wait3A_79 = tpu.memref_squeeze %dma_wait3A_78 : memref<1x128x128xf32, #tpu.memory_space<hbm>> -> memref<128x128xf32, #tpu.memory_space<hbm>>
      tpu.wait_dma2 semaphore(%run_scoped3A : memref<!tpu.dma_semaphore, #tpu.memory_space<semaphore_mem>>) src(%arg12 : memref<128x128xf32, #tpu.memory_space<vmem>>) dst(%dma_wait3A_79 : memref<128x128xf32, #tpu.memory_space<hbm>>)
      tpu.yield
    }) : () -> ()
    %mul3A_63 = arith.constant 640 : i32
    %mul3A_64 = arith.muli %arg1, %mul3A_63 : i32
    %add3A_65 = arith.constant 512 : i32
    %add3A_66 = arith.addi %mul3A_64, %add3A_65 : i32
    %multiple_of3A_67 = tpu.assume_multiple %add3A_66, 8 : i32
    "tpu.region"() ({
      %run_scoped3A = tpu.sem_alloc : memref<!tpu.dma_semaphore, #tpu.memory_space<semaphore_mem>>
      %dma_start3A_68 = arith.constant 0 : i32
      %dma_start3A_69 = tpu.memref_slice %arg14[%multiple_of3A_67, %dma_start3A_68] : memref<10240x128xf32, #tpu.memory_space<vmem_shared>> -> memref<128x128xf32, #tpu.memory_space<vmem_shared>>
      %dma_start3A_70 = arith.constant 0 : i32
      %dma_start3A_71 = tpu.memref_slice %arg14[%multiple_of3A_67, %dma_start3A_70] : memref<10240x128xf32, #tpu.memory_space<vmem_shared>> -> memref<128x128xf32, #tpu.memory_space<vmem_shared>>
      tpu.enqueue_dma source(%dma_start3A_71 : memref<128x128xf32, #tpu.memory_space<vmem_shared>>) target(%arg12 : memref<128x128xf32, #tpu.memory_space<vmem>>) target_semaphore(%run_scoped3A : memref<!tpu.dma_semaphore, #tpu.memory_space<semaphore_mem>>)
      %dma_wait3A_72 = arith.constant 0 : i32
      %dma_wait3A_73 = tpu.memref_slice %arg14[%multiple_of3A_67, %dma_wait3A_72] : memref<10240x128xf32, #tpu.memory_space<vmem_shared>> -> memref<128x128xf32, #tpu.memory_space<vmem_shared>>
      %dma_wait3A_74 = arith.constant 0 : i32
      %dma_wait3A_75 = tpu.memref_slice %arg14[%multiple_of3A_67, %dma_wait3A_74] : memref<10240x128xf32, #tpu.memory_space<vmem_shared>> -> memref<128x128xf32, #tpu.memory_space<vmem_shared>>
      tpu.wait_dma2 semaphore(%run_scoped3A : memref<!tpu.dma_semaphore, #tpu.memory_space<semaphore_mem>>) src(%dma_wait3A_75 : memref<128x128xf32, #tpu.memory_space<vmem_shared>>) dst(%arg12 : memref<128x128xf32, #tpu.memory_space<vmem>>)
      tpu.yield
    }) : () -> ()
    "tpu.region"() ({
      %run_scoped3A = tpu.sem_alloc : memref<!tpu.dma_semaphore, #tpu.memory_space<semaphore_mem>>
      %dma_start3A_68 = arith.constant 0 : i32
      %dma_start3A_69 = tpu.memref_slice %arg6[%arg0, %multiple_of3A_67, %dma_start3A_68] : memref<2x10240x128xf32, #tpu.memory_space<hbm>> -> memref<1x128x128xf32, #tpu.memory_space<hbm>>
      %dma_start3A_70 = tpu.memref_squeeze %dma_start3A_69 : memref<1x128x128xf32, #tpu.memory_space<hbm>> -> memref<128x128xf32, #tpu.memory_space<hbm>>
      %dma_start3A_71 = arith.constant 0 : i32
      %dma_start3A_72 = tpu.memref_slice %arg6[%arg0, %multiple_of3A_67, %dma_start3A_71] : memref<2x10240x128xf32, #tpu.memory_space<hbm>> -> memref<1x128x128xf32, #tpu.memory_space<hbm>>
      %dma_start3A_73 = tpu.memref_squeeze %dma_start3A_72 : memref<1x128x128xf32, #tpu.memory_space<hbm>> -> memref<128x128xf32, #tpu.memory_space<hbm>>
      tpu.enqueue_dma source(%arg12 : memref<128x128xf32, #tpu.memory_space<vmem>>) target(%dma_start3A_73 : memref<128x128xf32, #tpu.memory_space<hbm>>) target_semaphore(%run_scoped3A : memref<!tpu.dma_semaphore, #tpu.memory_space<semaphore_mem>>)
      %dma_wait3A_74 = arith.constant 0 : i32
      %dma_wait3A_75 = tpu.memref_slice %arg6[%arg0, %multiple_of3A_67, %dma_wait3A_74] : memref<2x10240x128xf32, #tpu.memory_space<hbm>> -> memref<1x128x128xf32, #tpu.memory_space<hbm>>
      %dma_wait3A_76 = tpu.memref_squeeze %dma_wait3A_75 : memref<1x128x128xf32, #tpu.memory_space<hbm>> -> memref<128x128xf32, #tpu.memory_space<hbm>>
      %dma_wait3A_77 = arith.constant 0 : i32
      %dma_wait3A_78 = tpu.memref_slice %arg6[%arg0, %multiple_of3A_67, %dma_wait3A_77] : memref<2x10240x128xf32, #tpu.memory_space<hbm>> -> memref<1x128x128xf32, #tpu.memory_space<hbm>>
      %dma_wait3A_79 = tpu.memref_squeeze %dma_wait3A_78 : memref<1x128x128xf32, #tpu.memory_space<hbm>> -> memref<128x128xf32, #tpu.memory_space<hbm>>
      tpu.wait_dma2 semaphore(%run_scoped3A : memref<!tpu.dma_semaphore, #tpu.memory_space<semaphore_mem>>) src(%arg12 : memref<128x128xf32, #tpu.memory_space<vmem>>) dst(%dma_wait3A_79 : memref<128x128xf32, #tpu.memory_space<hbm>>)
      tpu.yield
    }) : () -> ()
    return
  }
}

module attributes {stable_mosaic.version = 14 : i64} {
  func.func @_pre_body(%arg0: i32, %arg1: memref<256x256xf32, #tpu.memory_space<vmem>>, %arg2: memref<256x128xf32, #tpu.memory_space<vmem>>, %arg3: memref<256x128xf32, #tpu.memory_space<vmem>>, %arg4: memref<128xf32, #tpu.memory_space<vmem>>, %arg5: memref<256x128xf32, #tpu.memory_space<vmem>>, %arg6: memref<256x128xf32, #tpu.memory_space<vmem>>) attributes {dimension_semantics = [#tpu.dimension_semantics<arbitrary>], iteration_bounds = array<i64: 40>, scalar_prefetch = 0 : i64, scratch_operands = 0 : i64, tpu.core_type = #tpu.core_type<tc>, window_params = [{transform_indices = @transform_0, window_bounds = array<i64: 256, 256>}, {pipeline_mode = #tpu.pipeline_mode<synchronous>, transform_indices = @transform_1, window_bounds = array<i64: 256, 128>}, {pipeline_mode = #tpu.pipeline_mode<synchronous>, transform_indices = @transform_2, window_bounds = array<i64: 256, 128>}, {pipeline_mode = #tpu.pipeline_mode<synchronous>, transform_indices = @transform_3, window_bounds = array<i64: 128>}, {transform_indices = @transform_4, window_bounds = array<i64: 256, 128>}, {transform_indices = @transform_5, window_bounds = array<i64: 256, 128>}]} {
    %get3A = arith.constant 0 : index
    %get3A_0 = arith.constant 0 : index
    %get3A_1 = vector.load %arg1[%get3A, %get3A_0] : memref<256x256xf32, #tpu.memory_space<vmem>>, vector<256x256xf32>
    %get3A_2 = arith.constant 0 : index
    %get3A_3 = arith.constant 0 : index
    %get3A_4 = vector.load %arg2[%get3A_2, %get3A_3] : memref<256x128xf32, #tpu.memory_space<vmem>>, vector<256x128xf32>
    %dot_general3A = arith.constant dense<0.000000e+00> : vector<256x128xf32>
    %dot_general3A_5 = tpu.matmul %get3A_1, %get3A_4, %dot_general3A {dimension_numbers = #tpu.dot_dimension_numbers<[1], [0], [0], [1], [0, 0, 1, 1], [], []>, transpose_lhs_hint = false} : vector<256x256xf32>, vector<256x128xf32>, vector<256x128xf32> -> vector<256x128xf32>
    %swap3A = arith.constant 0 : index
    %swap3A_6 = arith.constant 0 : index
    %swap3A_7 = vector.load %arg5[%swap3A, %swap3A_6] : memref<256x128xf32, #tpu.memory_space<vmem>>, vector<256x128xf32>
    tpu.vector_store %arg5[%swap3A, %swap3A_6], %dot_general3A_5 {strides = array<i32>} : memref<256x128xf32, #tpu.memory_space<vmem>>, vector<256x128xf32>,
    %get3A_8 = arith.constant 0 : index
    %get3A_9 = arith.constant 0 : index
    %get3A_10 = vector.load %arg3[%get3A_8, %get3A_9] : memref<256x128xf32, #tpu.memory_space<vmem>>, vector<256x128xf32>
    %dot_general3A_11 = arith.constant dense<0.000000e+00> : vector<256x128xf32>
    %dot_general3A_12 = tpu.matmul %get3A_1, %get3A_10, %dot_general3A_11 {dimension_numbers = #tpu.dot_dimension_numbers<[1], [0], [0], [1], [0, 0, 1, 1], [], []>, transpose_lhs_hint = false} : vector<256x256xf32>, vector<256x128xf32>, vector<256x128xf32> -> vector<256x128xf32>
    %get3A_13 = arith.constant 0 : index
    %get3A_14 = vector.load %arg4[%get3A_13] : memref<128xf32, #tpu.memory_space<vmem>>, vector<128xf32>
    %broadcast_in_dim3A = vector.shape_cast %get3A_14 : vector<128xf32> to vector<1x128xf32>
    %add3A = vector.broadcast %broadcast_in_dim3A : vector<1x128xf32> to vector<256x128xf32>
    %add3A_15 = arith.addf %dot_general3A_12, %add3A : vector<256x128xf32>
    %swap3A_16 = arith.constant 0 : index
    %swap3A_17 = arith.constant 0 : index
    %swap3A_18 = vector.load %arg6[%swap3A_16, %swap3A_17] : memref<256x128xf32, #tpu.memory_space<vmem>>, vector<256x128xf32>
    tpu.vector_store %arg6[%swap3A_16, %swap3A_17], %add3A_15 {strides = array<i32>} : memref<256x128xf32, #tpu.memory_space<vmem>>, vector<256x128xf32>,
    return
  }
  func.func @transform_0(%arg0: i32) -> (i32, i32) {
    %c0_i32 = arith.constant 0 : i32
    %c0_i32_0 = arith.constant 0 : i32
    return %arg0, %c0_i32 : i32, i32
  }
  func.func @transform_1(%arg0: i32) -> (i32, i32) {
    %c0_i32 = arith.constant 0 : i32
    %c0_i32_0 = arith.constant 0 : i32
    %c0_i32_1 = arith.constant 0 : i32
    return %c0_i32, %c0_i32_0 : i32, i32
  }
  func.func @transform_2(%arg0: i32) -> (i32, i32) {
    %c0_i32 = arith.constant 0 : i32
    %c0_i32_0 = arith.constant 0 : i32
    %c0_i32_1 = arith.constant 0 : i32
    return %c0_i32, %c0_i32_0 : i32, i32
  }
  func.func @transform_3(%arg0: i32) -> i32 {
    %c0_i32 = arith.constant 0 : i32
    %c0_i32_0 = arith.constant 0 : i32
    return %c0_i32 : i32
  }
  func.func @transform_4(%arg0: i32) -> (i32, i32) {
    %c0_i32 = arith.constant 0 : i32
    %c0_i32_0 = arith.constant 0 : i32
    return %arg0, %c0_i32 : i32, i32
  }
  func.func @transform_5(%arg0: i32) -> (i32, i32) {
    %c0_i32 = arith.constant 0 : i32
    %c0_i32_0 = arith.constant 0 : i32
    return %arg0, %c0_i32 : i32, i32
  }
}

module attributes {stable_mosaic.version = 14 : i64} {
  func.func @_mid_body(%arg0: memref<10240x128xf32, #tpu.memory_space<vmem>>, %arg1: memref<2x10240x128xf32, #tpu.memory_space<vmem>>, %arg2: memref<32x10240xf32, #tpu.memory_space<vmem>>, %arg3: memref<8x128xf32, #tpu.memory_space<vmem>>, %arg4: memref<128x128xf32, #tpu.memory_space<vmem>>, %arg5: memref<128x128xf32, #tpu.memory_space<vmem>>, %arg6: memref<128x128xf32, #tpu.memory_space<vmem>>, %arg7: memref<128xf32, #tpu.memory_space<vmem>>, %arg8: memref<128xf32, #tpu.memory_space<vmem>>, %arg9: memref<10240x128xf32, #tpu.memory_space<vmem>>, %arg10: memref<10240xf32, #tpu.memory_space<vmem>>, %arg11: memref<8x128xf32, #tpu.memory_space<vmem>>) attributes {dimension_semantics = [], scalar_prefetch = 0 : i64, scratch_operands = 0 : i64, tpu.core_type = #tpu.core_type<tc>} {
    %get3A = arith.constant 0 : index
    %get3A_0 = arith.constant 0 : index
    %get3A_1 = arith.constant 0 : index
    %get3A_2 = vector.load %arg1[%get3A, %get3A_0, %get3A_1] : memref<2x10240x128xf32, #tpu.memory_space<vmem>>, vector<1x10240x128xf32>
    %get3A_3 = vector.shape_cast %get3A_2 : vector<1x10240x128xf32> to vector<10240x128xf32>
    %get3A_4 = arith.constant 1 : index
    %get3A_5 = arith.constant 0 : index
    %get3A_6 = arith.constant 0 : index
    %get3A_7 = vector.load %arg1[%get3A_4, %get3A_5, %get3A_6] : memref<2x10240x128xf32, #tpu.memory_space<vmem>>, vector<1x10240x128xf32>
    %get3A_8 = vector.shape_cast %get3A_7 : vector<1x10240x128xf32> to vector<10240x128xf32>
    %add3A = arith.addf %get3A_3, %get3A_8 : vector<10240x128xf32>
    %get3A_9 = arith.constant 0 : index
    %get3A_10 = arith.constant 0 : index
    %get3A_11 = vector.load %arg2[%get3A_9, %get3A_10] : memref<32x10240xf32, #tpu.memory_space<vmem>>, vector<32x10240xf32>
    %reduce_sum3A = arith.constant dense<0.000000e+00> : vector<10240xf32>
    %reduce_sum3A_12 = vector.multi_reduction <add>, %get3A_11, %reduce_sum3A [0] : vector<32x10240xf32> to vector<10240xf32>
    %max3A = arith.constant 1.000000e+00 : f32
    %max3A_13 = vector.broadcast %max3A : f32 to vector<10240xf32>
    %max3A_14 = arith.maximumf %reduce_sum3A_12, %max3A_13 : vector<10240xf32>
    %get3A_15 = arith.constant 0 : index
    %get3A_16 = arith.constant 0 : index
    %get3A_17 = vector.load %arg0[%get3A_15, %get3A_16] : memref<10240x128xf32, #tpu.memory_space<vmem>>, vector<10240x128xf32>
    %broadcast_in_dim3A = vector.shape_cast %max3A_14 : vector<10240xf32> to vector<10240x1xf32>
    %div3A = vector.broadcast %broadcast_in_dim3A : vector<10240x1xf32> to vector<10240x128xf32>
    %div3A_18 = arith.divf %add3A, %div3A : vector<10240x128xf32>
    %add3A_19 = arith.addf %get3A_17, %div3A_18 : vector<10240x128xf32>
    %max3A_20 = arith.constant 0.000000e+00 : f32
    %max3A_21 = vector.broadcast %max3A_20 : f32 to vector<10240x128xf32>
    %max3A_22 = arith.maximumf %add3A_19, %max3A_21 : vector<10240x128xf32>
    %swap3A = arith.constant 0 : index
    %swap3A_23 = arith.constant 0 : index
    %swap3A_24 = vector.load %arg9[%swap3A, %swap3A_23] : memref<10240x128xf32, #tpu.memory_space<vmem>>, vector<10240x128xf32>
    tpu.vector_store %arg9[%swap3A, %swap3A_23], %max3A_22 {strides = array<i32>} : memref<10240x128xf32, #tpu.memory_space<vmem>>, vector<10240x128xf32>,
    %swap3A_25 = arith.constant 0 : index
    %swap3A_26 = vector.load %arg10[%swap3A_25] : memref<10240xf32, #tpu.memory_space<vmem>>, vector<10240xf32>
    tpu.vector_store %arg10[%swap3A_25], %max3A_14 {strides = array<i32>} : memref<10240xf32, #tpu.memory_space<vmem>>, vector<10240xf32>,
    %get3A_27 = arith.constant 0 : index
    %get3A_28 = arith.constant 0 : index
    %get3A_29 = vector.load %arg3[%get3A_27, %get3A_28] : memref<8x128xf32, #tpu.memory_space<vmem>>, vector<8x128xf32>
    %get3A_30 = arith.constant 0 : index
    %get3A_31 = arith.constant 0 : index
    %get3A_32 = vector.load %arg4[%get3A_30, %get3A_31] : memref<128x128xf32, #tpu.memory_space<vmem>>, vector<128x128xf32>
    %dot_general3A = arith.constant dense<0.000000e+00> : vector<8x128xf32>
    %dot_general3A_33 = tpu.matmul %get3A_29, %get3A_32, %dot_general3A {dimension_numbers = #tpu.dot_dimension_numbers<[1], [0], [0], [1], [0, 0, 1, 1], [], []>, transpose_lhs_hint = false} : vector<8x128xf32>, vector<128x128xf32>, vector<8x128xf32> -> vector<8x128xf32>
    %get3A_34 = arith.constant 0 : index
    %get3A_35 = arith.constant 0 : index
    %get3A_36 = vector.load %arg5[%get3A_34, %get3A_35] : memref<128x128xf32, #tpu.memory_space<vmem>>, vector<128x128xf32>
    %dot_general3A_37 = arith.constant dense<0.000000e+00> : vector<10240x128xf32>
    %dot_general3A_38 = tpu.matmul %max3A_22, %get3A_36, %dot_general3A_37 {dimension_numbers = #tpu.dot_dimension_numbers<[1], [0], [0], [1], [0, 0, 1, 1], [], []>, transpose_lhs_hint = false} : vector<10240x128xf32>, vector<128x128xf32>, vector<10240x128xf32> -> vector<10240x128xf32>
    %get3A_39 = arith.constant 0 : index
    %get3A_40 = arith.constant 0 : index
    %get3A_41 = vector.load %arg6[%get3A_39, %get3A_40] : memref<128x128xf32, #tpu.memory_space<vmem>>, vector<128x128xf32>
    %dot_general3A_42 = arith.constant dense<0.000000e+00> : vector<10240x128xf32>
    %dot_general3A_43 = tpu.matmul %max3A_22, %get3A_41, %dot_general3A_42 {dimension_numbers = #tpu.dot_dimension_numbers<[1], [0], [0], [1], [0, 0, 1, 1], [], []>, transpose_lhs_hint = false} : vector<10240x128xf32>, vector<128x128xf32>, vector<10240x128xf32> -> vector<10240x128xf32>
    %sqrt3A = arith.constant 3.200000e+01 : f32
    %sqrt3A_44 = math.sqrt %sqrt3A : f32
    %div3A_45 = arith.constant 1.000000e+00 : f32
    %div3A_46 = arith.divf %div3A_45, %sqrt3A_44 : f32
    %slice3A = vector.extract_strided_slice %dot_general3A_33 {offsets = [0, 0], sizes = [8, 32], strides = [1, 1]} : vector<8x128xf32> to vector<8x32xf32>
    %slice3A_47 = vector.extract_strided_slice %dot_general3A_38 {offsets = [0, 0], sizes = [10240, 32], strides = [1, 1]} : vector<10240x128xf32> to vector<10240x32xf32>
    %dot_general3A_48 = arith.constant dense<0.000000e+00> : vector<8x10240xf32>
    %dot_general3A_49 = tpu.matmul %slice3A, %slice3A_47, %dot_general3A_48 {dimension_numbers = #tpu.dot_dimension_numbers<[1], [1], [0], [0], [0, 0, 1, 0], [], []>, transpose_lhs_hint = false} : vector<8x32xf32>, vector<10240x32xf32>, vector<8x10240xf32> -> vector<8x10240xf32>
    %mul3A = vector.broadcast %div3A_46 : f32 to vector<8x10240xf32>
    %mul3A_50 = arith.mulf %dot_general3A_49, %mul3A : vector<8x10240xf32>
    %iota3A = tpu.iota {dimensions = array<i32: 1>} : vector<8x10240xi32>
    %lt3A = arith.constant 10000 : i32
    %lt3A_51 = vector.broadcast %lt3A : i32 to vector<8x10240xi32>
    %lt3A_52 = arith.cmpi slt, %iota3A, %lt3A_51 : vector<8x10240xi32>
    %jit3A = arith.constant -1.000000e+30 : f32
    %broadcast_in_dim3A_53 = vector.broadcast %jit3A : f32 to vector<8x10240xf32>
    %select_n3A = arith.select %lt3A_52, %mul3A_50, %broadcast_in_dim3A_53 : vector<8x10240xi1>, vector<8x10240xf32>
    %reduce_max3A = arith.constant dense<0xFF800000> : vector<8xf32>
    %reduce_max3A_54 = vector.multi_reduction <maximumf>, %select_n3A, %reduce_max3A [1] : vector<8x10240xf32> to vector<8xf32>
    %broadcast_in_dim3A_55 = vector.shape_cast %reduce_max3A_54 : vector<8xf32> to vector<8x1xf32>
    %sub3A = vector.broadcast %broadcast_in_dim3A_55 : vector<8x1xf32> to vector<8x10240xf32>
    %sub3A_56 = arith.subf %select_n3A, %sub3A : vector<8x10240xf32>
    %exp3A = math.exp %sub3A_56 : vector<8x10240xf32>
    %reduce_sum3A_57 = arith.constant dense<0.000000e+00> : vector<8xf32>
    %reduce_sum3A_58 = vector.multi_reduction <add>, %exp3A, %reduce_sum3A_57 [1] : vector<8x10240xf32> to vector<8xf32>
    %broadcast_in_dim3A_59 = vector.shape_cast %reduce_sum3A_58 : vector<8xf32> to vector<8x1xf32>
    %div3A_60 = vector.broadcast %broadcast_in_dim3A_59 : vector<8x1xf32> to vector<8x10240xf32>
    %div3A_61 = arith.divf %exp3A, %div3A_60 : vector<8x10240xf32>
    %slice3A_62 = vector.extract_strided_slice %dot_general3A_43 {offsets = [0, 0], sizes = [10240, 32], strides = [1, 1]} : vector<10240x128xf32> to vector<10240x32xf32>
    %dot_general3A_63 = arith.constant dense<0.000000e+00> : vector<8x32xf32>
    %dot_general3A_64 = tpu.matmul %div3A_61, %slice3A_62, %dot_general3A_63 {dimension_numbers = #tpu.dot_dimension_numbers<[1], [0], [0], [1], [0, 0, 1, 1], [], []>, transpose_lhs_hint = false} : vector<8x10240xf32>, vector<10240x32xf32>, vector<8x32xf32> -> vector<8x32xf32>
    %slice3A_65 = vector.extract_strided_slice %dot_general3A_33 {offsets = [0, 32], sizes = [8, 32], strides = [1, 1]} : vector<8x128xf32> to vector<8x32xf32>
    %slice3A_66 = vector.extract_strided_slice %dot_general3A_38 {offsets = [0, 32], sizes = [10240, 32], strides = [1, 1]} : vector<10240x128xf32> to vector<10240x32xf32>
    %dot_general3A_67 = arith.constant dense<0.000000e+00> : vector<8x10240xf32>
    %dot_general3A_68 = tpu.matmul %slice3A_65, %slice3A_66, %dot_general3A_67 {dimension_numbers = #tpu.dot_dimension_numbers<[1], [1], [0], [0], [0, 0, 1, 0], [], []>, transpose_lhs_hint = false} : vector<8x32xf32>, vector<10240x32xf32>, vector<8x10240xf32> -> vector<8x10240xf32>
    %mul3A_69 = vector.broadcast %div3A_46 : f32 to vector<8x10240xf32>
    %mul3A_70 = arith.mulf %dot_general3A_68, %mul3A_69 : vector<8x10240xf32>
    %iota3A_71 = tpu.iota {dimensions = array<i32: 1>} : vector<8x10240xi32>
    %lt3A_72 = arith.constant 10000 : i32
    %lt3A_73 = vector.broadcast %lt3A_72 : i32 to vector<8x10240xi32>
    %lt3A_74 = arith.cmpi slt, %iota3A_71, %lt3A_73 : vector<8x10240xi32>
    %jit3A_75 = arith.constant -1.000000e+30 : f32
    %broadcast_in_dim3A_76 = vector.broadcast %jit3A_75 : f32 to vector<8x10240xf32>
    %select_n3A_77 = arith.select %lt3A_74, %mul3A_70, %broadcast_in_dim3A_76 : vector<8x10240xi1>, vector<8x10240xf32>
    %reduce_max3A_78 = arith.constant dense<0xFF800000> : vector<8xf32>
    %reduce_max3A_79 = vector.multi_reduction <maximumf>, %select_n3A_77, %reduce_max3A_78 [1] : vector<8x10240xf32> to vector<8xf32>
    %broadcast_in_dim3A_80 = vector.shape_cast %reduce_max3A_79 : vector<8xf32> to vector<8x1xf32>
    %sub3A_81 = vector.broadcast %broadcast_in_dim3A_80 : vector<8x1xf32> to vector<8x10240xf32>
    %sub3A_82 = arith.subf %select_n3A_77, %sub3A_81 : vector<8x10240xf32>
    %exp3A_83 = math.exp %sub3A_82 : vector<8x10240xf32>
    %reduce_sum3A_84 = arith.constant dense<0.000000e+00> : vector<8xf32>
    %reduce_sum3A_85 = vector.multi_reduction <add>, %exp3A_83, %reduce_sum3A_84 [1] : vector<8x10240xf32> to vector<8xf32>
    %broadcast_in_dim3A_86 = vector.shape_cast %reduce_sum3A_85 : vector<8xf32> to vector<8x1xf32>
    %div3A_87 = vector.broadcast %broadcast_in_dim3A_86 : vector<8x1xf32> to vector<8x10240xf32>
    %div3A_88 = arith.divf %exp3A_83, %div3A_87 : vector<8x10240xf32>
    %slice3A_89 = vector.extract_strided_slice %dot_general3A_43 {offsets = [0, 32], sizes = [10240, 32], strides = [1, 1]} : vector<10240x128xf32> to vector<10240x32xf32>
    %dot_general3A_90 = arith.constant dense<0.000000e+00> : vector<8x32xf32>
    %dot_general3A_91 = tpu.matmul %div3A_88, %slice3A_89, %dot_general3A_90 {dimension_numbers = #tpu.dot_dimension_numbers<[1], [0], [0], [1], [0, 0, 1, 1], [], []>, transpose_lhs_hint = false} : vector<8x10240xf32>, vector<10240x32xf32>, vector<8x32xf32> -> vector<8x32xf32>
    %slice3A_92 = vector.extract_strided_slice %dot_general3A_33 {offsets = [0, 64], sizes = [8, 32], strides = [1, 1]} : vector<8x128xf32> to vector<8x32xf32>
    %slice3A_93 = vector.extract_strided_slice %dot_general3A_38 {offsets = [0, 64], sizes = [10240, 32], strides = [1, 1]} : vector<10240x128xf32> to vector<10240x32xf32>
    %dot_general3A_94 = arith.constant dense<0.000000e+00> : vector<8x10240xf32>
    %dot_general3A_95 = tpu.matmul %slice3A_92, %slice3A_93, %dot_general3A_94 {dimension_numbers = #tpu.dot_dimension_numbers<[1], [1], [0], [0], [0, 0, 1, 0], [], []>, transpose_lhs_hint = false} : vector<8x32xf32>, vector<10240x32xf32>, vector<8x10240xf32> -> vector<8x10240xf32>
    %mul3A_96 = vector.broadcast %div3A_46 : f32 to vector<8x10240xf32>
    %mul3A_97 = arith.mulf %dot_general3A_95, %mul3A_96 : vector<8x10240xf32>
    %iota3A_98 = tpu.iota {dimensions = array<i32: 1>} : vector<8x10240xi32>
    %lt3A_99 = arith.constant 10000 : i32
    %lt3A_100 = vector.broadcast %lt3A_99 : i32 to vector<8x10240xi32>
    %lt3A_101 = arith.cmpi slt, %iota3A_98, %lt3A_100 : vector<8x10240xi32>
    %jit3A_102 = arith.constant -1.000000e+30 : f32
    %broadcast_in_dim3A_103 = vector.broadcast %jit3A_102 : f32 to vector<8x10240xf32>
    %select_n3A_104 = arith.select %lt3A_101, %mul3A_97, %broadcast_in_dim3A_103 : vector<8x10240xi1>, vector<8x10240xf32>
    %reduce_max3A_105 = arith.constant dense<0xFF800000> : vector<8xf32>
    %reduce_max3A_106 = vector.multi_reduction <maximumf>, %select_n3A_104, %reduce_max3A_105 [1] : vector<8x10240xf32> to vector<8xf32>
    %broadcast_in_dim3A_107 = vector.shape_cast %reduce_max3A_106 : vector<8xf32> to vector<8x1xf32>
    %sub3A_108 = vector.broadcast %broadcast_in_dim3A_107 : vector<8x1xf32> to vector<8x10240xf32>
    %sub3A_109 = arith.subf %select_n3A_104, %sub3A_108 : vector<8x10240xf32>
    %exp3A_110 = math.exp %sub3A_109 : vector<8x10240xf32>
    %reduce_sum3A_111 = arith.constant dense<0.000000e+00> : vector<8xf32>
    %reduce_sum3A_112 = vector.multi_reduction <add>, %exp3A_110, %reduce_sum3A_111 [1] : vector<8x10240xf32> to vector<8xf32>
    %broadcast_in_dim3A_113 = vector.shape_cast %reduce_sum3A_112 : vector<8xf32> to vector<8x1xf32>
    %div3A_114 = vector.broadcast %broadcast_in_dim3A_113 : vector<8x1xf32> to vector<8x10240xf32>
    %div3A_115 = arith.divf %exp3A_110, %div3A_114 : vector<8x10240xf32>
    %slice3A_116 = vector.extract_strided_slice %dot_general3A_43 {offsets = [0, 64], sizes = [10240, 32], strides = [1, 1]} : vector<10240x128xf32> to vector<10240x32xf32>
    %dot_general3A_117 = arith.constant dense<0.000000e+00> : vector<8x32xf32>
    %dot_general3A_118 = tpu.matmul %div3A_115, %slice3A_116, %dot_general3A_117 {dimension_numbers = #tpu.dot_dimension_numbers<[1], [0], [0], [1], [0, 0, 1, 1], [], []>, transpose_lhs_hint = false} : vector<8x10240xf32>, vector<10240x32xf32>, vector<8x32xf32> -> vector<8x32xf32>
    %slice3A_119 = vector.extract_strided_slice %dot_general3A_33 {offsets = [0, 96], sizes = [8, 32], strides = [1, 1]} : vector<8x128xf32> to vector<8x32xf32>
    %slice3A_120 = vector.extract_strided_slice %dot_general3A_38 {offsets = [0, 96], sizes = [10240, 32], strides = [1, 1]} : vector<10240x128xf32> to vector<10240x32xf32>
    %dot_general3A_121 = arith.constant dense<0.000000e+00> : vector<8x10240xf32>
    %dot_general3A_122 = tpu.matmul %slice3A_119, %slice3A_120, %dot_general3A_121 {dimension_numbers = #tpu.dot_dimension_numbers<[1], [1], [0], [0], [0, 0, 1, 0], [], []>, transpose_lhs_hint = false} : vector<8x32xf32>, vector<10240x32xf32>, vector<8x10240xf32> -> vector<8x10240xf32>
    %mul3A_123 = vector.broadcast %div3A_46 : f32 to vector<8x10240xf32>
    %mul3A_124 = arith.mulf %dot_general3A_122, %mul3A_123 : vector<8x10240xf32>
    %iota3A_125 = tpu.iota {dimensions = array<i32: 1>} : vector<8x10240xi32>
    %lt3A_126 = arith.constant 10000 : i32
    %lt3A_127 = vector.broadcast %lt3A_126 : i32 to vector<8x10240xi32>
    %lt3A_128 = arith.cmpi slt, %iota3A_125, %lt3A_127 : vector<8x10240xi32>
    %jit3A_129 = arith.constant -1.000000e+30 : f32
    %broadcast_in_dim3A_130 = vector.broadcast %jit3A_129 : f32 to vector<8x10240xf32>
    %select_n3A_131 = arith.select %lt3A_128, %mul3A_124, %broadcast_in_dim3A_130 : vector<8x10240xi1>, vector<8x10240xf32>
    %reduce_max3A_132 = arith.constant dense<0xFF800000> : vector<8xf32>
    %reduce_max3A_133 = vector.multi_reduction <maximumf>, %select_n3A_131, %reduce_max3A_132 [1] : vector<8x10240xf32> to vector<8xf32>
    %broadcast_in_dim3A_134 = vector.shape_cast %reduce_max3A_133 : vector<8xf32> to vector<8x1xf32>
    %sub3A_135 = vector.broadcast %broadcast_in_dim3A_134 : vector<8x1xf32> to vector<8x10240xf32>
    %sub3A_136 = arith.subf %select_n3A_131, %sub3A_135 : vector<8x10240xf32>
    %exp3A_137 = math.exp %sub3A_136 : vector<8x10240xf32>
    %reduce_sum3A_138 = arith.constant dense<0.000000e+00> : vector<8xf32>
    %reduce_sum3A_139 = vector.multi_reduction <add>, %exp3A_137, %reduce_sum3A_138 [1] : vector<8x10240xf32> to vector<8xf32>
    %broadcast_in_dim3A_140 = vector.shape_cast %reduce_sum3A_139 : vector<8xf32> to vector<8x1xf32>
    %div3A_141 = vector.broadcast %broadcast_in_dim3A_140 : vector<8x1xf32> to vector<8x10240xf32>
    %div3A_142 = arith.divf %exp3A_137, %div3A_141 : vector<8x10240xf32>
    %slice3A_143 = vector.extract_strided_slice %dot_general3A_43 {offsets = [0, 96], sizes = [10240, 32], strides = [1, 1]} : vector<10240x128xf32> to vector<10240x32xf32>
    %dot_general3A_144 = arith.constant dense<0.000000e+00> : vector<8x32xf32>
    %dot_general3A_145 = tpu.matmul %div3A_142, %slice3A_143, %dot_general3A_144 {dimension_numbers = #tpu.dot_dimension_numbers<[1], [0], [0], [1], [0, 0, 1, 1], [], []>, transpose_lhs_hint = false} : vector<8x10240xf32>, vector<10240x32xf32>, vector<8x32xf32> -> vector<8x32xf32>
    %concatenate3A = tpu.concatenate %dot_general3A_64, %dot_general3A_91, %dot_general3A_118, %dot_general3A_145 in 1 : vector<8x32xf32>, vector<8x32xf32>, vector<8x32xf32>, vector<8x32xf32> -> vector<8x128xf32>
    %get3A_146 = arith.constant 0 : index
    %get3A_147 = arith.constant 0 : index
    %get3A_148 = vector.load %arg3[%get3A_146, %get3A_147] : memref<8x128xf32, #tpu.memory_space<vmem>>, vector<8x128xf32>
    %add3A_149 = arith.addf %get3A_148, %concatenate3A : vector<8x128xf32>
    %get3A_150 = arith.constant 0 : index
    %get3A_151 = vector.load %arg7[%get3A_150] : memref<128xf32, #tpu.memory_space<vmem>>, vector<128xf32>
    %get3A_152 = arith.constant 0 : index
    %get3A_153 = vector.load %arg8[%get3A_152] : memref<128xf32, #tpu.memory_space<vmem>>, vector<128xf32>
    %reduce_sum3A_154 = arith.constant dense<0.000000e+00> : vector<8xf32>
    %reduce_sum3A_155 = vector.multi_reduction <add>, %add3A_149, %reduce_sum3A_154 [1] : vector<8x128xf32> to vector<8xf32>
    %broadcast_in_dim3A_156 = vector.shape_cast %reduce_sum3A_155 : vector<8xf32> to vector<8x1xf32>
    %div3A_157 = arith.constant 1.280000e+02 : f32
    %div3A_158 = vector.broadcast %div3A_157 : f32 to vector<8x1xf32>
    %div3A_159 = arith.divf %broadcast_in_dim3A_156, %div3A_158 : vector<8x1xf32>
    %sub3A_160 = vector.broadcast %div3A_159 : vector<8x1xf32> to vector<8x128xf32>
    %sub3A_161 = arith.subf %add3A_149, %sub3A_160 : vector<8x128xf32>
    %sub3A_162 = vector.broadcast %div3A_159 : vector<8x1xf32> to vector<8x128xf32>
    %sub3A_163 = arith.subf %add3A_149, %sub3A_162 : vector<8x128xf32>
    %mul3A_164 = arith.mulf %sub3A_161, %sub3A_163 : vector<8x128xf32>
    %reduce_sum3A_165 = arith.constant dense<0.000000e+00> : vector<8xf32>
    %reduce_sum3A_166 = vector.multi_reduction <add>, %mul3A_164, %reduce_sum3A_165 [1] : vector<8x128xf32> to vector<8xf32>
    %broadcast_in_dim3A_167 = vector.shape_cast %reduce_sum3A_166 : vector<8xf32> to vector<8x1xf32>
    %div3A_168 = arith.constant 1.280000e+02 : f32
    %div3A_169 = vector.broadcast %div3A_168 : f32 to vector<8x1xf32>
    %div3A_170 = arith.divf %broadcast_in_dim3A_167, %div3A_169 : vector<8x1xf32>
    %sub3A_171 = vector.broadcast %div3A_159 : vector<8x1xf32> to vector<8x128xf32>
    %sub3A_172 = arith.subf %add3A_149, %sub3A_171 : vector<8x128xf32>
    %add3A_173 = arith.constant 9.99999974E-6 : f32
    %add3A_174 = vector.broadcast %add3A_173 : f32 to vector<8x1xf32>
    %add3A_175 = arith.addf %div3A_170, %add3A_174 : vector<8x1xf32>
    %sqrt3A_176 = math.sqrt %add3A_175 : vector<8x1xf32>
    %div3A_177 = vector.broadcast %sqrt3A_176 : vector<8x1xf32> to vector<8x128xf32>
    %div3A_178 = arith.divf %sub3A_172, %div3A_177 : vector<8x128xf32>
    %broadcast_in_dim3A_179 = vector.shape_cast %get3A_151 : vector<128xf32> to vector<1x128xf32>
    %mul3A_180 = vector.broadcast %broadcast_in_dim3A_179 : vector<1x128xf32> to vector<8x128xf32>
    %mul3A_181 = arith.mulf %div3A_178, %mul3A_180 : vector<8x128xf32>
    %broadcast_in_dim3A_182 = vector.shape_cast %get3A_153 : vector<128xf32> to vector<1x128xf32>
    %add3A_183 = vector.broadcast %broadcast_in_dim3A_182 : vector<1x128xf32> to vector<8x128xf32>
    %add3A_184 = arith.addf %mul3A_181, %add3A_183 : vector<8x128xf32>
    %swap3A_185 = arith.constant 0 : index
    %swap3A_186 = arith.constant 0 : index
    %swap3A_187 = vector.load %arg11[%swap3A_185, %swap3A_186] : memref<8x128xf32, #tpu.memory_space<vmem>>, vector<8x128xf32>
    tpu.vector_store %arg11[%swap3A_185, %swap3A_186], %add3A_184 {strides = array<i32>} : memref<8x128xf32, #tpu.memory_space<vmem>>, vector<8x128xf32>,
    return
  }
}

module attributes {stable_mosaic.version = 14 : i64} {
  func.func @_post_body(%arg0: i32, %arg1: memref<256x128xf32, #tpu.memory_space<vmem>>, %arg2: memref<8x128xf32, #tpu.memory_space<vmem>>, %arg3: memref<128x128xf32, #tpu.memory_space<vmem>>, %arg4: memref<128x128xf32, #tpu.memory_space<vmem>>, %arg5: memref<128x128xf32, #tpu.memory_space<vmem>>, %arg6: memref<128x128xf32, #tpu.memory_space<vmem>>, %arg7: memref<128xf32, #tpu.memory_space<vmem>>, %arg8: memref<128xf32, #tpu.memory_space<vmem>>, %arg9: memref<128xf32, #tpu.memory_space<vmem>>, %arg10: memref<128x256xf32, #tpu.memory_space<vmem>>, %arg11: memref<256xf32, #tpu.memory_space<vmem>>, %arg12: memref<256x128xf32, #tpu.memory_space<vmem>>, %arg13: memref<128xf32, #tpu.memory_space<vmem>>, %arg14: memref<128xf32, #tpu.memory_space<vmem>>, %arg15: memref<128xf32, #tpu.memory_space<vmem>>, %arg16: memref<128xf32, #tpu.memory_space<vmem>>, %arg17: memref<128xf32, #tpu.memory_space<vmem>>, %arg18: memref<128x64xf32, #tpu.memory_space<vmem>>, %arg19: memref<128x64xf32, #tpu.memory_space<vmem>>, %arg20: memref<128x64xf32, #tpu.memory_space<vmem>>, %arg21: memref<128x64xf32, #tpu.memory_space<vmem>>, %arg22: memref<64xf32, #tpu.memory_space<vmem>>, %arg23: memref<256x128xf32, #tpu.memory_space<vmem>>, %arg24: memref<256x64xf32, #tpu.memory_space<vmem>>) attributes {dimension_semantics = [#tpu.dimension_semantics<arbitrary>], iteration_bounds = array<i64: 40>, scalar_prefetch = 0 : i64, scratch_operands = 0 : i64, tpu.core_type = #tpu.core_type<tc>, window_params = [{transform_indices = @transform_0, window_bounds = array<i64: 256, 128>}, {pipeline_mode = #tpu.pipeline_mode<synchronous>, transform_indices = @transform_1, window_bounds = array<i64: 8, 128>}, {pipeline_mode = #tpu.pipeline_mode<synchronous>, transform_indices = @transform_2, window_bounds = array<i64: 128, 128>}, {pipeline_mode = #tpu.pipeline_mode<synchronous>, transform_indices = @transform_3, window_bounds = array<i64: 128, 128>}, {pipeline_mode = #tpu.pipeline_mode<synchronous>, transform_indices = @transform_4, window_bounds = array<i64: 128, 128>}, {pipeline_mode = #tpu.pipeline_mode<synchronous>, transform_indices = @transform_5, window_bounds = array<i64: 128, 128>}, {pipeline_mode = #tpu.pipeline_mode<synchronous>, transform_indices = @transform_6, window_bounds = array<i64: 128>}, {pipeline_mode = #tpu.pipeline_mode<synchronous>, transform_indices = @transform_7, window_bounds = array<i64: 128>}, {pipeline_mode = #tpu.pipeline_mode<synchronous>, transform_indices = @transform_8, window_bounds = array<i64: 128>}, {pipeline_mode = #tpu.pipeline_mode<synchronous>, transform_indices = @transform_9, window_bounds = array<i64: 128, 256>}, {pipeline_mode = #tpu.pipeline_mode<synchronous>, transform_indices = @transform_10, window_bounds = array<i64: 256>}, {pipeline_mode = #tpu.pipeline_mode<synchronous>, transform_indices = @transform_11, window_bounds = array<i64: 256, 128>}, {pipeline_mode = #tpu.pipeline_mode<synchronous>, transform_indices = @transform_12, window_bounds = array<i64: 128>}, {pipeline_mode = #tpu.pipeline_mode<synchronous>, transform_indices = @transform_13, window_bounds = array<i64: 128>}, {pipeline_mode = #tpu.pipeline_mode<synchronous>, transform_indices = @transform_14, window_bounds = array<i64: 128>}, {pipeline_mode = #tpu.pipeline_mode<synchronous>, transform_indices = @transform_15, window_bounds = array<i64: 128>}, {pipeline_mode = #tpu.pipeline_mode<synchronous>, transform_indices = @transform_16, window_bounds = array<i64: 128>}, {pipeline_mode = #tpu.pipeline_mode<synchronous>, transform_indices = @transform_17, window_bounds = array<i64: 128, 64>}, {pipeline_mode = #tpu.pipeline_mode<synchronous>, transform_indices = @transform_18, window_bounds = array<i64: 128, 64>}, {pipeline_mode = #tpu.pipeline_mode<synchronous>, transform_indices = @transform_19, window_bounds = array<i64: 128, 64>}, {pipeline_mode = #tpu.pipeline_mode<synchronous>, transform_indices = @transform_20, window_bounds = array<i64: 128, 64>}, {pipeline_mode = #tpu.pipeline_mode<synchronous>, transform_indices = @transform_21, window_bounds = array<i64: 64>}, {transform_indices = @transform_22, window_bounds = array<i64: 256, 128>}, {transform_indices = @transform_23, window_bounds = array<i64: 256, 64>}]} {
    %get3A = arith.constant 0 : index
    %get3A_0 = arith.constant 0 : index
    %get3A_1 = vector.load %arg1[%get3A, %get3A_0] : memref<256x128xf32, #tpu.memory_space<vmem>>, vector<256x128xf32>
    %get3A_2 = arith.constant 0 : index
    %get3A_3 = arith.constant 0 : index
    %get3A_4 = vector.load %arg2[%get3A_2, %get3A_3] : memref<8x128xf32, #tpu.memory_space<vmem>>, vector<8x128xf32>
    %get3A_5 = arith.constant 0 : index
    %get3A_6 = arith.constant 0 : index
    %get3A_7 = vector.load %arg3[%get3A_5, %get3A_6] : memref<128x128xf32, #tpu.memory_space<vmem>>, vector<128x128xf32>
    %dot_general3A = arith.constant dense<0.000000e+00> : vector<256x128xf32>
    %dot_general3A_8 = tpu.matmul %get3A_1, %get3A_7, %dot_general3A {dimension_numbers = #tpu.dot_dimension_numbers<[1], [0], [0], [1], [0, 0, 1, 1], [], []>, transpose_lhs_hint = false} : vector<256x128xf32>, vector<128x128xf32>, vector<256x128xf32> -> vector<256x128xf32>
    %get3A_9 = arith.constant 0 : index
    %get3A_10 = arith.constant 0 : index
    %get3A_11 = vector.load %arg4[%get3A_9, %get3A_10] : memref<128x128xf32, #tpu.memory_space<vmem>>, vector<128x128xf32>
    %dot_general3A_12 = arith.constant dense<0.000000e+00> : vector<8x128xf32>
    %dot_general3A_13 = tpu.matmul %get3A_4, %get3A_11, %dot_general3A_12 {dimension_numbers = #tpu.dot_dimension_numbers<[1], [0], [0], [1], [0, 0, 1, 1], [], []>, transpose_lhs_hint = false} : vector<8x128xf32>, vector<128x128xf32>, vector<8x128xf32> -> vector<8x128xf32>
    %get3A_14 = arith.constant 0 : index
    %get3A_15 = arith.constant 0 : index
    %get3A_16 = vector.load %arg5[%get3A_14, %get3A_15] : memref<128x128xf32, #tpu.memory_space<vmem>>, vector<128x128xf32>
    %dot_general3A_17 = arith.constant dense<0.000000e+00> : vector<8x128xf32>
    %dot_general3A_18 = tpu.matmul %get3A_4, %get3A_16, %dot_general3A_17 {dimension_numbers = #tpu.dot_dimension_numbers<[1], [0], [0], [1], [0, 0, 1, 1], [], []>, transpose_lhs_hint = false} : vector<8x128xf32>, vector<128x128xf32>, vector<8x128xf32> -> vector<8x128xf32>
    %sqrt3A = arith.constant 3.200000e+01 : f32
    %sqrt3A_19 = math.sqrt %sqrt3A : f32
    %div3A = arith.constant 1.000000e+00 : f32
    %div3A_20 = arith.divf %div3A, %sqrt3A_19 : f32
    %slice3A = vector.extract_strided_slice %dot_general3A_8 {offsets = [0, 0], sizes = [256, 32], strides = [1, 1]} : vector<256x128xf32> to vector<256x32xf32>
    %slice3A_21 = vector.extract_strided_slice %dot_general3A_13 {offsets = [0, 0], sizes = [8, 32], strides = [1, 1]} : vector<8x128xf32> to vector<8x32xf32>
    %dot_general3A_22 = arith.constant dense<0.000000e+00> : vector<256x8xf32>
    %dot_general3A_23 = tpu.matmul %slice3A, %slice3A_21, %dot_general3A_22 {dimension_numbers = #tpu.dot_dimension_numbers<[1], [1], [0], [0], [0, 0, 1, 0], [], []>, transpose_lhs_hint = false} : vector<256x32xf32>, vector<8x32xf32>, vector<256x8xf32> -> vector<256x8xf32>
    %mul3A = vector.broadcast %div3A_20 : f32 to vector<256x8xf32>
    %mul3A_24 = arith.mulf %dot_general3A_23, %mul3A : vector<256x8xf32>
    %reduce_max3A = arith.constant dense<0xFF800000> : vector<256xf32>
    %reduce_max3A_25 = vector.multi_reduction <maximumf>, %mul3A_24, %reduce_max3A [1] : vector<256x8xf32> to vector<256xf32>
    %broadcast_in_dim3A = vector.shape_cast %reduce_max3A_25 : vector<256xf32> to vector<256x1xf32>
    %sub3A = vector.broadcast %broadcast_in_dim3A : vector<256x1xf32> to vector<256x8xf32>
    %sub3A_26 = arith.subf %mul3A_24, %sub3A : vector<256x8xf32>
    %exp3A = math.exp %sub3A_26 : vector<256x8xf32>
    %reduce_sum3A = arith.constant dense<0.000000e+00> : vector<256xf32>
    %reduce_sum3A_27 = vector.multi_reduction <add>, %exp3A, %reduce_sum3A [1] : vector<256x8xf32> to vector<256xf32>
    %broadcast_in_dim3A_28 = vector.shape_cast %reduce_sum3A_27 : vector<256xf32> to vector<256x1xf32>
    %div3A_29 = vector.broadcast %broadcast_in_dim3A_28 : vector<256x1xf32> to vector<256x8xf32>
    %div3A_30 = arith.divf %exp3A, %div3A_29 : vector<256x8xf32>
    %slice3A_31 = vector.extract_strided_slice %dot_general3A_18 {offsets = [0, 0], sizes = [8, 32], strides = [1, 1]} : vector<8x128xf32> to vector<8x32xf32>
    %dot_general3A_32 = arith.constant dense<0.000000e+00> : vector<256x32xf32>
    %dot_general3A_33 = tpu.matmul %div3A_30, %slice3A_31, %dot_general3A_32 {dimension_numbers = #tpu.dot_dimension_numbers<[1], [0], [0], [1], [0, 0, 1, 1], [], []>, transpose_lhs_hint = false} : vector<256x8xf32>, vector<8x32xf32>, vector<256x32xf32> -> vector<256x32xf32>
    %slice3A_34 = vector.extract_strided_slice %dot_general3A_8 {offsets = [0, 32], sizes = [256, 32], strides = [1, 1]} : vector<256x128xf32> to vector<256x32xf32>
    %slice3A_35 = vector.extract_strided_slice %dot_general3A_13 {offsets = [0, 32], sizes = [8, 32], strides = [1, 1]} : vector<8x128xf32> to vector<8x32xf32>
    %dot_general3A_36 = arith.constant dense<0.000000e+00> : vector<256x8xf32>
    %dot_general3A_37 = tpu.matmul %slice3A_34, %slice3A_35, %dot_general3A_36 {dimension_numbers = #tpu.dot_dimension_numbers<[1], [1], [0], [0], [0, 0, 1, 0], [], []>, transpose_lhs_hint = false} : vector<256x32xf32>, vector<8x32xf32>, vector<256x8xf32> -> vector<256x8xf32>
    %mul3A_38 = vector.broadcast %div3A_20 : f32 to vector<256x8xf32>
    %mul3A_39 = arith.mulf %dot_general3A_37, %mul3A_38 : vector<256x8xf32>
    %reduce_max3A_40 = arith.constant dense<0xFF800000> : vector<256xf32>
    %reduce_max3A_41 = vector.multi_reduction <maximumf>, %mul3A_39, %reduce_max3A_40 [1] : vector<256x8xf32> to vector<256xf32>
    %broadcast_in_dim3A_42 = vector.shape_cast %reduce_max3A_41 : vector<256xf32> to vector<256x1xf32>
    %sub3A_43 = vector.broadcast %broadcast_in_dim3A_42 : vector<256x1xf32> to vector<256x8xf32>
    %sub3A_44 = arith.subf %mul3A_39, %sub3A_43 : vector<256x8xf32>
    %exp3A_45 = math.exp %sub3A_44 : vector<256x8xf32>
    %reduce_sum3A_46 = arith.constant dense<0.000000e+00> : vector<256xf32>
    %reduce_sum3A_47 = vector.multi_reduction <add>, %exp3A_45, %reduce_sum3A_46 [1] : vector<256x8xf32> to vector<256xf32>
    %broadcast_in_dim3A_48 = vector.shape_cast %reduce_sum3A_47 : vector<256xf32> to vector<256x1xf32>
    %div3A_49 = vector.broadcast %broadcast_in_dim3A_48 : vector<256x1xf32> to vector<256x8xf32>
    %div3A_50 = arith.divf %exp3A_45, %div3A_49 : vector<256x8xf32>
    %slice3A_51 = vector.extract_strided_slice %dot_general3A_18 {offsets = [0, 32], sizes = [8, 32], strides = [1, 1]} : vector<8x128xf32> to vector<8x32xf32>
    %dot_general3A_52 = arith.constant dense<0.000000e+00> : vector<256x32xf32>
    %dot_general3A_53 = tpu.matmul %div3A_50, %slice3A_51, %dot_general3A_52 {dimension_numbers = #tpu.dot_dimension_numbers<[1], [0], [0], [1], [0, 0, 1, 1], [], []>, transpose_lhs_hint = false} : vector<256x8xf32>, vector<8x32xf32>, vector<256x32xf32> -> vector<256x32xf32>
    %slice3A_54 = vector.extract_strided_slice %dot_general3A_8 {offsets = [0, 64], sizes = [256, 32], strides = [1, 1]} : vector<256x128xf32> to vector<256x32xf32>
    %slice3A_55 = vector.extract_strided_slice %dot_general3A_13 {offsets = [0, 64], sizes = [8, 32], strides = [1, 1]} : vector<8x128xf32> to vector<8x32xf32>
    %dot_general3A_56 = arith.constant dense<0.000000e+00> : vector<256x8xf32>
    %dot_general3A_57 = tpu.matmul %slice3A_54, %slice3A_55, %dot_general3A_56 {dimension_numbers = #tpu.dot_dimension_numbers<[1], [1], [0], [0], [0, 0, 1, 0], [], []>, transpose_lhs_hint = false} : vector<256x32xf32>, vector<8x32xf32>, vector<256x8xf32> -> vector<256x8xf32>
    %mul3A_58 = vector.broadcast %div3A_20 : f32 to vector<256x8xf32>
    %mul3A_59 = arith.mulf %dot_general3A_57, %mul3A_58 : vector<256x8xf32>
    %reduce_max3A_60 = arith.constant dense<0xFF800000> : vector<256xf32>
    %reduce_max3A_61 = vector.multi_reduction <maximumf>, %mul3A_59, %reduce_max3A_60 [1] : vector<256x8xf32> to vector<256xf32>
    %broadcast_in_dim3A_62 = vector.shape_cast %reduce_max3A_61 : vector<256xf32> to vector<256x1xf32>
    %sub3A_63 = vector.broadcast %broadcast_in_dim3A_62 : vector<256x1xf32> to vector<256x8xf32>
    %sub3A_64 = arith.subf %mul3A_59, %sub3A_63 : vector<256x8xf32>
    %exp3A_65 = math.exp %sub3A_64 : vector<256x8xf32>
    %reduce_sum3A_66 = arith.constant dense<0.000000e+00> : vector<256xf32>
    %reduce_sum3A_67 = vector.multi_reduction <add>, %exp3A_65, %reduce_sum3A_66 [1] : vector<256x8xf32> to vector<256xf32>
    %broadcast_in_dim3A_68 = vector.shape_cast %reduce_sum3A_67 : vector<256xf32> to vector<256x1xf32>
    %div3A_69 = vector.broadcast %broadcast_in_dim3A_68 : vector<256x1xf32> to vector<256x8xf32>
    %div3A_70 = arith.divf %exp3A_65, %div3A_69 : vector<256x8xf32>
    %slice3A_71 = vector.extract_strided_slice %dot_general3A_18 {offsets = [0, 64], sizes = [8, 32], strides = [1, 1]} : vector<8x128xf32> to vector<8x32xf32>
    %dot_general3A_72 = arith.constant dense<0.000000e+00> : vector<256x32xf32>
    %dot_general3A_73 = tpu.matmul %div3A_70, %slice3A_71, %dot_general3A_72 {dimension_numbers = #tpu.dot_dimension_numbers<[1], [0], [0], [1], [0, 0, 1, 1], [], []>, transpose_lhs_hint = false} : vector<256x8xf32>, vector<8x32xf32>, vector<256x32xf32> -> vector<256x32xf32>
    %slice3A_74 = vector.extract_strided_slice %dot_general3A_8 {offsets = [0, 96], sizes = [256, 32], strides = [1, 1]} : vector<256x128xf32> to vector<256x32xf32>
    %slice3A_75 = vector.extract_strided_slice %dot_general3A_13 {offsets = [0, 96], sizes = [8, 32], strides = [1, 1]} : vector<8x128xf32> to vector<8x32xf32>
    %dot_general3A_76 = arith.constant dense<0.000000e+00> : vector<256x8xf32>
    %dot_general3A_77 = tpu.matmul %slice3A_74, %slice3A_75, %dot_general3A_76 {dimension_numbers = #tpu.dot_dimension_numbers<[1], [1], [0], [0], [0, 0, 1, 0], [], []>, transpose_lhs_hint = false} : vector<256x32xf32>, vector<8x32xf32>, vector<256x8xf32> -> vector<256x8xf32>
    %mul3A_78 = vector.broadcast %div3A_20 : f32 to vector<256x8xf32>
    %mul3A_79 = arith.mulf %dot_general3A_77, %mul3A_78 : vector<256x8xf32>
    %reduce_max3A_80 = arith.constant dense<0xFF800000> : vector<256xf32>
    %reduce_max3A_81 = vector.multi_reduction <maximumf>, %mul3A_79, %reduce_max3A_80 [1] : vector<256x8xf32> to vector<256xf32>
    %broadcast_in_dim3A_82 = vector.shape_cast %reduce_max3A_81 : vector<256xf32> to vector<256x1xf32>
    %sub3A_83 = vector.broadcast %broadcast_in_dim3A_82 : vector<256x1xf32> to vector<256x8xf32>
    %sub3A_84 = arith.subf %mul3A_79, %sub3A_83 : vector<256x8xf32>
    %exp3A_85 = math.exp %sub3A_84 : vector<256x8xf32>
    %reduce_sum3A_86 = arith.constant dense<0.000000e+00> : vector<256xf32>
    %reduce_sum3A_87 = vector.multi_reduction <add>, %exp3A_85, %reduce_sum3A_86 [1] : vector<256x8xf32> to vector<256xf32>
    %broadcast_in_dim3A_88 = vector.shape_cast %reduce_sum3A_87 : vector<256xf32> to vector<256x1xf32>
    %div3A_89 = vector.broadcast %broadcast_in_dim3A_88 : vector<256x1xf32> to vector<256x8xf32>
    %div3A_90 = arith.divf %exp3A_85, %div3A_89 : vector<256x8xf32>
    %slice3A_91 = vector.extract_strided_slice %dot_general3A_18 {offsets = [0, 96], sizes = [8, 32], strides = [1, 1]} : vector<8x128xf32> to vector<8x32xf32>
    %dot_general3A_92 = arith.constant dense<0.000000e+00> : vector<256x32xf32>
    %dot_general3A_93 = tpu.matmul %div3A_90, %slice3A_91, %dot_general3A_92 {dimension_numbers = #tpu.dot_dimension_numbers<[1], [0], [0], [1], [0, 0, 1, 1], [], []>, transpose_lhs_hint = false} : vector<256x8xf32>, vector<8x32xf32>, vector<256x32xf32> -> vector<256x32xf32>
    %concatenate3A = tpu.concatenate %dot_general3A_33, %dot_general3A_53, %dot_general3A_73, %dot_general3A_93 in 1 : vector<256x32xf32>, vector<256x32xf32>, vector<256x32xf32>, vector<256x32xf32> -> vector<256x128xf32>
    %get3A_94 = arith.constant 0 : index
    %get3A_95 = arith.constant 0 : index
    %get3A_96 = vector.load %arg6[%get3A_94, %get3A_95] : memref<128x128xf32, #tpu.memory_space<vmem>>, vector<128x128xf32>
    %dot_general3A_97 = arith.constant dense<0.000000e+00> : vector<256x128xf32>
    %dot_general3A_98 = tpu.matmul %concatenate3A, %get3A_96, %dot_general3A_97 {dimension_numbers = #tpu.dot_dimension_numbers<[1], [0], [0], [1], [0, 0, 1, 1], [], []>, transpose_lhs_hint = false} : vector<256x128xf32>, vector<128x128xf32>, vector<256x128xf32> -> vector<256x128xf32>
    %get3A_99 = arith.constant 0 : index
    %get3A_100 = vector.load %arg7[%get3A_99] : memref<128xf32, #tpu.memory_space<vmem>>, vector<128xf32>
    %broadcast_in_dim3A_101 = vector.shape_cast %get3A_100 : vector<128xf32> to vector<1x128xf32>
    %add3A = vector.broadcast %broadcast_in_dim3A_101 : vector<1x128xf32> to vector<256x128xf32>
    %add3A_102 = arith.addf %dot_general3A_98, %add3A : vector<256x128xf32>
    %add3A_103 = arith.addf %get3A_1, %add3A_102 : vector<256x128xf32>
    %get3A_104 = arith.constant 0 : index
    %get3A_105 = vector.load %arg8[%get3A_104] : memref<128xf32, #tpu.memory_space<vmem>>, vector<128xf32>
    %get3A_106 = arith.constant 0 : index
    %get3A_107 = vector.load %arg9[%get3A_106] : memref<128xf32, #tpu.memory_space<vmem>>, vector<128xf32>
    %reduce_sum3A_108 = arith.constant dense<0.000000e+00> : vector<256xf32>
    %reduce_sum3A_109 = vector.multi_reduction <add>, %add3A_103, %reduce_sum3A_108 [1] : vector<256x128xf32> to vector<256xf32>
    %broadcast_in_dim3A_110 = vector.shape_cast %reduce_sum3A_109 : vector<256xf32> to vector<256x1xf32>
    %div3A_111 = arith.constant 1.280000e+02 : f32
    %div3A_112 = vector.broadcast %div3A_111 : f32 to vector<256x1xf32>
    %div3A_113 = arith.divf %broadcast_in_dim3A_110, %div3A_112 : vector<256x1xf32>
    %sub3A_114 = vector.broadcast %div3A_113 : vector<256x1xf32> to vector<256x128xf32>
    %sub3A_115 = arith.subf %add3A_103, %sub3A_114 : vector<256x128xf32>
    %sub3A_116 = vector.broadcast %div3A_113 : vector<256x1xf32> to vector<256x128xf32>
    %sub3A_117 = arith.subf %add3A_103, %sub3A_116 : vector<256x128xf32>
    %mul3A_118 = arith.mulf %sub3A_115, %sub3A_117 : vector<256x128xf32>
    %reduce_sum3A_119 = arith.constant dense<0.000000e+00> : vector<256xf32>
    %reduce_sum3A_120 = vector.multi_reduction <add>, %mul3A_118, %reduce_sum3A_119 [1] : vector<256x128xf32> to vector<256xf32>
    %broadcast_in_dim3A_121 = vector.shape_cast %reduce_sum3A_120 : vector<256xf32> to vector<256x1xf32>
    %div3A_122 = arith.constant 1.280000e+02 : f32
    %div3A_123 = vector.broadcast %div3A_122 : f32 to vector<256x1xf32>
    %div3A_124 = arith.divf %broadcast_in_dim3A_121, %div3A_123 : vector<256x1xf32>
    %sub3A_125 = vector.broadcast %div3A_113 : vector<256x1xf32> to vector<256x128xf32>
    %sub3A_126 = arith.subf %add3A_103, %sub3A_125 : vector<256x128xf32>
    %add3A_127 = arith.constant 9.99999974E-6 : f32
    %add3A_128 = vector.broadcast %add3A_127 : f32 to vector<256x1xf32>
    %add3A_129 = arith.addf %div3A_124, %add3A_128 : vector<256x1xf32>
    %sqrt3A_130 = math.sqrt %add3A_129 : vector<256x1xf32>
    %div3A_131 = vector.broadcast %sqrt3A_130 : vector<256x1xf32> to vector<256x128xf32>
    %div3A_132 = arith.divf %sub3A_126, %div3A_131 : vector<256x128xf32>
    %broadcast_in_dim3A_133 = vector.shape_cast %get3A_105 : vector<128xf32> to vector<1x128xf32>
    %mul3A_134 = vector.broadcast %broadcast_in_dim3A_133 : vector<1x128xf32> to vector<256x128xf32>
    %mul3A_135 = arith.mulf %div3A_132, %mul3A_134 : vector<256x128xf32>
    %broadcast_in_dim3A_136 = vector.shape_cast %get3A_107 : vector<128xf32> to vector<1x128xf32>
    %add3A_137 = vector.broadcast %broadcast_in_dim3A_136 : vector<1x128xf32> to vector<256x128xf32>
    %add3A_138 = arith.addf %mul3A_135, %add3A_137 : vector<256x128xf32>
    %get3A_139 = arith.constant 0 : index
    %get3A_140 = arith.constant 0 : index
    %get3A_141 = vector.load %arg10[%get3A_139, %get3A_140] : memref<128x256xf32, #tpu.memory_space<vmem>>, vector<128x256xf32>
    %dot_general3A_142 = arith.constant dense<0.000000e+00> : vector<256x256xf32>
    %dot_general3A_143 = tpu.matmul %add3A_138, %get3A_141, %dot_general3A_142 {dimension_numbers = #tpu.dot_dimension_numbers<[1], [0], [0], [1], [0, 0, 1, 1], [], []>, transpose_lhs_hint = false} : vector<256x128xf32>, vector<128x256xf32>, vector<256x256xf32> -> vector<256x256xf32>
    %get3A_144 = arith.constant 0 : index
    %get3A_145 = vector.load %arg11[%get3A_144] : memref<256xf32, #tpu.memory_space<vmem>>, vector<256xf32>
    %broadcast_in_dim3A_146 = vector.shape_cast %get3A_145 : vector<256xf32> to vector<1x256xf32>
    %add3A_147 = vector.broadcast %broadcast_in_dim3A_146 : vector<1x256xf32> to vector<256x256xf32>
    %add3A_148 = arith.addf %dot_general3A_143, %add3A_147 : vector<256x256xf32>
    %max3A = arith.constant 0.000000e+00 : f32
    %max3A_149 = vector.broadcast %max3A : f32 to vector<256x256xf32>
    %max3A_150 = arith.maximumf %add3A_148, %max3A_149 : vector<256x256xf32>
    %get3A_151 = arith.constant 0 : index
    %get3A_152 = arith.constant 0 : index
    %get3A_153 = vector.load %arg12[%get3A_151, %get3A_152] : memref<256x128xf32, #tpu.memory_space<vmem>>, vector<256x128xf32>
    %dot_general3A_154 = arith.constant dense<0.000000e+00> : vector<256x128xf32>
    %dot_general3A_155 = tpu.matmul %max3A_150, %get3A_153, %dot_general3A_154 {dimension_numbers = #tpu.dot_dimension_numbers<[1], [0], [0], [1], [0, 0, 1, 1], [], []>, transpose_lhs_hint = false} : vector<256x256xf32>, vector<256x128xf32>, vector<256x128xf32> -> vector<256x128xf32>
    %get3A_156 = arith.constant 0 : index
    %get3A_157 = vector.load %arg13[%get3A_156] : memref<128xf32, #tpu.memory_space<vmem>>, vector<128xf32>
    %broadcast_in_dim3A_158 = vector.shape_cast %get3A_157 : vector<128xf32> to vector<1x128xf32>
    %add3A_159 = vector.broadcast %broadcast_in_dim3A_158 : vector<1x128xf32> to vector<256x128xf32>
    %add3A_160 = arith.addf %dot_general3A_155, %add3A_159 : vector<256x128xf32>
    %add3A_161 = arith.addf %add3A_138, %add3A_160 : vector<256x128xf32>
    %get3A_162 = arith.constant 0 : index
    %get3A_163 = vector.load %arg14[%get3A_162] : memref<128xf32, #tpu.memory_space<vmem>>, vector<128xf32>
    %get3A_164 = arith.constant 0 : index
    %get3A_165 = vector.load %arg15[%get3A_164] : memref<128xf32, #tpu.memory_space<vmem>>, vector<128xf32>
    %reduce_sum3A_166 = arith.constant dense<0.000000e+00> : vector<256xf32>
    %reduce_sum3A_167 = vector.multi_reduction <add>, %add3A_161, %reduce_sum3A_166 [1] : vector<256x128xf32> to vector<256xf32>
    %broadcast_in_dim3A_168 = vector.shape_cast %reduce_sum3A_167 : vector<256xf32> to vector<256x1xf32>
    %div3A_169 = arith.constant 1.280000e+02 : f32
    %div3A_170 = vector.broadcast %div3A_169 : f32 to vector<256x1xf32>
    %div3A_171 = arith.divf %broadcast_in_dim3A_168, %div3A_170 : vector<256x1xf32>
    %sub3A_172 = vector.broadcast %div3A_171 : vector<256x1xf32> to vector<256x128xf32>
    %sub3A_173 = arith.subf %add3A_161, %sub3A_172 : vector<256x128xf32>
    %sub3A_174 = vector.broadcast %div3A_171 : vector<256x1xf32> to vector<256x128xf32>
    %sub3A_175 = arith.subf %add3A_161, %sub3A_174 : vector<256x128xf32>
    %mul3A_176 = arith.mulf %sub3A_173, %sub3A_175 : vector<256x128xf32>
    %reduce_sum3A_177 = arith.constant dense<0.000000e+00> : vector<256xf32>
    %reduce_sum3A_178 = vector.multi_reduction <add>, %mul3A_176, %reduce_sum3A_177 [1] : vector<256x128xf32> to vector<256xf32>
    %broadcast_in_dim3A_179 = vector.shape_cast %reduce_sum3A_178 : vector<256xf32> to vector<256x1xf32>
    %div3A_180 = arith.constant 1.280000e+02 : f32
    %div3A_181 = vector.broadcast %div3A_180 : f32 to vector<256x1xf32>
    %div3A_182 = arith.divf %broadcast_in_dim3A_179, %div3A_181 : vector<256x1xf32>
    %sub3A_183 = vector.broadcast %div3A_171 : vector<256x1xf32> to vector<256x128xf32>
    %sub3A_184 = arith.subf %add3A_161, %sub3A_183 : vector<256x128xf32>
    %add3A_185 = arith.constant 9.99999974E-6 : f32
    %add3A_186 = vector.broadcast %add3A_185 : f32 to vector<256x1xf32>
    %add3A_187 = arith.addf %div3A_182, %add3A_186 : vector<256x1xf32>
    %sqrt3A_188 = math.sqrt %add3A_187 : vector<256x1xf32>
    %div3A_189 = vector.broadcast %sqrt3A_188 : vector<256x1xf32> to vector<256x128xf32>
    %div3A_190 = arith.divf %sub3A_184, %div3A_189 : vector<256x128xf32>
    %broadcast_in_dim3A_191 = vector.shape_cast %get3A_163 : vector<128xf32> to vector<1x128xf32>
    %mul3A_192 = vector.broadcast %broadcast_in_dim3A_191 : vector<1x128xf32> to vector<256x128xf32>
    %mul3A_193 = arith.mulf %div3A_190, %mul3A_192 : vector<256x128xf32>
    %broadcast_in_dim3A_194 = vector.shape_cast %get3A_165 : vector<128xf32> to vector<1x128xf32>
    %add3A_195 = vector.broadcast %broadcast_in_dim3A_194 : vector<1x128xf32> to vector<256x128xf32>
    %add3A_196 = arith.addf %mul3A_193, %add3A_195 : vector<256x128xf32>
    %get3A_197 = arith.constant 0 : index
    %get3A_198 = vector.load %arg16[%get3A_197] : memref<128xf32, #tpu.memory_space<vmem>>, vector<128xf32>
    %get3A_199 = arith.constant 0 : index
    %get3A_200 = vector.load %arg17[%get3A_199] : memref<128xf32, #tpu.memory_space<vmem>>, vector<128xf32>
    %reduce_sum3A_201 = arith.constant dense<0.000000e+00> : vector<256xf32>
    %reduce_sum3A_202 = vector.multi_reduction <add>, %get3A_1, %reduce_sum3A_201 [1] : vector<256x128xf32> to vector<256xf32>
    %broadcast_in_dim3A_203 = vector.shape_cast %reduce_sum3A_202 : vector<256xf32> to vector<256x1xf32>
    %div3A_204 = arith.constant 1.280000e+02 : f32
    %div3A_205 = vector.broadcast %div3A_204 : f32 to vector<256x1xf32>
    %div3A_206 = arith.divf %broadcast_in_dim3A_203, %div3A_205 : vector<256x1xf32>
    %sub3A_207 = vector.broadcast %div3A_206 : vector<256x1xf32> to vector<256x128xf32>
    %sub3A_208 = arith.subf %get3A_1, %sub3A_207 : vector<256x128xf32>
    %sub3A_209 = vector.broadcast %div3A_206 : vector<256x1xf32> to vector<256x128xf32>
    %sub3A_210 = arith.subf %get3A_1, %sub3A_209 : vector<256x128xf32>
    %mul3A_211 = arith.mulf %sub3A_208, %sub3A_210 : vector<256x128xf32>
    %reduce_sum3A_212 = arith.constant dense<0.000000e+00> : vector<256xf32>
    %reduce_sum3A_213 = vector.multi_reduction <add>, %mul3A_211, %reduce_sum3A_212 [1] : vector<256x128xf32> to vector<256xf32>
    %broadcast_in_dim3A_214 = vector.shape_cast %reduce_sum3A_213 : vector<256xf32> to vector<256x1xf32>
    %div3A_215 = arith.constant 1.280000e+02 : f32
    %div3A_216 = vector.broadcast %div3A_215 : f32 to vector<256x1xf32>
    %div3A_217 = arith.divf %broadcast_in_dim3A_214, %div3A_216 : vector<256x1xf32>
    %sub3A_218 = vector.broadcast %div3A_206 : vector<256x1xf32> to vector<256x128xf32>
    %sub3A_219 = arith.subf %get3A_1, %sub3A_218 : vector<256x128xf32>
    %add3A_220 = arith.constant 9.99999974E-6 : f32
    %add3A_221 = vector.broadcast %add3A_220 : f32 to vector<256x1xf32>
    %add3A_222 = arith.addf %div3A_217, %add3A_221 : vector<256x1xf32>
    %sqrt3A_223 = math.sqrt %add3A_222 : vector<256x1xf32>
    %div3A_224 = vector.broadcast %sqrt3A_223 : vector<256x1xf32> to vector<256x128xf32>
    %div3A_225 = arith.divf %sub3A_219, %div3A_224 : vector<256x128xf32>
    %broadcast_in_dim3A_226 = vector.shape_cast %get3A_198 : vector<128xf32> to vector<1x128xf32>
    %mul3A_227 = vector.broadcast %broadcast_in_dim3A_226 : vector<1x128xf32> to vector<256x128xf32>
    %mul3A_228 = arith.mulf %div3A_225, %mul3A_227 : vector<256x128xf32>
    %broadcast_in_dim3A_229 = vector.shape_cast %get3A_200 : vector<128xf32> to vector<1x128xf32>
    %add3A_230 = vector.broadcast %broadcast_in_dim3A_229 : vector<1x128xf32> to vector<256x128xf32>
    %add3A_231 = arith.addf %mul3A_228, %add3A_230 : vector<256x128xf32>
    %get3A_232 = arith.constant 0 : index
    %get3A_233 = arith.constant 0 : index
    %get3A_234 = vector.load %arg20[%get3A_232, %get3A_233] : memref<128x64xf32, #tpu.memory_space<vmem>>, vector<128x64xf32>
    %dot_general3A_235 = arith.constant dense<0.000000e+00> : vector<256x64xf32>
    %dot_general3A_236 = tpu.matmul %add3A_231, %get3A_234, %dot_general3A_235 {dimension_numbers = #tpu.dot_dimension_numbers<[1], [0], [0], [1], [0, 0, 1, 1], [], []>, transpose_lhs_hint = false} : vector<256x128xf32>, vector<128x64xf32>, vector<256x64xf32> -> vector<256x64xf32>
    %get3A_237 = arith.constant 0 : index
    %get3A_238 = arith.constant 0 : index
    %get3A_239 = vector.load %arg21[%get3A_237, %get3A_238] : memref<128x64xf32, #tpu.memory_space<vmem>>, vector<128x64xf32>
    %dot_general3A_240 = arith.constant dense<0.000000e+00> : vector<256x64xf32>
    %dot_general3A_241 = tpu.matmul %add3A_196, %get3A_239, %dot_general3A_240 {dimension_numbers = #tpu.dot_dimension_numbers<[1], [0], [0], [1], [0, 0, 1, 1], [], []>, transpose_lhs_hint = false} : vector<256x128xf32>, vector<128x64xf32>, vector<256x64xf32> -> vector<256x64xf32>
    %add3A_242 = arith.addf %dot_general3A_236, %dot_general3A_241 : vector<256x64xf32>
    %broadcast_in_dim3A_243 = arith.constant 0.000000e+00 : f32
    %broadcast_in_dim3A_244 = vector.broadcast %broadcast_in_dim3A_243 : f32 to vector<256x64xf32>
    %concatenate3A_245 = tpu.concatenate %add3A_242, %broadcast_in_dim3A_244 in 1 : vector<256x64xf32>, vector<256x64xf32> -> vector<256x128xf32>
    %swap3A = arith.constant 0 : index
    %swap3A_246 = arith.constant 0 : index
    %swap3A_247 = vector.load %arg23[%swap3A, %swap3A_246] : memref<256x128xf32, #tpu.memory_space<vmem>>, vector<256x128xf32>
    tpu.vector_store %arg23[%swap3A, %swap3A_246], %concatenate3A_245 {strides = array<i32>} : memref<256x128xf32, #tpu.memory_space<vmem>>, vector<256x128xf32>,
    %get3A_248 = arith.constant 0 : index
    %get3A_249 = arith.constant 0 : index
    %get3A_250 = vector.load %arg18[%get3A_248, %get3A_249] : memref<128x64xf32, #tpu.memory_space<vmem>>, vector<128x64xf32>
    %dot_general3A_251 = arith.constant dense<0.000000e+00> : vector<256x64xf32>
    %dot_general3A_252 = tpu.matmul %add3A_231, %get3A_250, %dot_general3A_251 {dimension_numbers = #tpu.dot_dimension_numbers<[1], [0], [0], [1], [0, 0, 1, 1], [], []>, transpose_lhs_hint = false} : vector<256x128xf32>, vector<128x64xf32>, vector<256x64xf32> -> vector<256x64xf32>
    %get3A_253 = arith.constant 0 : index
    %get3A_254 = arith.constant 0 : index
    %get3A_255 = vector.load %arg19[%get3A_253, %get3A_254] : memref<128x64xf32, #tpu.memory_space<vmem>>, vector<128x64xf32>
    %dot_general3A_256 = arith.constant dense<0.000000e+00> : vector<256x64xf32>
    %dot_general3A_257 = tpu.matmul %add3A_196, %get3A_255, %dot_general3A_256 {dimension_numbers = #tpu.dot_dimension_numbers<[1], [0], [0], [1], [0, 0, 1, 1], [], []>, transpose_lhs_hint = false} : vector<256x128xf32>, vector<128x64xf32>, vector<256x64xf32> -> vector<256x64xf32>
    %add3A_258 = arith.addf %dot_general3A_252, %dot_general3A_257 : vector<256x64xf32>
    %get3A_259 = arith.constant 0 : index
    %get3A_260 = vector.load %arg22[%get3A_259] : memref<64xf32, #tpu.memory_space<vmem>>, vector<64xf32>
    %broadcast_in_dim3A_261 = vector.shape_cast %get3A_260 : vector<64xf32> to vector<1x64xf32>
    %add3A_262 = vector.broadcast %broadcast_in_dim3A_261 : vector<1x64xf32> to vector<256x64xf32>
    %add3A_263 = arith.addf %add3A_258, %add3A_262 : vector<256x64xf32>
    %swap3A_264 = arith.constant 0 : index
    %swap3A_265 = arith.constant 0 : index
    %swap3A_266 = vector.load %arg24[%swap3A_264, %swap3A_265] : memref<256x64xf32, #tpu.memory_space<vmem>>, vector<256x64xf32>
    tpu.vector_store %arg24[%swap3A_264, %swap3A_265], %add3A_263 {strides = array<i32>} : memref<256x64xf32, #tpu.memory_space<vmem>>, vector<256x64xf32>,
    return
  }
  func.func @transform_0(%arg0: i32) -> (i32, i32) {
    %c0_i32 = arith.constant 0 : i32
    %c0_i32_0 = arith.constant 0 : i32
    return %arg0, %c0_i32 : i32, i32
  }
  func.func @transform_1(%arg0: i32) -> (i32, i32) {
    %c0_i32 = arith.constant 0 : i32
    %c0_i32_0 = arith.constant 0 : i32
    %c0_i32_1 = arith.constant 0 : i32
    return %c0_i32, %c0_i32_0 : i32, i32
  }
  func.func @transform_2(%arg0: i32) -> (i32, i32) {
    %c0_i32 = arith.constant 0 : i32
    %c0_i32_0 = arith.constant 0 : i32
    %c0_i32_1 = arith.constant 0 : i32
    return %c0_i32, %c0_i32_0 : i32, i32
  }
  func.func @transform_3(%arg0: i32) -> (i32, i32) {
    %c0_i32 = arith.constant 0 : i32
    %c0_i32_0 = arith.constant 0 : i32
    %c0_i32_1 = arith.constant 0 : i32
    return %c0_i32, %c0_i32_0 : i32, i32
  }
  func.func @transform_4(%arg0: i32) -> (i32, i32) {
    %c0_i32 = arith.constant 0 : i32
    %c0_i32_0 = arith.constant 0 : i32
    %c0_i32_1 = arith.constant 0 : i32
    return %c0_i32, %c0_i32_0 : i32, i32
  }
  func.func @transform_5(%arg0: i32) -> (i32, i32) {
    %c0_i32 = arith.constant 0 : i32
    %c0_i32_0 = arith.constant 0 : i32
    %c0_i32_1 = arith.constant 0 : i32
    return %c0_i32, %c0_i32_0 : i32, i32
  }
  func.func @transform_6(%arg0: i32) -> i32 {
    %c0_i32 = arith.constant 0 : i32
    %c0_i32_0 = arith.constant 0 : i32
    return %c0_i32 : i32
  }
  func.func @transform_7(%arg0: i32) -> i32 {
    %c0_i32 = arith.constant 0 : i32
    %c0_i32_0 = arith.constant 0 : i32
    return %c0_i32 : i32
  }
  func.func @transform_8(%arg0: i32) -> i32 {
    %c0_i32 = arith.constant 0 : i32
    %c0_i32_0 = arith.constant 0 : i32
    return %c0_i32 : i32
  }
  func.func @transform_9(%arg0: i32) -> (i32, i32) {
    %c0_i32 = arith.constant 0 : i32
    %c0_i32_0 = arith.constant 0 : i32
    %c0_i32_1 = arith.constant 0 : i32
    return %c0_i32, %c0_i32_0 : i32, i32
  }
  func.func @transform_10(%arg0: i32) -> i32 {
    %c0_i32 = arith.constant 0 : i32
    %c0_i32_0 = arith.constant 0 : i32
    return %c0_i32 : i32
  }
  func.func @transform_11(%arg0: i32) -> (i32, i32) {
    %c0_i32 = arith.constant 0 : i32
    %c0_i32_0 = arith.constant 0 : i32
    %c0_i32_1 = arith.constant 0 : i32
    return %c0_i32, %c0_i32_0 : i32, i32
  }
  func.func @transform_12(%arg0: i32) -> i32 {
    %c0_i32 = arith.constant 0 : i32
    %c0_i32_0 = arith.constant 0 : i32
    return %c0_i32 : i32
  }
  func.func @transform_13(%arg0: i32) -> i32 {
    %c0_i32 = arith.constant 0 : i32
    %c0_i32_0 = arith.constant 0 : i32
    return %c0_i32 : i32
  }
  func.func @transform_14(%arg0: i32) -> i32 {
    %c0_i32 = arith.constant 0 : i32
    %c0_i32_0 = arith.constant 0 : i32
    return %c0_i32 : i32
  }
  func.func @transform_15(%arg0: i32) -> i32 {
    %c0_i32 = arith.constant 0 : i32
    %c0_i32_0 = arith.constant 0 : i32
    return %c0_i32 : i32
  }
  func.func @transform_16(%arg0: i32) -> i32 {
    %c0_i32 = arith.constant 0 : i32
    %c0_i32_0 = arith.constant 0 : i32
    return %c0_i32 : i32
  }
  func.func @transform_17(%arg0: i32) -> (i32, i32) {
    %c0_i32 = arith.constant 0 : i32
    %c0_i32_0 = arith.constant 0 : i32
    %c0_i32_1 = arith.constant 0 : i32
    return %c0_i32, %c0_i32_0 : i32, i32
  }
  func.func @transform_18(%arg0: i32) -> (i32, i32) {
    %c0_i32 = arith.constant 0 : i32
    %c0_i32_0 = arith.constant 0 : i32
    %c0_i32_1 = arith.constant 0 : i32
    return %c0_i32, %c0_i32_0 : i32, i32
  }
  func.func @transform_19(%arg0: i32) -> (i32, i32) {
    %c0_i32 = arith.constant 0 : i32
    %c0_i32_0 = arith.constant 0 : i32
    %c0_i32_1 = arith.constant 0 : i32
    return %c0_i32, %c0_i32_0 : i32, i32
  }
  func.func @transform_20(%arg0: i32) -> (i32, i32) {
    %c0_i32 = arith.constant 0 : i32
    %c0_i32_0 = arith.constant 0 : i32
    %c0_i32_1 = arith.constant 0 : i32
    return %c0_i32, %c0_i32_0 : i32, i32
  }
  func.func @transform_21(%arg0: i32) -> i32 {
    %c0_i32 = arith.constant 0 : i32
    %c0_i32_0 = arith.constant 0 : i32
    return %c0_i32 : i32
  }
  func.func @transform_22(%arg0: i32) -> (i32, i32) {
    %c0_i32 = arith.constant 0 : i32
    %c0_i32_0 = arith.constant 0 : i32
    return %arg0, %c0_i32 : i32, i32
  }
  func.func @transform_23(%arg0: i32) -> (i32, i32) {
    %c0_i32 = arith.constant 0 : i32
    %c0_i32_0 = arith.constant 0 : i32
    return %arg0, %c0_i32 : i32, i32
  }
}

module attributes {stable_mosaic.version = 14 : i64} {
  func.func @_final_body(%arg0: i32, %arg1: memref<256x64xf32, #tpu.memory_space<vmem>>, %arg2: memref<2x256x128xf32, #tpu.memory_space<vmem>>, %arg3: memref<256xf32, #tpu.memory_space<vmem>>, %arg4: memref<256x64xf32, #tpu.memory_space<vmem>>) attributes {dimension_semantics = [#tpu.dimension_semantics<arbitrary>], iteration_bounds = array<i64: 40>, scalar_prefetch = 0 : i64, scratch_operands = 0 : i64, tpu.core_type = #tpu.core_type<tc>, window_params = [{transform_indices = @transform_0, window_bounds = array<i64: 256, 64>}, {transform_indices = @transform_1, window_bounds = array<i64: 2, 256, 128>}, {transform_indices = @transform_2, window_bounds = array<i64: 256>}, {transform_indices = @transform_3, window_bounds = array<i64: 256, 64>}]} {
    %get3A = arith.constant 0 : index
    %get3A_0 = arith.constant 0 : index
    %get3A_1 = arith.constant 0 : index
    %get3A_2 = vector.load %arg2[%get3A, %get3A_0, %get3A_1] : memref<2x256x128xf32, #tpu.memory_space<vmem>>, vector<1x256x64xf32>
    %get3A_3 = vector.shape_cast %get3A_2 : vector<1x256x64xf32> to vector<256x64xf32>
    %get3A_4 = arith.constant 1 : index
    %get3A_5 = arith.constant 0 : index
    %get3A_6 = arith.constant 0 : index
    %get3A_7 = vector.load %arg2[%get3A_4, %get3A_5, %get3A_6] : memref<2x256x128xf32, #tpu.memory_space<vmem>>, vector<1x256x64xf32>
    %get3A_8 = vector.shape_cast %get3A_7 : vector<1x256x64xf32> to vector<256x64xf32>
    %add3A = arith.addf %get3A_3, %get3A_8 : vector<256x64xf32>
    %get3A_9 = arith.constant 0 : index
    %get3A_10 = vector.load %arg3[%get3A_9] : memref<256xf32, #tpu.memory_space<vmem>>, vector<256xf32>
    %broadcast_in_dim3A = vector.shape_cast %get3A_10 : vector<256xf32> to vector<256x1xf32>
    %div3A = vector.broadcast %broadcast_in_dim3A : vector<256x1xf32> to vector<256x64xf32>
    %div3A_11 = arith.divf %add3A, %div3A : vector<256x64xf32>
    %get3A_12 = arith.constant 0 : index
    %get3A_13 = arith.constant 0 : index
    %get3A_14 = vector.load %arg1[%get3A_12, %get3A_13] : memref<256x64xf32, #tpu.memory_space<vmem>>, vector<256x64xf32>
    %add3A_15 = arith.addf %get3A_14, %div3A_11 : vector<256x64xf32>
    %reduce_max3A = arith.constant dense<0xFF800000> : vector<256xf32>
    %reduce_max3A_16 = vector.multi_reduction <maximumf>, %add3A_15, %reduce_max3A [1] : vector<256x64xf32> to vector<256xf32>
    %broadcast_in_dim3A_17 = vector.shape_cast %reduce_max3A_16 : vector<256xf32> to vector<256x1xf32>
    %sub3A = vector.broadcast %broadcast_in_dim3A_17 : vector<256x1xf32> to vector<256x64xf32>
    %sub3A_18 = arith.subf %add3A_15, %sub3A : vector<256x64xf32>
    %exp3A = math.exp %sub3A_18 : vector<256x64xf32>
    %reduce_sum3A = arith.constant dense<0.000000e+00> : vector<256xf32>
    %reduce_sum3A_19 = vector.multi_reduction <add>, %exp3A, %reduce_sum3A [1] : vector<256x64xf32> to vector<256xf32>
    %broadcast_in_dim3A_20 = vector.shape_cast %reduce_sum3A_19 : vector<256xf32> to vector<256x1xf32>
    %log3A = math.log %broadcast_in_dim3A_20 : vector<256x1xf32>
    %sub3A_21 = vector.broadcast %broadcast_in_dim3A_17 : vector<256x1xf32> to vector<256x64xf32>
    %sub3A_22 = arith.subf %add3A_15, %sub3A_21 : vector<256x64xf32>
    %sub3A_23 = vector.broadcast %log3A : vector<256x1xf32> to vector<256x64xf32>
    %sub3A_24 = arith.subf %sub3A_22, %sub3A_23 : vector<256x64xf32>
    %swap3A = arith.constant 0 : index
    %swap3A_25 = arith.constant 0 : index
    %swap3A_26 = vector.load %arg4[%swap3A, %swap3A_25] : memref<256x64xf32, #tpu.memory_space<vmem>>, vector<256x64xf32>
    tpu.vector_store %arg4[%swap3A, %swap3A_25], %sub3A_24 {strides = array<i32>} : memref<256x64xf32, #tpu.memory_space<vmem>>, vector<256x64xf32>,
    return
  }
  func.func @transform_0(%arg0: i32) -> (i32, i32) {
    %c0_i32 = arith.constant 0 : i32
    %c0_i32_0 = arith.constant 0 : i32
    return %arg0, %c0_i32 : i32, i32
  }
  func.func @transform_1(%arg0: i32) -> (i32, i32, i32) {
    %c0_i32 = arith.constant 0 : i32
    %c0_i32_0 = arith.constant 0 : i32
    %c0_i32_1 = arith.constant 0 : i32
    return %c0_i32, %arg0, %c0_i32_0 : i32, i32, i32
  }
  func.func @transform_2(%arg0: i32) -> i32 {
    %c0_i32 = arith.constant 0 : i32
    return %arg0 : i32
  }
  func.func @transform_3(%arg0: i32) -> (i32, i32) {
    %c0_i32 = arith.constant 0 : i32
    %c0_i32_0 = arith.constant 0 : i32
    return %arg0, %c0_i32 : i32, i32
  }
}

</mosaic_0001>

<sc_bundles>
// kernel: kernel.11.cloned.1.call-start
scs
__scs_entry_jumppad:
0x0: {  	(pc) =	sbr.rel $0x88, $3  }
0x1: {  	(tag) =	ssettag $0x0;
	lr =	simm.s32 $0x1  }
0x2: {  	[smem:$0x3F84] =	sst lr;
	_ =	strace $0xD0000000  }
0x3: {  	_ = 	snop  }
0x4: {  	_ = 	snop  }
0x5: {  	_ = 	snop  }
0x6: {  	_ = 	snop  }
0x7: {  	_ = 	snop  }
__scs_overlays_trampoline_lowered:
0x8: {  	[smem:$0x3F93] =	sst s0  }
0x9: {  	[smem:$0x3F94] =	sst s1  }
0xa: {  	[smem:$0x3F95] =	sst s2  }
0xb: {  	[smem:$0x3F96] =	sst s3  }
0xc: {  	[smem:$0x3F97] =	sst s4  }
0xd: {  	[smem:$0x3F98] =	sst s5  }
0xe: {  	[smem:$0x3F99] =	sst s6  }
0xf: {  	[smem:$0x3F9A] =	sst s7  }
0x10: {  	[smem:$0x3F9B] =	sst s8  }
0x11: {  	[smem:$0x3F9C] =	sst s9;
	s0 =	simm.s32 @!p0 $0x0  }
0x12: {  	s1 =	sld [smem:$0x3F82];
	s0 =	simm.s32 @p0 $0x1  }
0x13: {  	[smem:$0x3F9D] =	sst s0;
	s0 =	simm.s32 @!p1 $0x0  }
0x14: {  	s2 =	sld [smem:$0x3F81];
	s0 =	simm.s32 @p1 $0x1  }
0x15: {  	[smem:$0x3F9E] =	sst s0;
	s0 =	simm.s32 @!p2 $0x0  }
0x16: {  	s3 =	sld [smem:$0x3FDB];
	s0 =	simm.s32 @p2 $0x1  }
0x17: {  	s4 =	simm.s32 $0x1BF5;
	[smem:$0x3FA0] =	sst s0  }
0x18: {  	s0 =	sld [smem:$0x3F83];
	_ =	swait.ge [sflag:s4], $0x0  }
0x19: {  	s7 =	sld [smem:$0x3F84]  }
0x1a: {  	s8 =	sadd.s32 $0xFFFFE003, lr  }
0x1b: {  	s9 =	sadd.s32 $0xFFFFFEF7, lr;
	s5 =	simm.s32 $0xFFFFFFFF;
	p2 =	slt.u32 s8, $0xFFFFF086  }
0x1c: {  	p1 =	slt.u32 s9, $0xF7A;
	s5 =	simm.s32 @!p2 $0x0  }
0x1d: {  	s5 =	simm.s32 @p1 $0x1;
	p0 =	seq.s32 s7, s2  }
0x1e: {  	s7 =	smul.u32 @!p0 $0xF7A, s2;
	p2 =	seq.s32 @!p0 s5, $0x0  }
0x1f: {  	s9 =	smul.u32 $0xF7A, s1;
	s8 =	simm.s32 @!p0 $0x1BF5;
	p2 =	por !p2, p0  }
0x20: {  	[sflag:s8] =	ssyncset.s32 @!p0 $0xFFFFF086;
	s6 =	sadd.s32 @!p0 s3, s7;
	s7 =	simm.s32 @!p0 $0x108  }
0x21: {  	s3 =	sadd.s32 s3, s9;
	s6 =	sadd.s32 @!p0 $0x88, s6;
	s7 =	simm.s32 @p2 $0x1082  }
0x22: {  	[simem:s7], [sflag:s8] =	dma.local @!p0 [hbm:s6], $0xF7A  }
0x23: {  	s9 =	sor.u32 $0xD0000000, s2;
	s6 =	simm.s32 $0x108;
	_ =	swait.ge @!p0 [sflag:s8], $0x0  }
0x24: {  	s3 =	sadd.s32 $0x88, s3;
	s6 =	simm.s32 @!p1 $0x1082;
	[sflag:s4] =	ssyncset.s32 $0xFFFFF086  }
0x25: {  	[simem:s6], [sflag:s4] =	dma.local [hbm:s3], $0xF7A  }
0x26: {  	[smem:$0x3F84] =	sst s1;
	(tag) =	ssettag s2;
	_ =	strace s9  }
0x27: {  	s1 =	sld [smem:$0x3F94]  }
0x28: {  	s2 =	sld [smem:$0x3F95]  }
0x29: {  	s4 =	sld [smem:$0x3F97]  }
0x2a: {  	p0 =	seq.s32 s5, $0x0;
	s5 =	sld [smem:$0x3F98]  }
0x2b: {  	s6 =	sld [smem:$0x3F99]  }
0x2c: {  	s7 =	sld [smem:$0x3F9A]  }
0x2d: {  	s3 =	simm.s32 $0x108;
	s8 =	sld [smem:$0x3F9B]  }
0x2e: {  	s3 =	simm.s32 @!p0 $0x1082;
	s9 =	sld [smem:$0x3F9C]  }
0x2f: {  	lr =	sadd.s32 s0, s3;
	s0 =	sld [smem:$0x3F93]  }
0x30: {  	s3 =	sld [smem:$0x3F96]  }
0x31: {  	[smem:$0x3F9F] =	sst s10  }
0x32: {  	s10 =	sld [smem:$0x3F9D];
	_ =	sdelay $0x3  }
0x33: {  	p0 =	seq.s32 s10, $0x1;
	s10 =	sld [smem:$0x3F9F];
	_ =	sdelay $0x3  }
0x34: {  	[smem:$0x3F9F] =	sst s10  }
0x35: {  	s10 =	sld [smem:$0x3F9E];
	_ =	sdelay $0x3  }
0x36: {  	p1 =	seq.s32 s10, $0x1;
	s10 =	sld [smem:$0x3F9F];
	_ =	sdelay $0x3  }
0x37: {  	[smem:$0x3F9F] =	sst s10  }
0x38: {  	s10 =	sld [smem:$0x3FA0]  }
0x39: {  	_ = 	snop;
	(pc) =	sbr.ind lr, $3  }
0x3a: {  	_ = 	snop  }
0x3b: {  	_ = 	snop  }
0x3c: {  	p2 =	seq.s32 s10, $0x1;
	s10 =	sld [smem:$0x3F9F]  }
0x3d: {  	_ =	shalt  }
0x3e: {  	_ =	shalt  }
0x3f: {  	_ =	shalt  }
0x40: {  	_ =	shalt  }
0x41: {  	_ =	shalt  }
0x42: {  	_ =	shalt  }
0x43: {  	_ =	shalt  }
0x44: {  	_ =	shalt  }
0x45: {  	_ =	shalt  }
0x46: {  	_ =	shalt  }
0x47: {  	_ =	shalt  }
0x48: {  	_ =	shalt  }
0x49: {  	_ =	shalt  }
0x4a: {  	_ =	shalt  }
0x4b: {  	_ =	shalt  }
0x4c: {  	_ =	shalt  }
0x4d: {  	_ =	shalt  }
0x4e: {  	_ =	shalt  }
0x4f: {  	_ =	shalt  }
0x50: {  	_ =	shalt  }
0x51: {  	_ =	shalt  }
0x52: {  	_ =	shalt  }
0x53: {  	_ =	shalt  }
0x54: {  	_ =	shalt  }
0x55: {  	_ =	shalt  }
0x56: {  	_ =	shalt  }
0x57: {  	_ =	shalt  }
0x58: {  	_ =	shalt  }
0x59: {  	_ =	shalt  }
0x5a: {  	_ =	shalt  }
0x5b: {  	_ =	shalt  }
0x5c: {  	_ =	shalt  }
0x5d: {  	_ =	shalt  }
0x5e: {  	_ =	shalt  }
0x5f: {  	_ =	shalt  }
0x60: {  	_ =	shalt  }
0x61: {  	_ =	shalt  }
0x62: {  	_ =	shalt  }
0x63: {  	_ =	shalt  }
0x64: {  	_ =	shalt  }
0x65: {  	_ =	shalt  }
0x66: {  	_ =	shalt  }
0x67: {  	_ =	shalt  }
0x68: {  	_ =	shalt  }
0x69: {  	_ =	shalt  }
0x6a: {  	_ =	shalt  }
0x6b: {  	_ =	shalt  }
0x6c: {  	_ =	shalt  }
0x6d: {  	_ =	shalt  }
0x6e: {  	_ =	shalt  }
0x6f: {  	_ =	shalt  }
0x70: {  	_ =	shalt  }
0x71: {  	_ =	shalt  }
0x72: {  	_ =	shalt  }
0x73: {  	_ =	shalt  }
0x74: {  	_ =	shalt  }
0x75: {  	_ =	shalt  }
0x76: {  	_ =	shalt  }
0x77: {  	_ =	shalt  }
0x78: {  	_ =	shalt  }
0x79: {  	_ =	shalt  }
0x7a: {  	_ =	shalt  }
0x7b: {  	_ =	shalt  }
0x7c: {  	_ =	shalt  }
0x7d: {  	_ =	shalt  }
0x7e: {  	_ =	shalt  }
0x7f: {  	_ =	shalt  }
0x80: {  	_ =	shalt  }
0x81: {  	_ =	shalt  }
0x82: {  	_ =	shalt  }
0x83: {  	_ =	shalt  }
0x84: {  	_ =	shalt  }
0x85: {  	_ =	shalt  }
0x86: {  	_ =	shalt  }
0x87: {  	_ =	shalt  }
.Lfunc_end0:
.L_simem_size_0:
called_computation.1_lowered:
.L_overlay_start_0:
0x88: {  	s2 =	sld [smem:$0x3FD9]  }
0x89: {  	s3 =	sld [smem:$0x3FFE];
	_ =	sdelay $0x1  }
0x8a: {  	s1 =	srdreg.scid  }
0x8b: {  	s0 =	sand.u32 $0x1, s1  }
0x8c: {  	s16 =	sshll.u32 s0, $0xA;
	s2 =	sadd.s32 s3, s2  }
0x8d: {  	s2 =	sadd.s32 s2, s16  }
0x8e: {  	[smem:$0x3FAB] =	sst s2  }
0x8f: {  	_ = 	snop  }
0x90: {  	(tm) =	ssettm $0x1  }
0x91: {  	s17 =	sld [smem:$0x3FFB];
	_ =	sdelay $0x3  }
0x92: {  	_ =	strace s17  }
0x93: {  	s2 =	sld [smem:$0x3FFC];
	_ =	sdelay $0x3  }
0x94: {  	_ =	strace s2  }
0x95: {  	s2 =	sld [smem:$0x3FFD];
	_ =	sdelay $0x3  }
0x96: {  	_ =	strace s2  }
0x97: {  	_ =	strace $0x8FFFFFFF  }
0x98: {  	s18 =	sld [smem:$0x3FDB];
	_ =	sdelay $0x1  }
0x99: {  	s19 =	simm.s32 $_scs_section_size  }
0x9a: {  	s4 =	simm.s32 $_size__tile_overlayer_lowered;
	s5 =	simm.s32 $_tile_overlayer_lowered  }
0x9b: {  	s22 =	simm.s32 $0x1BFF;
	s21 =	sshll.u32 s5, $0x1;
	s2 =	sadd.s32 s19, s18  }
0x9c: {  	s6 =	simm.s32 $0x0;
	s20 =	sshll.u32 s4, $0x1;
	s4 =	sadd.s32 s21, s2  }
0x9d: {  	[timem:s6], [sflag:s22] =	dma.local [hbm:s4], s20  }
0x9e: {  	_ =	swait.ge [sflag:s22], s20  }
0x9f: {  	s3 =	ssub.s32 $0x0, s20;
	[sflag:s22] =	ssyncset.done $0x0  }
0xa0: {  	[sflag:s22] =	ssyncadd.s32 s3;
	_ =	sdelay $0x1  }
0xa1: {  	s23 =	simm.s32 $0x1B8B  }
0xa2: {  	_ =	swait.ge [sflag:s23], $0x1  }
0xa3: {  	[sflag:s23] =	ssyncset.done $0x0  }
0xa4: {  	s25 =	simm.s32 $0x1B8E;
	s24 =	sld [smem:$0x3FFE];
	[sflag:s23] =	ssyncadd.s32 $0xFFFFFFFF  }
0xa5: {  	s26 =	simm.s32 $execute0_lowered;
	[smem:$0x3FD2] =	sst s25  }
0xa6: {  	s4 =	sshll.u32 s26, $0x1;
	_ =	strace $0x80000049;
	[dreg:$0x1] =	wrdreg $0xFFFFFFFF  }
0xa7: {  	s28 =	simm.s32 $_size_execute0_lowered;
	s2 =	sadd.s32 s2, s4;
	[dreg:$0x0] =	wrdreg $0x0  }
0xa8: {  	s4 =	sshll.u32 s28, $0x1;
	[dreg:$0x2] =	wrdreg s2  }
0xa9: {  	[dreg:$0x3] =	wrdreg s4  }
0xaa: {  	[dreg:$0x4] =	wrdreg $0xC0  }
0xab: {  	_ =	task [dreg:s6], $0x5FFFF  }
0xac: {  	[dreg:$0x1] =	wrdreg $0xFFFFFFFF  }
0xad: {  	[dreg:$0x0] =	wrdreg $0x60  }
0xae: {  	[dreg:$0x2] =	wrdreg s24  }
0xaf: {  	[dreg:$0x3] =	wrdreg $0x46000  }
0xb0: {  	[dreg:$0x4] =	wrdreg $0x9  }
0xb1: {  	_ =	task.clear_ibuf [dreg:s6], $0x5FFFF;
	_ =	strace $0x90000049  }
0xb2: {  	s29 =	simm.s32 $0x9;
	_ =	strace $0x8000004B  }
0xb3: {  	_ =	swait.ge [sflag:s29], $0x1  }
0xb4: {  	[sflag:s29] =	ssyncadd.s32 $0xFFFFFFFF  }
0xb5: {  	_ =	strace $0x9000004B  }
0xb6: {  	_ =	sfence  }
0xb7: {  	s30 =	sld [smem:$0x0];
	_ =	sdelay $0x2  }
0xb8: {  	s31 =	sshll.u32 s1, $0xD;
	s1 =	sshrl.u32 s1, $0x2  }
0xb9: {  	s3 =	sand.u32 $0x4000, s31;
	s1 =	sadd.s32 s1, s30  }
0xba: {  	s0 =	sor.u32 s3, s0;
	s1 =	sshll.u32 s1, $0x11  }
0xbb: {  	s0 =	sor.u32 s1, s0  }
0xbc: {  	s0 =	sadd.s32 $0x8F2B, s0  }
0xbd: {  	[sflag:s0] =	ssyncadd.remote.s32 $0x1  }
0xbe: {  	_ =	sfence.sel $0xFFFF  }
0xbf: {  	[dreg:$0x0] =	wrdreg $0xFFFFFFFF;
	(pc) =	sbr.abs _section_cstart, $3  }
0xc0: {  	[dreg:$0x1] =	wrdreg $0xFFFFFFFF  }
0xc1: {  	_ =	task.clear_ibuf [dreg:s6], $0x2FFFF;
	_ =	strace $0x9FFFFFFF  }
0xc2: {  	(tm) =	ssettm $0x7FFFFFFF  }
0xc3: {  	_ =	shalt  }
tec
execute0_lowered:
.L_overlay_start_1:
0x0: {  	(tag) =	ssettag $0x1  }
0x1: {  	s0 =	rddreg [dreg:$0x0]  }
0x2: {  	s1 =	rddreg [dreg:$0x1];
	s2 =	simm.s32 $0x0  }
0x3: {  	s5 =	srdreg.scid;
	s3 =	stileid.u32;
	s28 =	simm.s32 $0x8  }
0x4: {  	s29 =	simm.s32 $0x4200;
	s30 =	simm.s32 $0x0;
	[smem:$0x7FF] =	sst s2  }
0x5: {  	s4 =	sadd.s32 $0xEE00, s0;
	s20 =	sadd.s32 $0x9E00, s0;
	s7 =	smul.u32 $0x50000, s3  }
0x6: {  	s14 =	sand.u32 $0x1, s5;
	s19 =	sadd.s32 $0x4E00, s0;
	s10 =	smul.u32 $0x14000, s3  }
0x7: {  	s16 =	sadd.s32 $0x36E00, s0;
	s0 =	sadd.s32 $0x37600, s0;
	s25 =	smul.u32 $0x1388, s3  }
0x8: {  	_ =	strace $0x8000004A;
	s6 =	ssub.s32 $0x2, s14;
	s17 =	sshll.u32 s14, $0x4  }
0x9: {  	[dreg:$0x3] =	wrdreg s16;
	s8 =	sshrl.u32 s6, $0x1;
	s21 =	sor.u32 s3, s17  }
0xa: {  	s22 =	sshrl.u32 s7, $0x2;
	s15 =	sadd.s32 $0x4000, s10;
	s16 =	sadd.s32 $0x8000, s10  }
0xb: {  	s17 =	sadd.s32 $0xC000, s10;
	s18 =	ssub.s32 s6, s8;
	s11 =	smul.u32 $0x1388, s21  }
0xc: {  	s6 =	sadd.s32 s22, s1;
	s7 =	sadd.s32 s15, s1;
	s21 =	smul.u32 $0x140000, s14  }
0xd: {  	s8 =	sadd.s32 s16, s1;
	s9 =	sadd.s32 s17, s1;
	s22 =	sadd.s32 $0x10000, s10  }
0xe: {  	s18 =	smax.u32 s18, $0x1;
	s11 =	sshrl.u32 s11, $0x3;
	s13 =	sadd.s32 s10, s21  }
0xf: {  	s10 =	sadd.s32 s22, s1;
	s15 =	sadd.s32 s21, s15;
	s16 =	sadd.s32 s21, s16  }
0x10: {  	s17 =	sadd.s32 s21, s17;
	s21 =	sadd.s32 s21, s22;
	s22 =	simm.s32 $0x2  }
0x11: {  	s12 =	sadd.s32 $0x270, s11;
	s13 =	sshrl.u32 s13, $0x3;
	s15 =	sshrl.u32 s15, $0x3  }
0x12: {  	s24 =	sshrl.u32 s16, $0x3;
	s17 =	sshrl.u32 s17, $0x3;
	s21 =	sshrl.u32 s21, $0x3  }
0x13: {  	s23 =	sadd.s32 s20, s12;
	s12 =	sadd.s32 s19, s12;
	s13 =	sadd.s32 s0, s13  }
0x14: {  	s16 =	sadd.s32 s0, s17;
	[dreg:$0x4] =	wrdreg s23;
	s23 =	smul.u32 $0x13880, s14  }
0x15: {  	s17 =	sadd.s32 s0, s21;
	s21 =	simm.s32 $0x200;
	s14 =	sadd.s32 s0, s15  }
0x16: {  	s15 =	sadd.s32 s0, s24;
	s24 =	simm.s32 $0x1;
	s26 =	sadd.s32 s25, s23  }
0x17: {  	s23 =	simm.s32 $0x80;
	s25 =	simm.s32 $0x100;
	s31 =	sshrl.u32 s26, $0x3  }
0x18: {  	s26 =	simm.s32 $0x180;
	s19 =	sadd.s32 s31, s19;
	s20 =	sadd.s32 s31, s20  }
.LBB2_1:
0x19: {  	s0 =	rddreg [dreg:$0x3]  }
0x1a: {  	[tilespmem:s21], [sflag:$0x2] =	stream.linear.gather [hbm4b:s0+s2], $0x4000, $0x38;
	[tilespmem:$0x18600] =	vst v63  }
0x1b: {  	_ =	swait.ge [sflag:s22], $0x4000  }
0x1c: {  	[sflag:s22] =	ssyncset.done $0x0  }
0x1d: {  	[sflag:s22] =	ssyncadd.s32 $0xFFFFC000  }
0x1e: {  	[spmem:s6] =	stream.linear.scatter [tilespmem:s21], [sflag:$0x2], $0x4000, $0x38;
	[tilespmem:$0x18600] =	vst v63  }
0x1f: {  	_ =	swait.ge [sflag:s22], $0x4000  }
0x20: {  	[sflag:s22] =	ssyncset.done $0x0  }
0x21: {  	[sflag:s22] =	ssyncadd.s32 $0xFFFFC000  }
0x22: {  	[spmem:s7] =	stream.linear.scatter [tilespmem:s21], [sflag:$0x2], $0x4000, $0x38;
	[tilespmem:$0x18600] =	vst v63  }
0x23: {  	_ =	swait.ge [sflag:s22], $0x4000  }
0x24: {  	[sflag:s22] =	ssyncset.done $0x0  }
0x25: {  	[sflag:s22] =	ssyncadd.s32 $0xFFFFC000  }
0x26: {  	[spmem:s8] =	stream.linear.scatter [tilespmem:s21], [sflag:$0x2], $0x4000, $0x38;
	[tilespmem:$0x18600] =	vst v63  }
0x27: {  	_ =	swait.ge [sflag:s22], $0x4000  }
0x28: {  	[sflag:s22] =	ssyncset.done $0x0  }
0x29: {  	[sflag:s22] =	ssyncadd.s32 $0xFFFFC000  }
0x2a: {  	[spmem:s9] =	stream.linear.scatter [tilespmem:s21], [sflag:$0x2], $0x4000, $0x38;
	[tilespmem:$0x18600] =	vst v63  }
0x2b: {  	_ =	swait.ge [sflag:s22], $0x4000  }
0x2c: {  	[sflag:s22] =	ssyncset.done $0x0  }
0x2d: {  	[sflag:s22] =	ssyncadd.s32 $0xFFFFC000  }
0x2e: {  	[spmem:s10] =	stream.linear.scatter [tilespmem:s21], [sflag:$0x2], $0x4000, $0x38;
	[tilespmem:$0x18600] =	vst v63  }
0x2f: {  	_ =	swait.ge [sflag:s22], $0x4000  }
0x30: {  	[sflag:s22] =	ssyncset.done $0x0  }
0x31: {  	[sflag:s22] =	ssyncadd.s32 $0xFFFFC000  }
0x32: {  	s5 =	sadd.s32 $0x0, s20;
	[bflag:$0x0] =	sbarrier.arrive $0xFFFF  }
0x33: {  	[tilespmem:s2], [sflag:$0x2] =	stream.linear.gather [hbm4b:s5+s2], $0x80, $0x38;
	[tilespmem:$0x18600] =	vst v63  }
0x34: {  	_ =	swait.ge [sflag:s22], $0x80  }
0x35: {  	[sflag:s22] =	ssyncset.done $0x0  }
0x36: {  	s11 =	sadd.s32 $0x0, s19;
	[sflag:s22] =	ssyncadd.s32 $0xFFFFFF80  }
0x37: {  	[tilespmem:s23], [sflag:$0x2] =	stream.linear.gather [hbm4b:s11+s2], $0x80, $0x38;
	[tilespmem:$0x18600] =	vst v63  }
0x38: {  	_ =	swait.ge [sflag:s22], $0x80  }
0x39: {  	[sflag:s22] =	ssyncset.done $0x0  }
0x3a: {  	[sflag:s22] =	ssyncadd.s32 $0xFFFFFF80  }
0x3b: {  	[tilespmem:s21], [sflag:$0x1] =	stream.indirect.gather [hbm4b:s4+s23], $0x80, s2, s23, $0xb8;
	[tilespmem:$0x18600] =	vst v63  }
0x3c: {  	_ =	swait.ge [sflag:s24], $0x4000  }
0x3d: {  	[sflag:s24] =	ssyncset.done $0x0  }
0x3e: {  	[sflag:s24] =	ssyncadd.s32 $0xFFFFC000  }
0x3f: {  	[spmem:s1] =	stream.indirect.scatter.add.f32 [tilespmem:s21], [sflag:$0x2], $0x80, s23, s23, $0xb8;
	[tilespmem:$0x18600] =	vst v63  }
0x40: {  	_ =	swait.ge [sflag:s22], $0x4000  }
0x41: {  	s31 =	simm.s32 $0x10;
	s0 =	simm.s32 $0x20;
	[sflag:s22] =	ssyncset.done $0x0  }
.LBB2_2:
0x42: {  	s3 =	sadd.s32 s31, s20  }
0x43: {  	[sflag:s22] =	ssyncadd.s32 $0xFFFFC000;
	s5 =	smov.u32 s0;
	s11 =	sadd.s32 $0x10, s0  }
0x44: {  	[tilespmem:s2], [sflag:$0x2] =	stream.linear.gather [hbm4b:s3+s2], $0x80, $0x38;
	[tilespmem:$0x18600] =	vst v63  }
0x45: {  	p0 =	sne.s32 s0, $0x260;
	_ =	swait.ge [sflag:s22], $0x80  }
0x46: {  	[sflag:s22] =	ssyncset.done $0x0  }
0x47: {  	s0 =	sadd.s32 s31, s19;
	s31 =	smov.u32 s5;
	[sflag:s22] =	ssyncadd.s32 $0xFFFFFF80  }
0x48: {  	[tilespmem:s23], [sflag:$0x2] =	stream.linear.gather [hbm4b:s0+s2], $0x80, $0x38;
	[tilespmem:$0x18600] =	vst v63  }
0x49: {  	_ =	swait.ge [sflag:s22], $0x80  }
0x4a: {  	[sflag:s22] =	ssyncset.done $0x0  }
0x4b: {  	[sflag:s22] =	ssyncadd.s32 $0xFFFFFF80  }
0x4c: {  	[tilespmem:s21], [sflag:$0x1] =	stream.indirect.gather [hbm4b:s4+s23], $0x80, s2, s23, $0xb8;
	[tilespmem:$0x18600] =	vst v63  }
0x4d: {  	_ =	swait.ge [sflag:s24], $0x4000  }
.Ltmp0:
0x4e: {  	[sflag:s24] =	ssyncset.done $0x0;
	(pc) =	sbr.rel @p0 .LBB2_2-.Ltmp0, $4  }
0x4f: {  	[sflag:s24] =	ssyncadd.s32 $0xFFFFC000  }
0x50: {  	[spmem:s1] =	stream.indirect.scatter.add.f32 [tilespmem:s21], [sflag:$0x2], $0x80, s23, s23, $0xb8;
	[tilespmem:$0x18600] =	vst v63  }
0x51: {  	_ =	swait.ge [sflag:s22], $0x4000  }
0x52: {  	s0 =	smov.u32 s11;
	[sflag:s22] =	ssyncset.done $0x0  }
0x53: {  	s0 =	sadd.s32 s31, s20;
	[sflag:s22] =	ssyncadd.s32 $0xFFFFC000  }
0x54: {  	[tilespmem:s2], [sflag:$0x2] =	stream.linear.gather [hbm4b:s0+s2], $0x80, $0x38;
	[tilespmem:$0x18600] =	vst v63  }
0x55: {  	_ =	swait.ge [sflag:s22], $0x80  }
0x56: {  	[sflag:s22] =	ssyncset.done $0x0  }
0x57: {  	s11 =	sadd.s32 s31, s19;
	[sflag:s22] =	ssyncadd.s32 $0xFFFFFF80  }
0x58: {  	[tilespmem:s23], [sflag:$0x2] =	stream.linear.gather [hbm4b:s11+s2], $0x80, $0x38;
	[tilespmem:$0x18600] =	vst v63  }
0x59: {  	_ =	swait.ge [sflag:s22], $0x80  }
0x5a: {  	[sflag:s22] =	ssyncset.done $0x0  }
0x5b: {  	[sflag:s22] =	ssyncadd.s32 $0xFFFFFF80  }
0x5c: {  	[tilespmem:s21], [sflag:$0x1] =	stream.indirect.gather [hbm4b:s4+s23], $0x80, s2, s23, $0xb8;
	[tilespmem:$0x18600] =	vst v63  }
0x5d: {  	_ =	swait.ge [sflag:s24], $0x4000  }
0x5e: {  	[sflag:s24] =	ssyncset.done $0x0  }
0x5f: {  	[sflag:s24] =	ssyncadd.s32 $0xFFFFC000  }
0x60: {  	[spmem:s1] =	stream.indirect.scatter.add.f32 [tilespmem:s21], [sflag:$0x2], $0x80, s23, s23, $0xb8;
	[tilespmem:$0x18600] =	vst v63  }
0x61: {  	_ =	swait.ge [sflag:s22], $0x4000  }
0x62: {  	[sflag:s22] =	ssyncset.done $0x0  }
0x63: {  	s31 =	rddreg [dreg:$0x4];
	[sflag:s22] =	ssyncadd.s32 $0xFFFFC000  }
0x64: {  	[tilespmem:s25], [sflag:$0x2] =	stream.linear.gather [hbm4b:s31+s2], $0x8, $0x38;
	[tilespmem:$0x18600] =	vst v63  }
0x65: {  	_ =	swait.ge [sflag:s22], $0x8  }
0x66: {  	[sflag:s22] =	ssyncset.done $0x0  }
0x67: {  	[sflag:s22] =	ssyncadd.s32 $0xFFFFFFF8  }
0x68: {  	[tilespmem:s26], [sflag:$0x2] =	stream.linear.gather [hbm4b:s12+s2], $0x8, $0x38;
	[tilespmem:$0x18600] =	vst v63  }
0x69: {  	_ =	swait.ge [sflag:s22], $0x8  }
0x6a: {  	[sflag:s22] =	ssyncset.done $0x0  }
0x6b: {  	[sflag:s22] =	ssyncadd.s32 $0xFFFFFFF8  }
0x6c: {  	[tilespmem:s29], [sflag:$0x1] =	stream.indirect.gather [hbm4b:s4+s28], $0x80, s25, s28, $0xb8;
	[tilespmem:$0x18600] =	vst v63  }
0x6d: {  	_ =	swait.ge [sflag:s24], $0x400  }
0x6e: {  	[sflag:s24] =	ssyncset.done $0x0  }
0x6f: {  	[sflag:s24] =	ssyncadd.s32 $0xFFFFFC00  }
0x70: {  	[spmem:s1] =	stream.indirect.scatter.add.f32 [tilespmem:s29], [sflag:$0x2], $0x80, s26, s28, $0xb8;
	[tilespmem:$0x18600] =	vst v63  }
0x71: {  	_ =	swait.ge [sflag:s22], $0x400  }
0x72: {  	[sflag:s22] =	ssyncset.done $0x0  }
0x73: {  	[sflag:s22] =	ssyncadd.s32 $0xFFFFFC00  }
0x74: {  	[bflag:$0x0] =	sbarrier.arrive $0xFFFF  }
0x75: {  	[tilespmem:s21], [sflag:$0x2] =	stream.linear.gather [spmem:s6], $0x4000, $0x38;
	[tilespmem:$0x18600] =	vst v63  }
0x76: {  	_ =	swait.ge [sflag:s22], $0x4000  }
0x77: {  	[sflag:s22] =	ssyncset.done $0x0  }
0x78: {  	[sflag:s22] =	ssyncadd.s32 $0xFFFFC000  }
0x79: {  	[hbm4b:s13+s2] =	stream.linear.scatter [tilespmem:s21], [sflag:$0x2], $0x4000, $0x38;
	[tilespmem:$0x18600] =	vst v63  }
0x7a: {  	_ =	swait.ge [sflag:s22], $0x4000  }
0x7b: {  	[sflag:s22] =	ssyncset.done $0x0  }
0x7c: {  	[sflag:s22] =	ssyncadd.s32 $0xFFFFC000  }
0x7d: {  	[tilespmem:s21], [sflag:$0x2] =	stream.linear.gather [spmem:s7], $0x4000, $0x38;
	[tilespmem:$0x18600] =	vst v63  }
0x7e: {  	_ =	swait.ge [sflag:s22], $0x4000  }
0x7f: {  	[sflag:s22] =	ssyncset.done $0x0  }
0x80: {  	[sflag:s22] =	ssyncadd.s32 $0xFFFFC000  }
0x81: {  	[hbm4b:s14+s2] =	stream.linear.scatter [tilespmem:s21], [sflag:$0x2], $0x4000, $0x38;
	[tilespmem:$0x18600] =	vst v63  }
0x82: {  	_ =	swait.ge [sflag:s22], $0x4000  }
0x83: {  	[sflag:s22] =	ssyncset.done $0x0  }
0x84: {  	[sflag:s22] =	ssyncadd.s32 $0xFFFFC000  }
0x85: {  	[tilespmem:s21], [sflag:$0x2] =	stream.linear.gather [spmem:s8], $0x4000, $0x38;
	[tilespmem:$0x18600] =	vst v63  }
0x86: {  	_ =	swait.ge [sflag:s22], $0x4000  }
0x87: {  	[sflag:s22] =	ssyncset.done $0x0  }
0x88: {  	[sflag:s22] =	ssyncadd.s32 $0xFFFFC000  }
0x89: {  	[hbm4b:s15+s2] =	stream.linear.scatter [tilespmem:s21], [sflag:$0x2], $0x4000, $0x38;
	[tilespmem:$0x18600] =	vst v63  }
0x8a: {  	_ =	swait.ge [sflag:s22], $0x4000  }
0x8b: {  	[sflag:s22] =	ssyncset.done $0x0  }
0x8c: {  	[sflag:s22] =	ssyncadd.s32 $0xFFFFC000  }
0x8d: {  	[tilespmem:s21], [sflag:$0x2] =	stream.linear.gather [spmem:s9], $0x4000, $0x38;
	[tilespmem:$0x18600] =	vst v63  }
0x8e: {  	_ =	swait.ge [sflag:s22], $0x4000  }
0x8f: {  	[sflag:s22] =	ssyncset.done $0x0  }
0x90: {  	[sflag:s22] =	ssyncadd.s32 $0xFFFFC000  }
0x91: {  	[hbm4b:s16+s2] =	stream.linear.scatter [tilespmem:s21], [sflag:$0x2], $0x4000, $0x38;
	[tilespmem:$0x18600] =	vst v63  }
0x92: {  	_ =	swait.ge [sflag:s22], $0x4000  }
0x93: {  	[sflag:s22] =	ssyncset.done $0x0  }
0x94: {  	[sflag:s22] =	ssyncadd.s32 $0xFFFFC000  }
0x95: {  	[tilespmem:s21], [sflag:$0x2] =	stream.linear.gather [spmem:s10], $0x4000, $0x38;
	[tilespmem:$0x18600] =	vst v63  }
0x96: {  	s30 =	sadd.s32 $0x1, s30;
	_ =	swait.ge [sflag:s22], $0x4000  }
0x97: {  	p0 =	sne.s32 s30, s18;
	[sflag:s22] =	ssyncset.done $0x0  }
.Ltmp1:
0x98: {  	[sflag:s22] =	ssyncadd.s32 $0xFFFFC000;
	(pc) =	sbr.rel @p0 .LBB2_1-.Ltmp1, $4  }
0x99: {  	[hbm4b:s17+s2] =	stream.linear.scatter [tilespmem:s21], [sflag:$0x2], $0x4000, $0x38;
	[tilespmem:$0x18600] =	vst v63  }
0x9a: {  	_ =	swait.ge [sflag:s22], $0x4000  }
0x9b: {  	[sflag:s22] =	ssyncset.done $0x0  }
0x9c: {  	[sflag:s22] =	ssyncadd.s32 $0xFFFFC000  }
0x9d: {  	_ =	sfence.sel $0x180000  }
0x9e: {  	[bflag:$0x0] =	sbarrier.arrive $0xFFFF  }
0x9f: {  	_ =	strace $0x9000004A  }
0xa0: {  	s0 =	stileid.u32;
	[bflag:$0x2] =	sbarrier.arrive $0xFFFF  }
0xa1: {  	p0 =	sne.s32 s0, $0x0;
	s0 =	rddreg [dreg:$0x2]  }
0xa2: {  	s0 =	sadd.s32 @!p0 $0x100000, s0  }
0xa3: {  	[sflag:s0] =	ssyncadd.tile.s32 @!p0 $0x1;
	_ =	shalt  }
.Lfunc_end2:
_tile_overlayer_lowered:
.L_overlay_start_2:
0xa4: {  	(tag) =	ssettag $0x2  }
0xa5: {  	s0 =	rddreg [dreg:$0x0];
	s2 =	stileid.u32  }
0xa6: {  	s1 =	rddreg [dreg:$0x1];
	p0 =	sne.s32 s2, $0x0  }
0xa7: {  	s3 =	rddreg [dreg:$0x2];
	[bflag:$0x3] =	sbarrier.arrive $0xFFFF;
	s2 =	simm.s32 @!p0 $0x1C02  }
0xa8: {  	[timem:s3], [sflag:s2] =	dma.local @!p0 [hbm:s0], s1  }
0xa9: {  	s0 =	simm.s32 @!p0 $0x2  }
0xaa: {  	_ =	swait.ge @!p0 [sflag:s0], s1  }
0xab: {  	s1 =	ssub.s32 @!p0 $0x0, s1;
	[sflag:s0] =	ssyncset.done @!p0 $0x0  }
0xac: {  	[sflag:s0] =	ssyncadd.s32 @!p0 s1  }
0xad: {  	[bflag:$0x3] =	sbarrier.arrive $0xFFFF  }
0xae: {  	_ =	shalt  }

// kernel: kernel.8.cloned.1.call-start
scs
__scs_entry_jumppad:
0x0: {  	(pc) =	sbr.rel $0x88, $3  }
0x1: {  	(tag) =	ssettag $0x0;
	lr =	simm.s32 $0x1  }
0x2: {  	[smem:$0x3F84] =	sst lr;
	_ =	strace $0xD0000000  }
0x3: {  	_ = 	snop  }
0x4: {  	_ = 	snop  }
0x5: {  	_ = 	snop  }
0x6: {  	_ = 	snop  }
0x7: {  	_ = 	snop  }
__scs_overlays_trampoline_lowered:
0x8: {  	[smem:$0x3F93] =	sst s0  }
0x9: {  	[smem:$0x3F94] =	sst s1  }
0xa: {  	[smem:$0x3F95] =	sst s2  }
0xb: {  	[smem:$0x3F96] =	sst s3  }
0xc: {  	[smem:$0x3F97] =	sst s4  }
0xd: {  	[smem:$0x3F98] =	sst s5  }
0xe: {  	[smem:$0x3F99] =	sst s6  }
0xf: {  	[smem:$0x3F9A] =	sst s7  }
0x10: {  	[smem:$0x3F9B] =	sst s8  }
0x11: {  	[smem:$0x3F9C] =	sst s9;
	s0 =	simm.s32 @!p0 $0x0  }
0x12: {  	s1 =	sld [smem:$0x3F82];
	s0 =	simm.s32 @p0 $0x1  }
0x13: {  	[smem:$0x3F9D] =	sst s0;
	s0 =	simm.s32 @!p1 $0x0  }
0x14: {  	s2 =	sld [smem:$0x3F81];
	s0 =	simm.s32 @p1 $0x1  }
0x15: {  	[smem:$0x3F9E] =	sst s0;
	s0 =	simm.s32 @!p2 $0x0  }
0x16: {  	s3 =	sld [smem:$0x3FDB];
	s0 =	simm.s32 @p2 $0x1  }
0x17: {  	s4 =	simm.s32 $0x1BF5;
	[smem:$0x3FA0] =	sst s0  }
0x18: {  	s0 =	sld [smem:$0x3F83];
	_ =	swait.ge [sflag:s4], $0x0  }
0x19: {  	s7 =	sld [smem:$0x3F84]  }
0x1a: {  	s8 =	sadd.s32 $0xFFFFE003, lr  }
0x1b: {  	s9 =	sadd.s32 $0xFFFFFEF7, lr;
	s5 =	simm.s32 $0xFFFFFFFF;
	p2 =	slt.u32 s8, $0xFFFFF086  }
0x1c: {  	p1 =	slt.u32 s9, $0xF7A;
	s5 =	simm.s32 @!p2 $0x0  }
0x1d: {  	s5 =	simm.s32 @p1 $0x1;
	p0 =	seq.s32 s7, s2  }
0x1e: {  	s7 =	smul.u32 @!p0 $0xF7A, s2;
	p2 =	seq.s32 @!p0 s5, $0x0  }
0x1f: {  	s9 =	smul.u32 $0xF7A, s1;
	s8 =	simm.s32 @!p0 $0x1BF5;
	p2 =	por !p2, p0  }
0x20: {  	[sflag:s8] =	ssyncset.s32 @!p0 $0xFFFFF086;
	s6 =	sadd.s32 @!p0 s3, s7;
	s7 =	simm.s32 @!p0 $0x108  }
0x21: {  	s3 =	sadd.s32 s3, s9;
	s6 =	sadd.s32 @!p0 $0x88, s6;
	s7 =	simm.s32 @p2 $0x1082  }
0x22: {  	[simem:s7], [sflag:s8] =	dma.local @!p0 [hbm:s6], $0xF7A  }
0x23: {  	s9 =	sor.u32 $0xD0000000, s2;
	s6 =	simm.s32 $0x108;
	_ =	swait.ge @!p0 [sflag:s8], $0x0  }
0x24: {  	s3 =	sadd.s32 $0x88, s3;
	s6 =	simm.s32 @!p1 $0x1082;
	[sflag:s4] =	ssyncset.s32 $0xFFFFF086  }
0x25: {  	[simem:s6], [sflag:s4] =	dma.local [hbm:s3], $0xF7A  }
0x26: {  	[smem:$0x3F84] =	sst s1;
	(tag) =	ssettag s2;
	_ =	strace s9  }
0x27: {  	s1 =	sld [smem:$0x3F94]  }
0x28: {  	s2 =	sld [smem:$0x3F95]  }
0x29: {  	s4 =	sld [smem:$0x3F97]  }
0x2a: {  	p0 =	seq.s32 s5, $0x0;
	s5 =	sld [smem:$0x3F98]  }
0x2b: {  	s6 =	sld [smem:$0x3F99]  }
0x2c: {  	s7 =	sld [smem:$0x3F9A]  }
0x2d: {  	s3 =	simm.s32 $0x108;
	s8 =	sld [smem:$0x3F9B]  }
0x2e: {  	s3 =	simm.s32 @!p0 $0x1082;
	s9 =	sld [smem:$0x3F9C]  }
0x2f: {  	lr =	sadd.s32 s0, s3;
	s0 =	sld [smem:$0x3F93]  }
0x30: {  	s3 =	sld [smem:$0x3F96]  }
0x31: {  	[smem:$0x3F9F] =	sst s10  }
0x32: {  	s10 =	sld [smem:$0x3F9D];
	_ =	sdelay $0x3  }
0x33: {  	p0 =	seq.s32 s10, $0x1;
	s10 =	sld [smem:$0x3F9F];
	_ =	sdelay $0x3  }
0x34: {  	[smem:$0x3F9F] =	sst s10  }
0x35: {  	s10 =	sld [smem:$0x3F9E];
	_ =	sdelay $0x3  }
0x36: {  	p1 =	seq.s32 s10, $0x1;
	s10 =	sld [smem:$0x3F9F];
	_ =	sdelay $0x3  }
0x37: {  	[smem:$0x3F9F] =	sst s10  }
0x38: {  	s10 =	sld [smem:$0x3FA0]  }
0x39: {  	_ = 	snop;
	(pc) =	sbr.ind lr, $3  }
0x3a: {  	_ = 	snop  }
0x3b: {  	_ = 	snop  }
0x3c: {  	p2 =	seq.s32 s10, $0x1;
	s10 =	sld [smem:$0x3F9F]  }
0x3d: {  	_ =	shalt  }
0x3e: {  	_ =	shalt  }
0x3f: {  	_ =	shalt  }
0x40: {  	_ =	shalt  }
0x41: {  	_ =	shalt  }
0x42: {  	_ =	shalt  }
0x43: {  	_ =	shalt  }
0x44: {  	_ =	shalt  }
0x45: {  	_ =	shalt  }
0x46: {  	_ =	shalt  }
0x47: {  	_ =	shalt  }
0x48: {  	_ =	shalt  }
0x49: {  	_ =	shalt  }
0x4a: {  	_ =	shalt  }
0x4b: {  	_ =	shalt  }
0x4c: {  	_ =	shalt  }
0x4d: {  	_ =	shalt  }
0x4e: {  	_ =	shalt  }
0x4f: {  	_ =	shalt  }
0x50: {  	_ =	shalt  }
0x51: {  	_ =	shalt  }
0x52: {  	_ =	shalt  }
0x53: {  	_ =	shalt  }
0x54: {  	_ =	shalt  }
0x55: {  	_ =	shalt  }
0x56: {  	_ =	shalt  }
0x57: {  	_ =	shalt  }
0x58: {  	_ =	shalt  }
0x59: {  	_ =	shalt  }
0x5a: {  	_ =	shalt  }
0x5b: {  	_ =	shalt  }
0x5c: {  	_ =	shalt  }
0x5d: {  	_ =	shalt  }
0x5e: {  	_ =	shalt  }
0x5f: {  	_ =	shalt  }
0x60: {  	_ =	shalt  }
0x61: {  	_ =	shalt  }
0x62: {  	_ =	shalt  }
0x63: {  	_ =	shalt  }
0x64: {  	_ =	shalt  }
0x65: {  	_ =	shalt  }
0x66: {  	_ =	shalt  }
0x67: {  	_ =	shalt  }
0x68: {  	_ =	shalt  }
0x69: {  	_ =	shalt  }
0x6a: {  	_ =	shalt  }
0x6b: {  	_ =	shalt  }
0x6c: {  	_ =	shalt  }
0x6d: {  	_ =	shalt  }
0x6e: {  	_ =	shalt  }
0x6f: {  	_ =	shalt  }
0x70: {  	_ =	shalt  }
0x71: {  	_ =	shalt  }
0x72: {  	_ =	shalt  }
0x73: {  	_ =	shalt  }
0x74: {  	_ =	shalt  }
0x75: {  	_ =	shalt  }
0x76: {  	_ =	shalt  }
0x77: {  	_ =	shalt  }
0x78: {  	_ =	shalt  }
0x79: {  	_ =	shalt  }
0x7a: {  	_ =	shalt  }
0x7b: {  	_ =	shalt  }
0x7c: {  	_ =	shalt  }
0x7d: {  	_ =	shalt  }
0x7e: {  	_ =	shalt  }
0x7f: {  	_ =	shalt  }
0x80: {  	_ =	shalt  }
0x81: {  	_ =	shalt  }
0x82: {  	_ =	shalt  }
0x83: {  	_ =	shalt  }
0x84: {  	_ =	shalt  }
0x85: {  	_ =	shalt  }
0x86: {  	_ =	shalt  }
0x87: {  	_ =	shalt  }
.Lfunc_end0:
.L_simem_size_0:
called_computation_lowered:
.L_overlay_start_0:
0x88: {  	s2 =	sld [smem:$0x3FD9]  }
0x89: {  	s3 =	sld [smem:$0x3FFE];
	_ =	sdelay $0x1  }
0x8a: {  	s1 =	srdreg.scid  }
0x8b: {  	s0 =	sand.u32 $0x1, s1  }
0x8c: {  	s17 =	sshll.u32 s0, $0xA;
	s2 =	sadd.s32 s3, s2  }
0x8d: {  	s2 =	sadd.s32 s2, s17  }
0x8e: {  	[smem:$0x3FAB] =	sst s2  }
0x8f: {  	_ = 	snop  }
0x90: {  	s2 =	sld [smem:$0x3FD0];
	(tm) =	ssettm $0x1  }
0x91: {  	s18 =	sld [smem:$0x3FFB];
	_ =	sdelay $0x3  }
0x92: {  	_ =	strace s18  }
0x93: {  	s3 =	sld [smem:$0x3FFC];
	_ =	sdelay $0x3  }
0x94: {  	_ =	strace s3  }
0x95: {  	s3 =	sld [smem:$0x3FFD];
	_ =	sdelay $0x3  }
0x96: {  	_ =	strace s3  }
0x97: {  	_ =	strace $0x8FFFFFFF  }
0x98: {  	s19 =	sld [smem:$0x3FDB];
	_ =	sdelay $0x1  }
0x99: {  	s4 =	simm.s32 $_scs_section_size  }
0x9a: {  	s5 =	simm.s32 $_size__tile_overlayer_lowered;
	s6 =	simm.s32 $_tile_overlayer_lowered  }
0x9b: {  	s22 =	simm.s32 $0x1BFF;
	s21 =	sshll.u32 s6, $0x1;
	s3 =	sadd.s32 s4, s19  }
0x9c: {  	s7 =	simm.s32 $0x0;
	s20 =	sshll.u32 s5, $0x1;
	s5 =	sadd.s32 s21, s3  }
0x9d: {  	[timem:s7], [sflag:s22] =	dma.local [hbm:s5], s20  }
0x9e: {  	_ =	swait.ge [sflag:s22], s20  }
0x9f: {  	s4 =	ssub.s32 $0x0, s20;
	[sflag:s22] =	ssyncset.done $0x0  }
0xa0: {  	[sflag:s22] =	ssyncadd.s32 s4;
	_ =	sdelay $0x1  }
0xa1: {  	s23 =	simm.s32 $0x1B8B  }
0xa2: {  	_ =	swait.ge [sflag:s23], $0x1  }
0xa3: {  	[sflag:s23] =	ssyncset.done $0x0  }
0xa4: {  	s25 =	simm.s32 $0x1B8E;
	s24 =	sld [smem:$0x3FFE];
	[sflag:s23] =	ssyncadd.s32 $0xFFFFFFFF  }
0xa5: {  	s26 =	simm.s32 $execute0_lowered;
	[smem:$0x3FD2] =	sst s25  }
0xa6: {  	s5 =	sshll.u32 s26, $0x1;
	_ =	strace $0x80000046;
	[dreg:$0x1] =	wrdreg $0xFFFFFFFF  }
0xa7: {  	s28 =	simm.s32 $_size_execute0_lowered;
	s3 =	sadd.s32 s3, s5;
	[dreg:$0x0] =	wrdreg $0x0  }
0xa8: {  	s5 =	sshll.u32 s28, $0x1;
	[dreg:$0x2] =	wrdreg s3  }
0xa9: {  	[dreg:$0x3] =	wrdreg s5  }
0xaa: {  	[dreg:$0x4] =	wrdreg $0xC0  }
0xab: {  	_ =	task [dreg:s7], $0x5FFFF  }
0xac: {  	[dreg:$0x1] =	wrdreg $0xFFFFFFFF  }
0xad: {  	[dreg:$0x0] =	wrdreg $0x60  }
0xae: {  	[dreg:$0x2] =	wrdreg s24  }
0xaf: {  	[dreg:$0x3] =	wrdreg s2  }
0xb0: {  	[dreg:$0x4] =	wrdreg $0x46800  }
0xb1: {  	[dreg:$0x5] =	wrdreg $0x9  }
0xb2: {  	_ =	task.clear_ibuf [dreg:s7], $0x6FFFF;
	_ =	strace $0x90000046  }
0xb3: {  	s29 =	simm.s32 $0x9;
	_ =	strace $0x80000048  }
0xb4: {  	_ =	swait.ge [sflag:s29], $0x1  }
0xb5: {  	[sflag:s29] =	ssyncadd.s32 $0xFFFFFFFF  }
0xb6: {  	_ =	strace $0x90000048  }
0xb7: {  	_ =	sfence  }
0xb8: {  	s30 =	sld [smem:$0x0];
	_ =	sdelay $0x2  }
0xb9: {  	s31 =	sshll.u32 s1, $0xD;
	s1 =	sshrl.u32 s1, $0x2  }
0xba: {  	s3 =	sand.u32 $0x4000, s31;
	s1 =	sadd.s32 s1, s30  }
0xbb: {  	s0 =	sor.u32 s3, s0;
	s1 =	sshll.u32 s1, $0x11  }
0xbc: {  	s0 =	sor.u32 s1, s0  }
0xbd: {  	s0 =	sadd.s32 $0x8F2B, s0  }
0xbe: {  	[sflag:s0] =	ssyncadd.remote.s32 $0x1  }
0xbf: {  	_ =	sfence.sel $0xFFFF  }
0xc0: {  	[dreg:$0x0] =	wrdreg $0xFFFFFFFF;
	(pc) =	sbr.abs _section_cstart, $3  }
0xc1: {  	[dreg:$0x1] =	wrdreg $0xFFFFFFFF  }
0xc2: {  	_ =	task.clear_ibuf [dreg:s7], $0x2FFFF;
	_ =	strace $0x9FFFFFFF  }
0xc3: {  	(tm) =	ssettm $0x7FFFFFFF  }
tec
execute0_lowered:
.L_overlay_start_1:
0x0: {  	(tag) =	ssettag $0x1  }
0x1: {  	s3 =	rddreg [dreg:$0x0]  }
0x2: {  	s0 =	rddreg [dreg:$0x1]  }
0x3: {  	s1 =	rddreg [dreg:$0x2]  }
0x4: {  	s2 =	simm.s32 $0x0;
	s6 =	srdreg.scid;
	s25 =	stileid.u32  }
0x5: {  	s28 =	simm.s32 $0x1;
	s29 =	simm.s32 $0x100;
	s30 =	simm.s32 $0x180  }
0x6: {  	s31 =	simm.s32 $0x8;
	[smem:$0x7FF] =	sst s2;
	s4 =	sadd.s32 $0xEE00, s3  }
0x7: {  	s5 =	sadd.s32 $0x9E00, s3;
	s11 =	sadd.s32 $0x4E00, s3;
	s10 =	sand.u32 $0x1, s6  }
0x8: {  	s8 =	sadd.s32 $0x36E00, s3;
	s7 =	smul.u32 $0x50000, s25;
	s3 =	sadd.s32 $0x37600, s3  }
0x9: {  	s12 =	smul.u32 $0x14000, s25;
	s24 =	sshll.u32 s25, $0x7;
	_ =	strace $0x80000047  }
0xa: {  	[dreg:$0x4] =	wrdreg s8;
	s9 =	ssub.s32 $0x2, s10;
	s18 =	smul.u32 $0x140000, s10  }
0xb: {  	s13 =	sshll.u32 s10, $0x4;
	s26 =	smul.u32 $0x13880, s10;
	s8 =	sshrl.u32 s9, $0x1  }
0xc: {  	s7 =	sshrl.u32 s7, $0x2;
	s13 =	sor.u32 s25, s13;
	s14 =	sadd.s32 $0x4000, s12  }
0xd: {  	s15 =	sadd.s32 $0x8000, s12;
	s17 =	sadd.s32 $0xC000, s12;
	s19 =	sadd.s32 $0x10000, s12  }
0xe: {  	s20 =	ssub.s32 s9, s8;
	s6 =	sadd.s32 s7, s1;
	s7 =	sadd.s32 s14, s1  }
0xf: {  	s16 =	smul.u32 $0x1388, s13;
	s8 =	sadd.s32 s15, s1;
	s9 =	sadd.s32 s17, s1  }
0x10: {  	s22 =	sadd.s32 s12, s18;
	s23 =	sadd.s32 s18, s14;
	s14 =	sshrl.u32 s13, $0x3  }
0x11: {  	s15 =	sadd.s32 s18, s15;
	s17 =	sadd.s32 s18, s17;
	s13 =	sand.u32 $0x380, s24  }
0x12: {  	s18 =	sadd.s32 s18, s19;
	s10 =	sadd.s32 s19, s1;
	s12 =	smul.u32 $0x14000, s14  }
0x13: {  	s19 =	sshrl.u32 s22, $0x3;
	s22 =	sshrl.u32 s23, $0x3;
	s23 =	sshrl.u32 s15, $0x3  }
0x14: {  	s17 =	sshrl.u32 s17, $0x3;
	s18 =	sshrl.u32 s18, $0x3;
	s20 =	smax.u32 s20, $0x1  }
0x15: {  	s21 =	sshrl.u32 s16, $0x3;
	s16 =	sadd.s32 $0x1378, s16;
	s15 =	sadd.s32 s3, s22  }
0x16: {  	s17 =	sadd.s32 s3, s17;
	s18 =	sadd.s32 s3, s18;
	s24 =	sor.u32 s13, s12  }
0x17: {  	s13 =	smul.u32 $0x1388, s25;
	s25 =	sadd.s32 $0x270, s21;
	s16 =	sshrl.u32 s16, $0x3  }
0x18: {  	s14 =	sadd.s32 s5, s25;
	s12 =	sadd.s32 s11, s25;
	s25 =	sshrl.u32 s24, $0x3  }
0x19: {  	s24 =	simm.s32 $0x2;
	s26 =	sadd.s32 s13, s26;
	[dreg:$0x5] =	wrdreg s14  }
0x1a: {  	s13 =	sadd.s32 s11, s16;
	s14 =	sadd.s32 s3, s19;
	s16 =	sadd.s32 s3, s23  }
0x1b: {  	s19 =	sadd.s32 s0, s25;
	s23 =	simm.s32 $0x280;
	s25 =	simm.s32 $0x80  }
0x1c: {  	s0 =	simm.s32 $0x4280;
	s3 =	simm.s32 $0x0;
	s26 =	sshrl.u32 s26, $0x3  }
0x1d: {  	v0 =	vimm.f32 $0.0e+00;
	v1 =	vimm.f32 $1.000000000e+00;
	vm0 =	vcmask $0x3F20;
	s21 =	sadd.s32 s26, s11;
	s22 =	sadd.s32 s26, s5;
	s26 =	simm.s32 $0x18680  }
.LBB2_1:
0x1e: {  	s5 =	rddreg [dreg:$0x4]  }
0x1f: {  	[tilespmem:s23], [sflag:$0x2] =	stream.linear.gather [hbm4b:s5+s2], $0x4000, $0x38;
	[tilespmem:$0x1AE80] =	vst v63  }
0x20: {  	_ =	swait.ge [sflag:s24], $0x4000  }
0x21: {  	[sflag:s24] =	ssyncset.done $0x0  }
0x22: {  	[sflag:s24] =	ssyncadd.s32 $0xFFFFC000  }
0x23: {  	[spmem:s6] =	stream.linear.scatter [tilespmem:s23], [sflag:$0x2], $0x4000, $0x38;
	[tilespmem:$0x1AE80] =	vst v63  }
0x24: {  	_ =	swait.ge [sflag:s24], $0x4000  }
0x25: {  	[sflag:s24] =	ssyncset.done $0x0  }
0x26: {  	[sflag:s24] =	ssyncadd.s32 $0xFFFFC000  }
0x27: {  	[spmem:s7] =	stream.linear.scatter [tilespmem:s23], [sflag:$0x2], $0x4000, $0x38;
	[tilespmem:$0x1AE80] =	vst v63  }
0x28: {  	_ =	swait.ge [sflag:s24], $0x4000  }
0x29: {  	[sflag:s24] =	ssyncset.done $0x0  }
0x2a: {  	[sflag:s24] =	ssyncadd.s32 $0xFFFFC000  }
0x2b: {  	[spmem:s8] =	stream.linear.scatter [tilespmem:s23], [sflag:$0x2], $0x4000, $0x38;
	[tilespmem:$0x1AE80] =	vst v63  }
0x2c: {  	_ =	swait.ge [sflag:s24], $0x4000  }
0x2d: {  	[sflag:s24] =	ssyncset.done $0x0  }
0x2e: {  	[sflag:s24] =	ssyncadd.s32 $0xFFFFC000  }
0x2f: {  	[spmem:s9] =	stream.linear.scatter [tilespmem:s23], [sflag:$0x2], $0x4000, $0x38;
	[tilespmem:$0x1AE80] =	vst v63  }
0x30: {  	_ =	swait.ge [sflag:s24], $0x4000  }
0x31: {  	[sflag:s24] =	ssyncset.done $0x0  }
0x32: {  	[sflag:s24] =	ssyncadd.s32 $0xFFFFC000  }
0x33: {  	[spmem:s10] =	stream.linear.scatter [tilespmem:s23], [sflag:$0x2], $0x4000, $0x38;
	[tilespmem:$0x1AE80] =	vst v63  }
0x34: {  	_ =	swait.ge [sflag:s24], $0x4000  }
0x35: {  	[sflag:s24] =	ssyncset.done $0x0  }
0x36: {  	s11 =	simm.s32 $0x0;
	s5 =	simm.s32 $0x40;
	[sflag:s24] =	ssyncadd.s32 $0xFFFFC000  }
.LBB2_2:
0x37: {  	p0 =	sne.s32 s5, $0x9FC0;
	[tilespmem:s11+$0x18680] =	vst v0;
	s11 =	smov.u32 s5;
	s5 =	sadd.s32 $0x40, s5  }
.Ltmp0:
0x38: {  	(pc) =	sbr.rel @p0 .LBB2_2-.Ltmp0, $2  }
0x39: {  	_ =	sdelay $0x2  }
0x3a: {  	s11 =	sshra.s32 s11, $0x2  }
0x3b: {  	[tilespmem:s11+$0x18680] =	vst v0  }
0x3c: {  	s5 =	simm.s32 $0x0;
	[bflag:$0x0] =	sbarrier.arrive $0xFFFF  }
.LBB2_4:
0x3d: {  	s11 =	sadd.s32 s5, s22  }
0x3e: {  	[tilespmem:s2], [sflag:$0x2] =	stream.linear.gather [hbm4b:s11+s2], $0x80, $0x38;
	[tilespmem:$0x1AE80] =	vst v63  }
0x3f: {  	_ =	swait.ge [sflag:s24], $0x80  }
0x40: {  	[sflag:s24] =	ssyncset.done $0x0  }
0x41: {  	s11 =	sadd.s32 s5, s21;
	[sflag:s24] =	ssyncadd.s32 $0xFFFFFF80  }
0x42: {  	[tilespmem:s25], [sflag:$0x2] =	stream.linear.gather [hbm4b:s11+s2], $0x80, $0x38;
	[tilespmem:$0x1AE80] =	vst v63  }
0x43: {  	_ =	swait.ge [sflag:s24], $0x80  }
0x44: {  	[sflag:s24] =	ssyncset.done $0x0  }
0x45: {  	[sflag:s24] =	ssyncadd.s32 $0xFFFFFF80  }
0x46: {  	[tilespmem:s23], [sflag:$0x1] =	stream.indirect.gather [hbm4b:s4+s25], $0x80, s2, s25, $0xb8;
	[tilespmem:$0x1AE80] =	vst v63  }
0x47: {  	v2 =	vld [tilespmem:$0x80];
	_ =	sdelay $0x7  }
0x48: {  	[tilespmem:v2+s26+$0x0] =	vst.idx.add.f32.msk $0xffff, v1  }
0x49: {  	v2 =	vld [tilespmem:$0x90];
	_ =	sdelay $0x7  }
0x4a: {  	[tilespmem:v2+s26+$0x0] =	vst.idx.add.f32.msk $0xffff, v1  }
0x4b: {  	v2 =	vld [tilespmem:$0xA0];
	_ =	sdelay $0x7  }
0x4c: {  	[tilespmem:v2+s26+$0x0] =	vst.idx.add.f32.msk $0xffff, v1  }
0x4d: {  	v2 =	vld [tilespmem:$0xB0];
	_ =	sdelay $0x7  }
0x4e: {  	[tilespmem:v2+s26+$0x0] =	vst.idx.add.f32.msk $0xffff, v1  }
0x4f: {  	v2 =	vld [tilespmem:$0xC0];
	_ =	sdelay $0x7  }
0x50: {  	[tilespmem:v2+s26+$0x0] =	vst.idx.add.f32.msk $0xffff, v1  }
0x51: {  	v2 =	vld [tilespmem:$0xD0];
	_ =	sdelay $0x7  }
0x52: {  	[tilespmem:v2+s26+$0x0] =	vst.idx.add.f32.msk $0xffff, v1  }
0x53: {  	v2 =	vld [tilespmem:$0xE0];
	_ =	sdelay $0x7  }
0x54: {  	[tilespmem:v2+s26+$0x0] =	vst.idx.add.f32.msk $0xffff, v1  }
0x55: {  	v2 =	vld [tilespmem:$0xF0];
	_ =	sdelay $0x7  }
0x56: {  	[tilespmem:v2+s26+$0x0] =	vst.idx.add.f32.msk $0xffff, v1  }
0x57: {  	_ =	swait.ge [sflag:s28], $0x4000  }
0x58: {  	p0 =	sne.s32 s5, $0x260;
	[sflag:s28] =	ssyncset.done $0x0  }
.Ltmp1:
0x59: {  	[sflag:s28] =	ssyncadd.s32 $0xFFFFC000;
	(pc) =	sbr.rel @p0 .LBB2_4-.Ltmp1, $4  }
0x5a: {  	[spmem:s1] =	stream.indirect.scatter.add.f32 [tilespmem:s23], [sflag:$0x2], $0x80, s25, s25, $0xb8;
	[tilespmem:$0x1AE80] =	vst v63  }
0x5b: {  	_ =	swait.ge [sflag:s24], $0x4000  }
0x5c: {  	[sflag:s24] =	ssyncset.done $0x0  }
0x5d: {  	s5 =	sadd.s32 $0x10, s5;
	[sflag:s24] =	ssyncadd.s32 $0xFFFFC000  }
0x5e: {  	s5 =	rddreg [dreg:$0x5]  }
0x5f: {  	[tilespmem:s29], [sflag:$0x2] =	stream.linear.gather [hbm4b:s5+s2], $0x8, $0x38;
	[tilespmem:$0x1AE80] =	vst v63  }
0x60: {  	_ =	swait.ge [sflag:s24], $0x8  }
0x61: {  	[sflag:s24] =	ssyncset.done $0x0  }
0x62: {  	[sflag:s24] =	ssyncadd.s32 $0xFFFFFFF8  }
0x63: {  	[tilespmem:s30], [sflag:$0x2] =	stream.linear.gather [hbm4b:s12+s2], $0x8, $0x38;
	[tilespmem:$0x1AE80] =	vst v63  }
0x64: {  	_ =	swait.ge [sflag:s24], $0x8  }
0x65: {  	[sflag:s24] =	ssyncset.done $0x0  }
0x66: {  	[sflag:s24] =	ssyncadd.s32 $0xFFFFFFF8  }
0x67: {  	[tilespmem:s0], [sflag:$0x1] =	stream.indirect.gather [hbm4b:s4+s31], $0x80, s29, s31, $0xb8;
	[tilespmem:$0x1AE80] =	vst v63  }
0x68: {  	s11 =	simm.s32 $0x200  }
0x69: {  	[tilespmem:s11], [sflag:$0x2] =	stream.linear.gather [hbm4b:s13+s2], $0x10, $0x38;
	[tilespmem:$0x1AE80] =	vst v63  }
0x6a: {  	_ =	swait.ge [sflag:s24], $0x10  }
0x6b: {  	[sflag:s24] =	ssyncset.done $0x0  }
0x6c: {  	[sflag:s24] =	ssyncadd.s32 $0xFFFFFFF0  }
0x6d: {  	v2 =	vld [tilespmem:$0x200];
	_ =	sdelay $0x7  }
0x6e: {  	[tilespmem:v2+s26+$0x0] =	vst.idx.add.f32.msk vm0, v1  }
0x6f: {  	_ =	swait.ge [sflag:s28], $0x400  }
0x70: {  	[sflag:s28] =	ssyncset.done $0x0  }
0x71: {  	[sflag:s28] =	ssyncadd.s32 $0xFFFFFC00  }
0x72: {  	[spmem:s1] =	stream.indirect.scatter.add.f32 [tilespmem:s0], [sflag:$0x2], $0x80, s30, s31, $0xb8;
	[tilespmem:$0x1AE80] =	vst v63  }
0x73: {  	_ =	swait.ge [sflag:s24], $0x400  }
0x74: {  	[sflag:s24] =	ssyncset.done $0x0  }
0x75: {  	[sflag:s24] =	ssyncadd.s32 $0xFFFFFC00  }
0x76: {  	[bflag:$0x0] =	sbarrier.arrive $0xFFFF  }
0x77: {  	[tilespmem:s23], [sflag:$0x2] =	stream.linear.gather [spmem:s6], $0x4000, $0x38;
	[tilespmem:$0x1AE80] =	vst v63  }
0x78: {  	_ =	swait.ge [sflag:s24], $0x4000  }
0x79: {  	[sflag:s24] =	ssyncset.done $0x0  }
0x7a: {  	[sflag:s24] =	ssyncadd.s32 $0xFFFFC000  }
0x7b: {  	[hbm4b:s14+s2] =	stream.linear.scatter [tilespmem:s23], [sflag:$0x2], $0x4000, $0x38;
	[tilespmem:$0x1AE80] =	vst v63  }
0x7c: {  	_ =	swait.ge [sflag:s24], $0x4000  }
0x7d: {  	[sflag:s24] =	ssyncset.done $0x0  }
0x7e: {  	[sflag:s24] =	ssyncadd.s32 $0xFFFFC000  }
0x7f: {  	[tilespmem:s23], [sflag:$0x2] =	stream.linear.gather [spmem:s7], $0x4000, $0x38;
	[tilespmem:$0x1AE80] =	vst v63  }
0x80: {  	_ =	swait.ge [sflag:s24], $0x4000  }
0x81: {  	[sflag:s24] =	ssyncset.done $0x0  }
0x82: {  	[sflag:s24] =	ssyncadd.s32 $0xFFFFC000  }
0x83: {  	[hbm4b:s15+s2] =	stream.linear.scatter [tilespmem:s23], [sflag:$0x2], $0x4000, $0x38;
	[tilespmem:$0x1AE80] =	vst v63  }
0x84: {  	_ =	swait.ge [sflag:s24], $0x4000  }
0x85: {  	[sflag:s24] =	ssyncset.done $0x0  }
0x86: {  	[sflag:s24] =	ssyncadd.s32 $0xFFFFC000  }
0x87: {  	[tilespmem:s23], [sflag:$0x2] =	stream.linear.gather [spmem:s8], $0x4000, $0x38;
	[tilespmem:$0x1AE80] =	vst v63  }
0x88: {  	_ =	swait.ge [sflag:s24], $0x4000  }
0x89: {  	[sflag:s24] =	ssyncset.done $0x0  }
0x8a: {  	[sflag:s24] =	ssyncadd.s32 $0xFFFFC000  }
0x8b: {  	[hbm4b:s16+s2] =	stream.linear.scatter [tilespmem:s23], [sflag:$0x2], $0x4000, $0x38;
	[tilespmem:$0x1AE80] =	vst v63  }
0x8c: {  	_ =	swait.ge [sflag:s24], $0x4000  }
0x8d: {  	[sflag:s24] =	ssyncset.done $0x0  }
0x8e: {  	[sflag:s24] =	ssyncadd.s32 $0xFFFFC000  }
0x8f: {  	[tilespmem:s23], [sflag:$0x2] =	stream.linear.gather [spmem:s9], $0x4000, $0x38;
	[tilespmem:$0x1AE80] =	vst v63  }
0x90: {  	_ =	swait.ge [sflag:s24], $0x4000  }
0x91: {  	[sflag:s24] =	ssyncset.done $0x0  }
0x92: {  	[sflag:s24] =	ssyncadd.s32 $0xFFFFC000  }
0x93: {  	[hbm4b:s17+s2] =	stream.linear.scatter [tilespmem:s23], [sflag:$0x2], $0x4000, $0x38;
	[tilespmem:$0x1AE80] =	vst v63  }
0x94: {  	_ =	swait.ge [sflag:s24], $0x4000  }
0x95: {  	[sflag:s24] =	ssyncset.done $0x0  }
0x96: {  	[sflag:s24] =	ssyncadd.s32 $0xFFFFC000  }
0x97: {  	[tilespmem:s23], [sflag:$0x2] =	stream.linear.gather [spmem:s10], $0x4000, $0x38;
	[tilespmem:$0x1AE80] =	vst v63  }
0x98: {  	_ =	swait.ge [sflag:s24], $0x4000  }
0x99: {  	[sflag:s24] =	ssyncset.done $0x0  }
0x9a: {  	[sflag:s24] =	ssyncadd.s32 $0xFFFFC000  }
0x9b: {  	[hbm4b:s18+s2] =	stream.linear.scatter [tilespmem:s23], [sflag:$0x2], $0x4000, $0x38;
	[tilespmem:$0x1AE80] =	vst v63  }
0x9c: {  	s3 =	sadd.s32 $0x1, s3;
	_ =	swait.ge [sflag:s24], $0x4000  }
0x9d: {  	p0 =	sne.s32 s3, s20;
	[sflag:s24] =	ssyncset.done $0x0  }
.Ltmp2:
0x9e: {  	s11 =	simm.s32 $0x400;
	[sflag:s24] =	ssyncadd.s32 $0xFFFFC000;
	(pc) =	sbr.rel @p0 .LBB2_1-.Ltmp2, $4  }
0x9f: {  	[hbm4b:s19+s25] =	stream.strided.scatter [tilespmem:s26], [sflag:$0x2], $0x2800, s11, s25, $0x38;
	[tilespmem:$0x1AE80] =	vst v63  }
0xa0: {  	_ =	swait.ge [sflag:s24], $0x2800  }
0xa1: {  	[sflag:s24] =	ssyncset.done $0x0  }
0xa2: {  	[sflag:s24] =	ssyncadd.s32 $0xFFFFD800  }
0xa3: {  	_ =	sfence.sel $0x180000  }
0xa4: {  	[bflag:$0x0] =	sbarrier.arrive $0xFFFF  }
0xa5: {  	_ =	strace $0x90000047  }
0xa6: {  	s0 =	stileid.u32;
	[bflag:$0x2] =	sbarrier.arrive $0xFFFF  }
0xa7: {  	p0 =	sne.s32 s0, $0x0;
	s0 =	rddreg [dreg:$0x3]  }
0xa8: {  	s0 =	sadd.s32 @!p0 $0x100000, s0  }
0xa9: {  	[sflag:s0] =	ssyncadd.tile.s32 @!p0 $0x1;
	_ =	shalt  }
.Lfunc_end2:
_tile_overlayer_lowered:
.L_overlay_start_2:
0xaa: {  	(tag) =	ssettag $0x2  }
0xab: {  	s0 =	rddreg [dreg:$0x0];
	s2 =	stileid.u32  }
0xac: {  	s1 =	rddreg [dreg:$0x1];
	p0 =	sne.s32 s2, $0x0  }
0xad: {  	s3 =	rddreg [dreg:$0x2];
	[bflag:$0x3] =	sbarrier.arrive $0xFFFF;
	s2 =	simm.s32 @!p0 $0x1C02  }
0xae: {  	[timem:s3], [sflag:s2] =	dma.local @!p0 [hbm:s0], s1  }
0xaf: {  	s0 =	simm.s32 @!p0 $0x2  }
0xb0: {  	_ =	swait.ge @!p0 [sflag:s0], s1  }
0xb1: {  	s1 =	ssub.s32 @!p0 $0x0, s1;
	[sflag:s0] =	ssyncset.done @!p0 $0x0  }
0xb2: {  	[sflag:s0] =	ssyncadd.s32 @!p0 s1  }
0xb3: {  	[bflag:$0x3] =	sbarrier.arrive $0xFFFF  }
0xb4: {  	_ =	shalt  }

</sc_bundles>
